<compile_context>
chip_gen: v7x
topology: tpu7x:2x2x1
jax: 0.10.2.dev20260603
libtpu: 0.0.44.dev20260713+nightly
codegen_flags: <defaults>
</compile_context>

<pallas_src>
import functools

import jax
import jax.numpy as jnp
from jax import lax
from jax.experimental import pallas as pl
from jax.experimental.pallas import tpu as pltpu
from jax.experimental.pallas import tpu_sc as plsc

_PRIMES = (31, 43, 59, 61, 73, 97, 103, 113)
NH = 8
NBUC = 16384
D = 768
SH = 96
LN_EPS = 1e-12
L = 16
NC, NS = 2, 16
NW = NC * NS
C = 32
RPT = D // 128



def _make_sc_body(n_tok):
    tpw = n_tok // NW
    nchunks = tpw // C

    def body(ids_hbm, tbl_hbm, out_hbm, ids_v, idx_v, gbuf,
             sem_g0, sem_g1, sem_o0, sem_o1):
        cid = lax.axis_index("c")
        sid = lax.axis_index("s")
        wid = sid * NC + cid
        tok0 = wid * tpw
        sem_g = (sem_g0, sem_g1)
        sem_o = (sem_o0, sem_o1)

        pltpu.sync_copy(ids_hbm.at[pl.ds(tok0, tpw)], ids_v)

        def idx_ref(slot, i):
            return idx_v.at[pl.ds((slot * NH + i) * C, C)]

        def fire(ci, slot):
            base = ci * C

            def idx_body(j, c2):
                t1 = ids_v[pl.ds(base + j * L, L)] + 1
                for i in range(NH):
                    idx_v[pl.ds((slot * NH + i) * C + j * L, L)] = (
                        (t1 * _PRIMES[i]) & (NBUC - 1)) + i * NBUC
                return c2

            lax.fori_loop(0, C // L, idx_body, 0, unroll=True)
            for i in range(NH):
                pltpu.make_async_copy(
                    tbl_hbm.at[idx_ref(slot, i)],
                    gbuf.at[slot, pl.ds(i * C, C)], sem_g[slot]).start()

        def drain(slot):
            for i in range(NH):
                pltpu.make_async_copy(
                    tbl_hbm.at[idx_ref(slot, i)],
                    gbuf.at[slot, pl.ds(i * C, C)], sem_g[slot]).wait()

        def out_start(ci, slot):
            for i in range(NH):
                pltpu.make_async_copy(
                    gbuf.at[slot, pl.ds(i * C, C)],
                    out_hbm.at[pl.ds(tok0 + ci * C, C), pl.ds(i * SH, SH)],
                    sem_o[slot]).start()

        def out_wait(slot):
            for i in range(NH):
                pltpu.make_async_copy(
                    gbuf.at[slot, pl.ds(i * C, C)],
                    out_hbm.at[pl.ds(tok0, C), pl.ds(i * SH, SH)],
                    sem_o[slot]).wait()

        fire(0, 0)

        def pipe_body(i, carry):
            c1 = 2 * i + 1
            fire(c1, 1)
            drain(0)
            out_start(2 * i, 0)

            @pl.when(i < nchunks // 2 - 1)
            def _():
                out_wait(0)
                fire(c1 + 1, 0)

            drain(1)
            out_start(c1, 1)

            @pl.when(i < nchunks // 2 - 1)
            def _():
                out_wait(1)

            return carry

        lax.fori_loop(0, nchunks // 2, pipe_body, 0)
        out_wait(0)
        out_wait(1)

    return body


@functools.lru_cache(maxsize=None)
def _make_sc_call(n_tok):
    call = pl.kernel(
        _make_sc_body(n_tok),
        out_type=jax.ShapeDtypeStruct((n_tok, D), jnp.float32),
        mesh=plsc.VectorSubcoreMesh(
            core_axis_name="c", subcore_axis_name="s",
            num_cores=NC, num_subcores=NS),
        scratch_types=[
            pltpu.VMEM((n_tok // NW,), jnp.int32),
            pltpu.VMEM((2 * NH * C,), jnp.int32),
            pltpu.VMEM((2, NH * C, SH), jnp.float32),
        ] + [pltpu.SemaphoreType.DMA] * 4,
        compiler_params=pltpu.CompilerParams(use_tc_tiling_on_sc=False),
    )
    return jax.jit(call)



_TB = 2048
_KS = 2


def _post_body(g_ref, pos_ref, tt_ref, gam_ref, bet_ref, out_ref):
    x = jnp.concatenate(
        [g_ref[pl.Slice(j, _TB, RPT), :] for j in range(RPT)], axis=-1)
    x = x + pos_ref[...] + tt_ref[0][None, :]
    mean = jnp.mean(x, axis=-1, keepdims=True)
    var = jnp.mean(jnp.square(x - mean), axis=-1, keepdims=True)
    y = (x - mean) * lax.rsqrt(var + LN_EPS)
    out_ref[...] = y * gam_ref[0][None, :] + bet_ref[0][None, :]


def _post_body_acc(prev_ref, g_ref, pos_ref, tt_ref, gam_ref, bet_ref,
                   out_ref):
    del prev_ref
    _post_body(g_ref, pos_ref, tt_ref, gam_ref, bet_ref, out_ref)


@functools.lru_cache(maxsize=None)
def _make_post_call(n_tok, s_len, p, first):
    nb = n_tok // s_len
    pbs = s_len // _KS // _TB
    pb = s_len // _TB

    in_specs = [
        pl.BlockSpec((_TB * RPT, 128), lambda q, b: (b * pbs + q, 0)),
        pl.BlockSpec((_TB, D), lambda q, b: (p * pbs + q, 0)),
        pl.BlockSpec((1, D), lambda q, b: (0, 0)),
        pl.BlockSpec((1, D), lambda q, b: (0, 0)),
        pl.BlockSpec((1, D), lambda q, b: (0, 0)),
    ]
    body = _post_body
    aliases = {}
    if not first:
        in_specs = [pl.BlockSpec((8, D), lambda q, b: (0, 0))] + in_specs
        body = _post_body_acc
        aliases = {0: 0}

    return jax.jit(pl.pallas_call(
        body,
        grid=(pbs, nb),
        in_specs=in_specs,
        out_specs=pl.BlockSpec(
            (_TB, D), lambda q, b: (b * pb + p * pbs + q, 0)),
        out_shape=jax.ShapeDtypeStruct((n_tok, D), jnp.float32),
        input_output_aliases=aliases,
    ))


def kernel(text_t, mask, hash_tables, pos_table, tt_table, ln_gamma, ln_beta):
    del mask
    b, s = text_t.shape
    n_tok = b * s
    sl = s // _KS
    n_st = b * sl
    tpw = n_st // NW
    assert n_st % NW == 0 and tpw % (2 * C) == 0
    assert sl % _TB == 0
    tbl = hash_tables.reshape(NH * NBUC, SH)
    gam = ln_gamma.reshape(1, D)
    bet = ln_beta.reshape(1, D)
    tt = tt_table[:1]
    sc = _make_sc_call(n_st)
    g2 = []
    for p in range(_KS):
        ids_p = text_t[:, p * sl:(p + 1) * sl].reshape(n_st)
        g2.append(sc(ids_p, tbl).reshape(n_st * RPT, 128))
    out = _make_post_call(n_tok, s, 0, True)(g2[0], pos_table, tt, gam, bet)
    for p in range(1, _KS):
        out = _make_post_call(n_tok, s, p, False)(
            out, g2[p], pos_table, tt, gam, bet)
    return out.reshape(b, s, D)

# --- scband reference (transcript-rebuilt; emitter-appended) ---
"""Pipeline reference for scband-canine-embeddings-89910845374674 (READ-ONLY COPY).

The authoritative reference and input builder live on the scoring server;
editing this copy changes nothing except your own understanding.
"""

import jax, jax.numpy as jnp
import numpy as np

# CANINE char_embeddings (HF CanineEmbeddings) faithful reimplementation.
# Config for google/canine-c: hidden_size=768, num_hash_functions=8,
# num_hash_buckets=16384, max_position_embeddings=16384, type_vocab_size=16,
# layer_norm_eps=1e-12, position_embedding_type='absolute'.

_PRIMES = (31, 43, 59, 61, 73, 97, 103, 113)
NUM_HASHES = 8
NUM_BUCKETS = 16384
D_MODEL = 768
SHARD = D_MODEL // NUM_HASHES  # 96
MAX_POS = 16384
TYPE_VOCAB = 16
LN_EPS = 1e-12

B, S = 4, 8192


def setup_inputs(seed: int = 0) -> dict:
    key = jax.random.key(seed)
    k0, k1, k2, k3 = jax.random.split(key, 4)
    # Character codepoints (CANINE tokenizes text as unicode codepoints; special
    # end tokens live at 57344/57345, so sample in [0, 57344)).
    text_t = jax.random.randint(k0, (B, S), 0, 57344, dtype=jnp.int32)
    mask = jnp.ones((B, S), dtype=bool)  # unused by forward, kept for signature parity
    # Learned parameters (random init, matching HF initializer_range=0.02)
    hash_tables = jax.random.normal(k1, (NUM_HASHES, NUM_BUCKETS, SHARD), dtype=jnp.float32) * 0.02
    pos_table = jax.random.normal(k2, (MAX_POS, D_MODEL), dtype=jnp.float32) * 0.02
    tt_table = jax.random.normal(k3, (TYPE_VOCAB, D_MODEL), dtype=jnp.float32) * 0.02
    ln_gamma = jnp.ones((D_MODEL,), dtype=jnp.float32)
    ln_beta = jnp.zeros((D_MODEL,), dtype=jnp.float32)
    return {
        "text_t": text_t,
        "mask": mask,
        "hash_tables": hash_tables,
        "pos_table": pos_table,
        "tt_table": tt_table,
        "ln_gamma": ln_gamma,
        "ln_beta": ln_beta,
    }


def _embed_hash_buckets(text_t, hash_tables):
    # HF CanineEmbeddings._hash_bucket_tensors + per-shard embedding lookups
    pieces = []
    for i in range(NUM_HASHES):
        bucket_ids = ((text_t + 1) * _PRIMES[i]) % NUM_BUCKETS
        pieces.append(jnp.take(hash_tables[i], bucket_ids, axis=0))  # [B, S, 96]
    return jnp.concatenate(pieces, axis=-1)  # [B, S, 768]


def _layer_norm(x, gamma, beta):
    mean = jnp.mean(x, axis=-1, keepdims=True)
    var = jnp.mean(jnp.square(x - mean), axis=-1, keepdims=True)
    return (x - mean) / jnp.sqrt(var + LN_EPS) * gamma + beta


def reference(text_t, mask, hash_tables, pos_table, tt_table, ln_gamma, ln_beta):
    del mask  # unused by CanineEmbeddings.forward (passed through only)
    seq_len = text_t.shape[1]
    inputs_embeds = _embed_hash_buckets(text_t, hash_tables)
    # token_type_ids default to zeros -> row 0 of token-type table
    token_type_embeddings = tt_table[0][None, None, :]
    embeddings = inputs_embeds + token_type_embeddings
    # absolute position embeddings
    position_embeddings = pos_table[:seq_len][None, :, :]
    embeddings = embeddings + position_embeddings
    # LayerNorm (dropout is identity in eval); bottleneck=False so no proj
    h = _layer_norm(embeddings, ln_gamma, ln_beta)
    return h

if __name__ == "__main__":
    import jax
    _d = setup_inputs()
    print(jax.jit(kernel)(*tuple(_d.values())))

</pallas_src>

<mosaic_0001>
#map = affine_map<(d0, d1) -> (0)>
#map1 = affine_map<(d0, d1) -> (0, 0)>
module attributes {stable_mosaic.version = 14 : i64} {
  func.func @body(%arg0: i32, %arg1: i32, %arg2: memref<16384xi32, #tpu.memory_space<hbm>>, %arg3: memref<131072x96xf32, #tpu.memory_space<hbm>>, %arg4: memref<16384x768xf32, #tpu.memory_space<hbm>>, %arg5: memref<512xi32, #tpu.memory_space<vmem>>, %arg6: memref<512xi32, #tpu.memory_space<vmem>>, %arg7: memref<2x256x96xf32, #tpu.memory_space<vmem>>, %arg8: memref<!tpu.dma_semaphore, #tpu.memory_space<semaphore_mem>>, %arg9: memref<!tpu.dma_semaphore, #tpu.memory_space<semaphore_mem>>, %arg10: memref<!tpu.dma_semaphore, #tpu.memory_space<semaphore_mem>>, %arg11: memref<!tpu.dma_semaphore, #tpu.memory_space<semaphore_mem>>) attributes {dimension_semantics = [#tpu.dimension_semantics<core_parallel>, #tpu.dimension_semantics<subcore_parallel>], iteration_bounds = array<i64: 2, 16>, scalar_prefetch = 0 : i64, scratch_operands = 7 : i64, tpu.core_type = #tpu.core_type<sc_vector_subcore>, window_params = [{transform_indices = #map}, {transform_indices = #map1}, {transform_indices = #map1}]} {
    %mul3A = arith.constant 2 : i32
    %mul3A_0 = arith.muli %arg1, %mul3A : i32
    %add3A = arith.addi %mul3A_0, %arg0 : i32
    %mul3A_1 = arith.constant 512 : i32
    %mul3A_2 = arith.muli %add3A, %mul3A_1 : i32
    "tpu.region"() ({
      %run_scoped3A = tpu.sem_alloc : memref<!tpu.dma_semaphore, #tpu.memory_space<semaphore_mem>>
      %dma_start3A_587 = tpu.memref_slice %arg2[%mul3A_2] : memref<16384xi32, #tpu.memory_space<hbm>> -> memref<512xi32, #tpu.memory_space<hbm>>
      %dma_start3A_588 = tpu.memref_slice %arg2[%mul3A_2] : memref<16384xi32, #tpu.memory_space<hbm>> -> memref<512xi32, #tpu.memory_space<hbm>>
      tpu.enqueue_dma source(%dma_start3A_588 : memref<512xi32, #tpu.memory_space<hbm>>) target(%arg5 : memref<512xi32, #tpu.memory_space<vmem>>) target_semaphore(%run_scoped3A : memref<!tpu.dma_semaphore, #tpu.memory_space<semaphore_mem>>)
      %dma_wait3A_589 = tpu.memref_slice %arg2[%mul3A_2] : memref<16384xi32, #tpu.memory_space<hbm>> -> memref<512xi32, #tpu.memory_space<hbm>>
      %dma_wait3A_590 = tpu.memref_slice %arg2[%mul3A_2] : memref<16384xi32, #tpu.memory_space<hbm>> -> memref<512xi32, #tpu.memory_space<hbm>>
      tpu.wait_dma2 semaphore(%run_scoped3A : memref<!tpu.dma_semaphore, #tpu.memory_space<semaphore_mem>>) src(%dma_wait3A_590 : memref<512xi32, #tpu.memory_space<hbm>>) dst(%arg5 : memref<512xi32, #tpu.memory_space<vmem>>)
      tpu.yield
    }) : () -> ()
    %scan3A = arith.constant 0 : i32
    %scan3A_3 = arith.constant 0 : i32
    %mul3A_4 = arith.constant 16 : i32
    %mul3A_5 = arith.muli %scan3A_3, %mul3A_4 : i32
    %add3A_6 = arith.constant 0 : i32
    %add3A_7 = arith.addi %add3A_6, %mul3A_5 : i32
    %get3A = arith.index_cast %add3A_7 : i32 to index
    %get3A_8 = tpu.vector_load %arg5[%get3A] {strides = array<i32>} : memref<512xi32, #tpu.memory_space<vmem>>, vector<16xi32>,
    %get3A_9 = vector.shape_cast %get3A_8 : vector<16xi32> to vector<16xi32>
    %add3A_10 = arith.constant 1 : i32
    %add3A_11 = vector.broadcast %add3A_10 : i32 to vector<16xi32>
    %add3A_12 = arith.addi %get3A_9, %add3A_11 : vector<16xi32>
    %mul3A_13 = arith.constant 31 : i32
    %mul3A_14 = vector.broadcast %mul3A_13 : i32 to vector<16xi32>
    %mul3A_15 = arith.muli %add3A_12, %mul3A_14 : vector<16xi32>
    %and3A = arith.constant 16383 : i32
    %and3A_16 = vector.broadcast %and3A : i32 to vector<16xi32>
    %and3A_17 = arith.andi %mul3A_15, %and3A_16 : vector<16xi32>
    %add3A_18 = arith.constant 0 : i32
    %add3A_19 = vector.broadcast %add3A_18 : i32 to vector<16xi32>
    %add3A_20 = arith.addi %and3A_17, %add3A_19 : vector<16xi32>
    %mul3A_21 = arith.constant 16 : i32
    %mul3A_22 = arith.muli %scan3A_3, %mul3A_21 : i32
    %add3A_23 = arith.constant 0 : i32
    %add3A_24 = arith.addi %add3A_23, %mul3A_22 : i32
    %swap3A = arith.index_cast %add3A_24 : i32 to index
    %swap3A_25 = tpu.vector_load %arg6[%swap3A] {strides = array<i32>} : memref<512xi32, #tpu.memory_space<vmem>>, vector<16xi32>,
    %swap3A_26 = vector.shape_cast %swap3A_25 : vector<16xi32> to vector<16xi32>
    %swap3A_27 = vector.shape_cast %add3A_20 : vector<16xi32> to vector<16xi32>
    tpu.vector_store %arg6[%swap3A], %swap3A_27 {strides = array<i32>} : memref<512xi32, #tpu.memory_space<vmem>>, vector<16xi32>,
    %mul3A_28 = arith.constant 43 : i32
    %mul3A_29 = vector.broadcast %mul3A_28 : i32 to vector<16xi32>
    %mul3A_30 = arith.muli %add3A_12, %mul3A_29 : vector<16xi32>
    %and3A_31 = arith.constant 16383 : i32
    %and3A_32 = vector.broadcast %and3A_31 : i32 to vector<16xi32>
    %and3A_33 = arith.andi %mul3A_30, %and3A_32 : vector<16xi32>
    %add3A_34 = arith.constant 16384 : i32
    %add3A_35 = vector.broadcast %add3A_34 : i32 to vector<16xi32>
    %add3A_36 = arith.addi %and3A_33, %add3A_35 : vector<16xi32>
    %mul3A_37 = arith.constant 16 : i32
    %mul3A_38 = arith.muli %scan3A_3, %mul3A_37 : i32
    %add3A_39 = arith.constant 32 : i32
    %add3A_40 = arith.addi %add3A_39, %mul3A_38 : i32
    %swap3A_41 = arith.index_cast %add3A_40 : i32 to index
    %swap3A_42 = tpu.vector_load %arg6[%swap3A_41] {strides = array<i32>} : memref<512xi32, #tpu.memory_space<vmem>>, vector<16xi32>,
    %swap3A_43 = vector.shape_cast %swap3A_42 : vector<16xi32> to vector<16xi32>
    %swap3A_44 = vector.shape_cast %add3A_36 : vector<16xi32> to vector<16xi32>
    tpu.vector_store %arg6[%swap3A_41], %swap3A_44 {strides = array<i32>} : memref<512xi32, #tpu.memory_space<vmem>>, vector<16xi32>,
    %mul3A_45 = arith.constant 59 : i32
    %mul3A_46 = vector.broadcast %mul3A_45 : i32 to vector<16xi32>
    %mul3A_47 = arith.muli %add3A_12, %mul3A_46 : vector<16xi32>
    %and3A_48 = arith.constant 16383 : i32
    %and3A_49 = vector.broadcast %and3A_48 : i32 to vector<16xi32>
    %and3A_50 = arith.andi %mul3A_47, %and3A_49 : vector<16xi32>
    %add3A_51 = arith.constant 32768 : i32
    %add3A_52 = vector.broadcast %add3A_51 : i32 to vector<16xi32>
    %add3A_53 = arith.addi %and3A_50, %add3A_52 : vector<16xi32>
    %mul3A_54 = arith.constant 16 : i32
    %mul3A_55 = arith.muli %scan3A_3, %mul3A_54 : i32
    %add3A_56 = arith.constant 64 : i32
    %add3A_57 = arith.addi %add3A_56, %mul3A_55 : i32
    %swap3A_58 = arith.index_cast %add3A_57 : i32 to index
    %swap3A_59 = tpu.vector_load %arg6[%swap3A_58] {strides = array<i32>} : memref<512xi32, #tpu.memory_space<vmem>>, vector<16xi32>,
    %swap3A_60 = vector.shape_cast %swap3A_59 : vector<16xi32> to vector<16xi32>
    %swap3A_61 = vector.shape_cast %add3A_53 : vector<16xi32> to vector<16xi32>
    tpu.vector_store %arg6[%swap3A_58], %swap3A_61 {strides = array<i32>} : memref<512xi32, #tpu.memory_space<vmem>>, vector<16xi32>,
    %mul3A_62 = arith.constant 61 : i32
    %mul3A_63 = vector.broadcast %mul3A_62 : i32 to vector<16xi32>
    %mul3A_64 = arith.muli %add3A_12, %mul3A_63 : vector<16xi32>
    %and3A_65 = arith.constant 16383 : i32
    %and3A_66 = vector.broadcast %and3A_65 : i32 to vector<16xi32>
    %and3A_67 = arith.andi %mul3A_64, %and3A_66 : vector<16xi32>
    %add3A_68 = arith.constant 49152 : i32
    %add3A_69 = vector.broadcast %add3A_68 : i32 to vector<16xi32>
    %add3A_70 = arith.addi %and3A_67, %add3A_69 : vector<16xi32>
    %mul3A_71 = arith.constant 16 : i32
    %mul3A_72 = arith.muli %scan3A_3, %mul3A_71 : i32
    %add3A_73 = arith.constant 96 : i32
    %add3A_74 = arith.addi %add3A_73, %mul3A_72 : i32
    %swap3A_75 = arith.index_cast %add3A_74 : i32 to index
    %swap3A_76 = tpu.vector_load %arg6[%swap3A_75] {strides = array<i32>} : memref<512xi32, #tpu.memory_space<vmem>>, vector<16xi32>,
    %swap3A_77 = vector.shape_cast %swap3A_76 : vector<16xi32> to vector<16xi32>
    %swap3A_78 = vector.shape_cast %add3A_70 : vector<16xi32> to vector<16xi32>
    tpu.vector_store %arg6[%swap3A_75], %swap3A_78 {strides = array<i32>} : memref<512xi32, #tpu.memory_space<vmem>>, vector<16xi32>,
    %mul3A_79 = arith.constant 73 : i32
    %mul3A_80 = vector.broadcast %mul3A_79 : i32 to vector<16xi32>
    %mul3A_81 = arith.muli %add3A_12, %mul3A_80 : vector<16xi32>
    %and3A_82 = arith.constant 16383 : i32
    %and3A_83 = vector.broadcast %and3A_82 : i32 to vector<16xi32>
    %and3A_84 = arith.andi %mul3A_81, %and3A_83 : vector<16xi32>
    %add3A_85 = arith.constant 65536 : i32
    %add3A_86 = vector.broadcast %add3A_85 : i32 to vector<16xi32>
    %add3A_87 = arith.addi %and3A_84, %add3A_86 : vector<16xi32>
    %mul3A_88 = arith.constant 16 : i32
    %mul3A_89 = arith.muli %scan3A_3, %mul3A_88 : i32
    %add3A_90 = arith.constant 128 : i32
    %add3A_91 = arith.addi %add3A_90, %mul3A_89 : i32
    %swap3A_92 = arith.index_cast %add3A_91 : i32 to index
    %swap3A_93 = tpu.vector_load %arg6[%swap3A_92] {strides = array<i32>} : memref<512xi32, #tpu.memory_space<vmem>>, vector<16xi32>,
    %swap3A_94 = vector.shape_cast %swap3A_93 : vector<16xi32> to vector<16xi32>
    %swap3A_95 = vector.shape_cast %add3A_87 : vector<16xi32> to vector<16xi32>
    tpu.vector_store %arg6[%swap3A_92], %swap3A_95 {strides = array<i32>} : memref<512xi32, #tpu.memory_space<vmem>>, vector<16xi32>,
    %mul3A_96 = arith.constant 97 : i32
    %mul3A_97 = vector.broadcast %mul3A_96 : i32 to vector<16xi32>
    %mul3A_98 = arith.muli %add3A_12, %mul3A_97 : vector<16xi32>
    %and3A_99 = arith.constant 16383 : i32
    %and3A_100 = vector.broadcast %and3A_99 : i32 to vector<16xi32>
    %and3A_101 = arith.andi %mul3A_98, %and3A_100 : vector<16xi32>
    %add3A_102 = arith.constant 81920 : i32
    %add3A_103 = vector.broadcast %add3A_102 : i32 to vector<16xi32>
    %add3A_104 = arith.addi %and3A_101, %add3A_103 : vector<16xi32>
    %mul3A_105 = arith.constant 16 : i32
    %mul3A_106 = arith.muli %scan3A_3, %mul3A_105 : i32
    %add3A_107 = arith.constant 160 : i32
    %add3A_108 = arith.addi %add3A_107, %mul3A_106 : i32
    %swap3A_109 = arith.index_cast %add3A_108 : i32 to index
    %swap3A_110 = tpu.vector_load %arg6[%swap3A_109] {strides = array<i32>} : memref<512xi32, #tpu.memory_space<vmem>>, vector<16xi32>,
    %swap3A_111 = vector.shape_cast %swap3A_110 : vector<16xi32> to vector<16xi32>
    %swap3A_112 = vector.shape_cast %add3A_104 : vector<16xi32> to vector<16xi32>
    tpu.vector_store %arg6[%swap3A_109], %swap3A_112 {strides = array<i32>} : memref<512xi32, #tpu.memory_space<vmem>>, vector<16xi32>,
    %mul3A_113 = arith.constant 103 : i32
    %mul3A_114 = vector.broadcast %mul3A_113 : i32 to vector<16xi32>
    %mul3A_115 = arith.muli %add3A_12, %mul3A_114 : vector<16xi32>
    %and3A_116 = arith.constant 16383 : i32
    %and3A_117 = vector.broadcast %and3A_116 : i32 to vector<16xi32>
    %and3A_118 = arith.andi %mul3A_115, %and3A_117 : vector<16xi32>
    %add3A_119 = arith.constant 98304 : i32
    %add3A_120 = vector.broadcast %add3A_119 : i32 to vector<16xi32>
    %add3A_121 = arith.addi %and3A_118, %add3A_120 : vector<16xi32>
    %mul3A_122 = arith.constant 16 : i32
    %mul3A_123 = arith.muli %scan3A_3, %mul3A_122 : i32
    %add3A_124 = arith.constant 192 : i32
    %add3A_125 = arith.addi %add3A_124, %mul3A_123 : i32
    %swap3A_126 = arith.index_cast %add3A_125 : i32 to index
    %swap3A_127 = tpu.vector_load %arg6[%swap3A_126] {strides = array<i32>} : memref<512xi32, #tpu.memory_space<vmem>>, vector<16xi32>,
    %swap3A_128 = vector.shape_cast %swap3A_127 : vector<16xi32> to vector<16xi32>
    %swap3A_129 = vector.shape_cast %add3A_121 : vector<16xi32> to vector<16xi32>
    tpu.vector_store %arg6[%swap3A_126], %swap3A_129 {strides = array<i32>} : memref<512xi32, #tpu.memory_space<vmem>>, vector<16xi32>,
    %mul3A_130 = arith.constant 113 : i32
    %mul3A_131 = vector.broadcast %mul3A_130 : i32 to vector<16xi32>
    %mul3A_132 = arith.muli %add3A_12, %mul3A_131 : vector<16xi32>
    %and3A_133 = arith.constant 16383 : i32
    %and3A_134 = vector.broadcast %and3A_133 : i32 to vector<16xi32>
    %and3A_135 = arith.andi %mul3A_132, %and3A_134 : vector<16xi32>
    %add3A_136 = arith.constant 114688 : i32
    %add3A_137 = vector.broadcast %add3A_136 : i32 to vector<16xi32>
    %add3A_138 = arith.addi %and3A_135, %add3A_137 : vector<16xi32>
    %mul3A_139 = arith.constant 16 : i32
    %mul3A_140 = arith.muli %scan3A_3, %mul3A_139 : i32
    %add3A_141 = arith.constant 224 : i32
    %add3A_142 = arith.addi %add3A_141, %mul3A_140 : i32
    %swap3A_143 = arith.index_cast %add3A_142 : i32 to index
    %swap3A_144 = tpu.vector_load %arg6[%swap3A_143] {strides = array<i32>} : memref<512xi32, #tpu.memory_space<vmem>>, vector<16xi32>,
    %swap3A_145 = vector.shape_cast %swap3A_144 : vector<16xi32> to vector<16xi32>
    %swap3A_146 = vector.shape_cast %add3A_138 : vector<16xi32> to vector<16xi32>
    tpu.vector_store %arg6[%swap3A_143], %swap3A_146 {strides = array<i32>} : memref<512xi32, #tpu.memory_space<vmem>>, vector<16xi32>,
    %scan3A_147 = arith.constant 1 : i32
    %mul3A_148 = arith.constant 16 : i32
    %mul3A_149 = arith.muli %scan3A_147, %mul3A_148 : i32
    %add3A_150 = arith.constant 0 : i32
    %add3A_151 = arith.addi %add3A_150, %mul3A_149 : i32
    %get3A_152 = arith.index_cast %add3A_151 : i32 to index
    %get3A_153 = tpu.vector_load %arg5[%get3A_152] {strides = array<i32>} : memref<512xi32, #tpu.memory_space<vmem>>, vector<16xi32>,
    %get3A_154 = vector.shape_cast %get3A_153 : vector<16xi32> to vector<16xi32>
    %add3A_155 = arith.constant 1 : i32
    %add3A_156 = vector.broadcast %add3A_155 : i32 to vector<16xi32>
    %add3A_157 = arith.addi %get3A_154, %add3A_156 : vector<16xi32>
    %mul3A_158 = arith.constant 31 : i32
    %mul3A_159 = vector.broadcast %mul3A_158 : i32 to vector<16xi32>
    %mul3A_160 = arith.muli %add3A_157, %mul3A_159 : vector<16xi32>
    %and3A_161 = arith.constant 16383 : i32
    %and3A_162 = vector.broadcast %and3A_161 : i32 to vector<16xi32>
    %and3A_163 = arith.andi %mul3A_160, %and3A_162 : vector<16xi32>
    %add3A_164 = arith.constant 0 : i32
    %add3A_165 = vector.broadcast %add3A_164 : i32 to vector<16xi32>
    %add3A_166 = arith.addi %and3A_163, %add3A_165 : vector<16xi32>
    %mul3A_167 = arith.constant 16 : i32
    %mul3A_168 = arith.muli %scan3A_147, %mul3A_167 : i32
    %add3A_169 = arith.constant 0 : i32
    %add3A_170 = arith.addi %add3A_169, %mul3A_168 : i32
    %swap3A_171 = arith.index_cast %add3A_170 : i32 to index
    %swap3A_172 = tpu.vector_load %arg6[%swap3A_171] {strides = array<i32>} : memref<512xi32, #tpu.memory_space<vmem>>, vector<16xi32>,
    %swap3A_173 = vector.shape_cast %swap3A_172 : vector<16xi32> to vector<16xi32>
    %swap3A_174 = vector.shape_cast %add3A_166 : vector<16xi32> to vector<16xi32>
    tpu.vector_store %arg6[%swap3A_171], %swap3A_174 {strides = array<i32>} : memref<512xi32, #tpu.memory_space<vmem>>, vector<16xi32>,
    %mul3A_175 = arith.constant 43 : i32
    %mul3A_176 = vector.broadcast %mul3A_175 : i32 to vector<16xi32>
    %mul3A_177 = arith.muli %add3A_157, %mul3A_176 : vector<16xi32>
    %and3A_178 = arith.constant 16383 : i32
    %and3A_179 = vector.broadcast %and3A_178 : i32 to vector<16xi32>
    %and3A_180 = arith.andi %mul3A_177, %and3A_179 : vector<16xi32>
    %add3A_181 = arith.constant 16384 : i32
    %add3A_182 = vector.broadcast %add3A_181 : i32 to vector<16xi32>
    %add3A_183 = arith.addi %and3A_180, %add3A_182 : vector<16xi32>
    %mul3A_184 = arith.constant 16 : i32
    %mul3A_185 = arith.muli %scan3A_147, %mul3A_184 : i32
    %add3A_186 = arith.constant 32 : i32
    %add3A_187 = arith.addi %add3A_186, %mul3A_185 : i32
    %swap3A_188 = arith.index_cast %add3A_187 : i32 to index
    %swap3A_189 = tpu.vector_load %arg6[%swap3A_188] {strides = array<i32>} : memref<512xi32, #tpu.memory_space<vmem>>, vector<16xi32>,
    %swap3A_190 = vector.shape_cast %swap3A_189 : vector<16xi32> to vector<16xi32>
    %swap3A_191 = vector.shape_cast %add3A_183 : vector<16xi32> to vector<16xi32>
    tpu.vector_store %arg6[%swap3A_188], %swap3A_191 {strides = array<i32>} : memref<512xi32, #tpu.memory_space<vmem>>, vector<16xi32>,
    %mul3A_192 = arith.constant 59 : i32
    %mul3A_193 = vector.broadcast %mul3A_192 : i32 to vector<16xi32>
    %mul3A_194 = arith.muli %add3A_157, %mul3A_193 : vector<16xi32>
    %and3A_195 = arith.constant 16383 : i32
    %and3A_196 = vector.broadcast %and3A_195 : i32 to vector<16xi32>
    %and3A_197 = arith.andi %mul3A_194, %and3A_196 : vector<16xi32>
    %add3A_198 = arith.constant 32768 : i32
    %add3A_199 = vector.broadcast %add3A_198 : i32 to vector<16xi32>
    %add3A_200 = arith.addi %and3A_197, %add3A_199 : vector<16xi32>
    %mul3A_201 = arith.constant 16 : i32
    %mul3A_202 = arith.muli %scan3A_147, %mul3A_201 : i32
    %add3A_203 = arith.constant 64 : i32
    %add3A_204 = arith.addi %add3A_203, %mul3A_202 : i32
    %swap3A_205 = arith.index_cast %add3A_204 : i32 to index
    %swap3A_206 = tpu.vector_load %arg6[%swap3A_205] {strides = array<i32>} : memref<512xi32, #tpu.memory_space<vmem>>, vector<16xi32>,
    %swap3A_207 = vector.shape_cast %swap3A_206 : vector<16xi32> to vector<16xi32>
    %swap3A_208 = vector.shape_cast %add3A_200 : vector<16xi32> to vector<16xi32>
    tpu.vector_store %arg6[%swap3A_205], %swap3A_208 {strides = array<i32>} : memref<512xi32, #tpu.memory_space<vmem>>, vector<16xi32>,
    %mul3A_209 = arith.constant 61 : i32
    %mul3A_210 = vector.broadcast %mul3A_209 : i32 to vector<16xi32>
    %mul3A_211 = arith.muli %add3A_157, %mul3A_210 : vector<16xi32>
    %and3A_212 = arith.constant 16383 : i32
    %and3A_213 = vector.broadcast %and3A_212 : i32 to vector<16xi32>
    %and3A_214 = arith.andi %mul3A_211, %and3A_213 : vector<16xi32>
    %add3A_215 = arith.constant 49152 : i32
    %add3A_216 = vector.broadcast %add3A_215 : i32 to vector<16xi32>
    %add3A_217 = arith.addi %and3A_214, %add3A_216 : vector<16xi32>
    %mul3A_218 = arith.constant 16 : i32
    %mul3A_219 = arith.muli %scan3A_147, %mul3A_218 : i32
    %add3A_220 = arith.constant 96 : i32
    %add3A_221 = arith.addi %add3A_220, %mul3A_219 : i32
    %swap3A_222 = arith.index_cast %add3A_221 : i32 to index
    %swap3A_223 = tpu.vector_load %arg6[%swap3A_222] {strides = array<i32>} : memref<512xi32, #tpu.memory_space<vmem>>, vector<16xi32>,
    %swap3A_224 = vector.shape_cast %swap3A_223 : vector<16xi32> to vector<16xi32>
    %swap3A_225 = vector.shape_cast %add3A_217 : vector<16xi32> to vector<16xi32>
    tpu.vector_store %arg6[%swap3A_222], %swap3A_225 {strides = array<i32>} : memref<512xi32, #tpu.memory_space<vmem>>, vector<16xi32>,
    %mul3A_226 = arith.constant 73 : i32
    %mul3A_227 = vector.broadcast %mul3A_226 : i32 to vector<16xi32>
    %mul3A_228 = arith.muli %add3A_157, %mul3A_227 : vector<16xi32>
    %and3A_229 = arith.constant 16383 : i32
    %and3A_230 = vector.broadcast %and3A_229 : i32 to vector<16xi32>
    %and3A_231 = arith.andi %mul3A_228, %and3A_230 : vector<16xi32>
    %add3A_232 = arith.constant 65536 : i32
    %add3A_233 = vector.broadcast %add3A_232 : i32 to vector<16xi32>
    %add3A_234 = arith.addi %and3A_231, %add3A_233 : vector<16xi32>
    %mul3A_235 = arith.constant 16 : i32
    %mul3A_236 = arith.muli %scan3A_147, %mul3A_235 : i32
    %add3A_237 = arith.constant 128 : i32
    %add3A_238 = arith.addi %add3A_237, %mul3A_236 : i32
    %swap3A_239 = arith.index_cast %add3A_238 : i32 to index
    %swap3A_240 = tpu.vector_load %arg6[%swap3A_239] {strides = array<i32>} : memref<512xi32, #tpu.memory_space<vmem>>, vector<16xi32>,
    %swap3A_241 = vector.shape_cast %swap3A_240 : vector<16xi32> to vector<16xi32>
    %swap3A_242 = vector.shape_cast %add3A_234 : vector<16xi32> to vector<16xi32>
    tpu.vector_store %arg6[%swap3A_239], %swap3A_242 {strides = array<i32>} : memref<512xi32, #tpu.memory_space<vmem>>, vector<16xi32>,
    %mul3A_243 = arith.constant 97 : i32
    %mul3A_244 = vector.broadcast %mul3A_243 : i32 to vector<16xi32>
    %mul3A_245 = arith.muli %add3A_157, %mul3A_244 : vector<16xi32>
    %and3A_246 = arith.constant 16383 : i32
    %and3A_247 = vector.broadcast %and3A_246 : i32 to vector<16xi32>
    %and3A_248 = arith.andi %mul3A_245, %and3A_247 : vector<16xi32>
    %add3A_249 = arith.constant 81920 : i32
    %add3A_250 = vector.broadcast %add3A_249 : i32 to vector<16xi32>
    %add3A_251 = arith.addi %and3A_248, %add3A_250 : vector<16xi32>
    %mul3A_252 = arith.constant 16 : i32
    %mul3A_253 = arith.muli %scan3A_147, %mul3A_252 : i32
    %add3A_254 = arith.constant 160 : i32
    %add3A_255 = arith.addi %add3A_254, %mul3A_253 : i32
    %swap3A_256 = arith.index_cast %add3A_255 : i32 to index
    %swap3A_257 = tpu.vector_load %arg6[%swap3A_256] {strides = array<i32>} : memref<512xi32, #tpu.memory_space<vmem>>, vector<16xi32>,
    %swap3A_258 = vector.shape_cast %swap3A_257 : vector<16xi32> to vector<16xi32>
    %swap3A_259 = vector.shape_cast %add3A_251 : vector<16xi32> to vector<16xi32>
    tpu.vector_store %arg6[%swap3A_256], %swap3A_259 {strides = array<i32>} : memref<512xi32, #tpu.memory_space<vmem>>, vector<16xi32>,
    %mul3A_260 = arith.constant 103 : i32
    %mul3A_261 = vector.broadcast %mul3A_260 : i32 to vector<16xi32>
    %mul3A_262 = arith.muli %add3A_157, %mul3A_261 : vector<16xi32>
    %and3A_263 = arith.constant 16383 : i32
    %and3A_264 = vector.broadcast %and3A_263 : i32 to vector<16xi32>
    %and3A_265 = arith.andi %mul3A_262, %and3A_264 : vector<16xi32>
    %add3A_266 = arith.constant 98304 : i32
    %add3A_267 = vector.broadcast %add3A_266 : i32 to vector<16xi32>
    %add3A_268 = arith.addi %and3A_265, %add3A_267 : vector<16xi32>
    %mul3A_269 = arith.constant 16 : i32
    %mul3A_270 = arith.muli %scan3A_147, %mul3A_269 : i32
    %add3A_271 = arith.constant 192 : i32
    %add3A_272 = arith.addi %add3A_271, %mul3A_270 : i32
    %swap3A_273 = arith.index_cast %add3A_272 : i32 to index
    %swap3A_274 = tpu.vector_load %arg6[%swap3A_273] {strides = array<i32>} : memref<512xi32, #tpu.memory_space<vmem>>, vector<16xi32>,
    %swap3A_275 = vector.shape_cast %swap3A_274 : vector<16xi32> to vector<16xi32>
    %swap3A_276 = vector.shape_cast %add3A_268 : vector<16xi32> to vector<16xi32>
    tpu.vector_store %arg6[%swap3A_273], %swap3A_276 {strides = array<i32>} : memref<512xi32, #tpu.memory_space<vmem>>, vector<16xi32>,
    %mul3A_277 = arith.constant 113 : i32
    %mul3A_278 = vector.broadcast %mul3A_277 : i32 to vector<16xi32>
    %mul3A_279 = arith.muli %add3A_157, %mul3A_278 : vector<16xi32>
    %and3A_280 = arith.constant 16383 : i32
    %and3A_281 = vector.broadcast %and3A_280 : i32 to vector<16xi32>
    %and3A_282 = arith.andi %mul3A_279, %and3A_281 : vector<16xi32>
    %add3A_283 = arith.constant 114688 : i32
    %add3A_284 = vector.broadcast %add3A_283 : i32 to vector<16xi32>
    %add3A_285 = arith.addi %and3A_282, %add3A_284 : vector<16xi32>
    %mul3A_286 = arith.constant 16 : i32
    %mul3A_287 = arith.muli %scan3A_147, %mul3A_286 : i32
    %add3A_288 = arith.constant 224 : i32
    %add3A_289 = arith.addi %add3A_288, %mul3A_287 : i32
    %swap3A_290 = arith.index_cast %add3A_289 : i32 to index
    %swap3A_291 = tpu.vector_load %arg6[%swap3A_290] {strides = array<i32>} : memref<512xi32, #tpu.memory_space<vmem>>, vector<16xi32>,
    %swap3A_292 = vector.shape_cast %swap3A_291 : vector<16xi32> to vector<16xi32>
    %swap3A_293 = vector.shape_cast %add3A_285 : vector<16xi32> to vector<16xi32>
    tpu.vector_store %arg6[%swap3A_290], %swap3A_293 {strides = array<i32>} : memref<512xi32, #tpu.memory_space<vmem>>, vector<16xi32>,
    %scan3A_294 = arith.constant 2 : i32
    %dma_start3A = arith.constant 0 : i32
    %dma_start3A_295 = arith.constant 0 : i32
    %dma_start3A_296 = arith.constant 0 : i32
    %dma_start3A_297 = tpu.memref_slice %arg7[%dma_start3A, %dma_start3A_295, %dma_start3A_296] : memref<2x256x96xf32, #tpu.memory_space<vmem>> -> memref<1x32x96xf32, #tpu.memory_space<vmem>>
    %dma_start3A_298 = tpu.memref_squeeze %dma_start3A_297 : memref<1x32x96xf32, #tpu.memory_space<vmem>> -> memref<32x96xf32, #tpu.memory_space<vmem>>
    %dma_start3A_299 = arith.constant 0 : i32
    %dma_start3A_300 = tpu.memref_slice %arg6[%dma_start3A_299] : memref<512xi32, #tpu.memory_space<vmem>> -> memref<32xi32, #tpu.memory_space<vmem>>
    %dma_start3A_301 = arith.constant 0 : i32
    %dma_start3A_302 = arith.constant 0 : i32
    %dma_start3A_303 = tpu.memref_slice %arg3[%dma_start3A_301, %dma_start3A_302] : memref<131072x96xf32, #tpu.memory_space<hbm>> -> memref<131072x96xf32, #tpu.memory_space<hbm>>
    tpu.enqueue_indirect_dma source(%dma_start3A_303 : memref<131072x96xf32, #tpu.memory_space<hbm>>) target(%dma_start3A_298 : memref<32x96xf32, #tpu.memory_space<vmem>>) offsets(%dma_start3A_300 : memref<32xi32, #tpu.memory_space<vmem>>) semaphore(%arg8 : memref<!tpu.dma_semaphore, #tpu.memory_space<semaphore_mem>>)
    %dma_start3A_304 = arith.constant 0 : i32
    %dma_start3A_305 = arith.constant 32 : i32
    %dma_start3A_306 = arith.constant 0 : i32
    %dma_start3A_307 = tpu.memref_slice %arg7[%dma_start3A_304, %dma_start3A_305, %dma_start3A_306] : memref<2x256x96xf32, #tpu.memory_space<vmem>> -> memref<1x32x96xf32, #tpu.memory_space<vmem>>
    %dma_start3A_308 = tpu.memref_squeeze %dma_start3A_307 : memref<1x32x96xf32, #tpu.memory_space<vmem>> -> memref<32x96xf32, #tpu.memory_space<vmem>>
    %dma_start3A_309 = arith.constant 32 : i32
    %dma_start3A_310 = tpu.memref_slice %arg6[%dma_start3A_309] : memref<512xi32, #tpu.memory_space<vmem>> -> memref<32xi32, #tpu.memory_space<vmem>>
    %dma_start3A_311 = arith.constant 0 : i32
    %dma_start3A_312 = arith.constant 0 : i32
    %dma_start3A_313 = tpu.memref_slice %arg3[%dma_start3A_311, %dma_start3A_312] : memref<131072x96xf32, #tpu.memory_space<hbm>> -> memref<131072x96xf32, #tpu.memory_space<hbm>>
    tpu.enqueue_indirect_dma source(%dma_start3A_313 : memref<131072x96xf32, #tpu.memory_space<hbm>>) target(%dma_start3A_308 : memref<32x96xf32, #tpu.memory_space<vmem>>) offsets(%dma_start3A_310 : memref<32xi32, #tpu.memory_space<vmem>>) semaphore(%arg8 : memref<!tpu.dma_semaphore, #tpu.memory_space<semaphore_mem>>)
    %dma_start3A_314 = arith.constant 0 : i32
    %dma_start3A_315 = arith.constant 64 : i32
    %dma_start3A_316 = arith.constant 0 : i32
    %dma_start3A_317 = tpu.memref_slice %arg7[%dma_start3A_314, %dma_start3A_315, %dma_start3A_316] : memref<2x256x96xf32, #tpu.memory_space<vmem>> -> memref<1x32x96xf32, #tpu.memory_space<vmem>>
    %dma_start3A_318 = tpu.memref_squeeze %dma_start3A_317 : memref<1x32x96xf32, #tpu.memory_space<vmem>> -> memref<32x96xf32, #tpu.memory_space<vmem>>
    %dma_start3A_319 = arith.constant 64 : i32
    %dma_start3A_320 = tpu.memref_slice %arg6[%dma_start3A_319] : memref<512xi32, #tpu.memory_space<vmem>> -> memref<32xi32, #tpu.memory_space<vmem>>
    %dma_start3A_321 = arith.constant 0 : i32
    %dma_start3A_322 = arith.constant 0 : i32
    %dma_start3A_323 = tpu.memref_slice %arg3[%dma_start3A_321, %dma_start3A_322] : memref<131072x96xf32, #tpu.memory_space<hbm>> -> memref<131072x96xf32, #tpu.memory_space<hbm>>
    tpu.enqueue_indirect_dma source(%dma_start3A_323 : memref<131072x96xf32, #tpu.memory_space<hbm>>) target(%dma_start3A_318 : memref<32x96xf32, #tpu.memory_space<vmem>>) offsets(%dma_start3A_320 : memref<32xi32, #tpu.memory_space<vmem>>) semaphore(%arg8 : memref<!tpu.dma_semaphore, #tpu.memory_space<semaphore_mem>>)
    %dma_start3A_324 = arith.constant 0 : i32
    %dma_start3A_325 = arith.constant 96 : i32
    %dma_start3A_326 = arith.constant 0 : i32
    %dma_start3A_327 = tpu.memref_slice %arg7[%dma_start3A_324, %dma_start3A_325, %dma_start3A_326] : memref<2x256x96xf32, #tpu.memory_space<vmem>> -> memref<1x32x96xf32, #tpu.memory_space<vmem>>
    %dma_start3A_328 = tpu.memref_squeeze %dma_start3A_327 : memref<1x32x96xf32, #tpu.memory_space<vmem>> -> memref<32x96xf32, #tpu.memory_space<vmem>>
    %dma_start3A_329 = arith.constant 96 : i32
    %dma_start3A_330 = tpu.memref_slice %arg6[%dma_start3A_329] : memref<512xi32, #tpu.memory_space<vmem>> -> memref<32xi32, #tpu.memory_space<vmem>>
    %dma_start3A_331 = arith.constant 0 : i32
    %dma_start3A_332 = arith.constant 0 : i32
    %dma_start3A_333 = tpu.memref_slice %arg3[%dma_start3A_331, %dma_start3A_332] : memref<131072x96xf32, #tpu.memory_space<hbm>> -> memref<131072x96xf32, #tpu.memory_space<hbm>>
    tpu.enqueue_indirect_dma source(%dma_start3A_333 : memref<131072x96xf32, #tpu.memory_space<hbm>>) target(%dma_start3A_328 : memref<32x96xf32, #tpu.memory_space<vmem>>) offsets(%dma_start3A_330 : memref<32xi32, #tpu.memory_space<vmem>>) semaphore(%arg8 : memref<!tpu.dma_semaphore, #tpu.memory_space<semaphore_mem>>)
    %dma_start3A_334 = arith.constant 0 : i32
    %dma_start3A_335 = arith.constant 128 : i32
    %dma_start3A_336 = arith.constant 0 : i32
    %dma_start3A_337 = tpu.memref_slice %arg7[%dma_start3A_334, %dma_start3A_335, %dma_start3A_336] : memref<2x256x96xf32, #tpu.memory_space<vmem>> -> memref<1x32x96xf32, #tpu.memory_space<vmem>>
    %dma_start3A_338 = tpu.memref_squeeze %dma_start3A_337 : memref<1x32x96xf32, #tpu.memory_space<vmem>> -> memref<32x96xf32, #tpu.memory_space<vmem>>
    %dma_start3A_339 = arith.constant 128 : i32
    %dma_start3A_340 = tpu.memref_slice %arg6[%dma_start3A_339] : memref<512xi32, #tpu.memory_space<vmem>> -> memref<32xi32, #tpu.memory_space<vmem>>
    %dma_start3A_341 = arith.constant 0 : i32
    %dma_start3A_342 = arith.constant 0 : i32
    %dma_start3A_343 = tpu.memref_slice %arg3[%dma_start3A_341, %dma_start3A_342] : memref<131072x96xf32, #tpu.memory_space<hbm>> -> memref<131072x96xf32, #tpu.memory_space<hbm>>
    tpu.enqueue_indirect_dma source(%dma_start3A_343 : memref<131072x96xf32, #tpu.memory_space<hbm>>) target(%dma_start3A_338 : memref<32x96xf32, #tpu.memory_space<vmem>>) offsets(%dma_start3A_340 : memref<32xi32, #tpu.memory_space<vmem>>) semaphore(%arg8 : memref<!tpu.dma_semaphore, #tpu.memory_space<semaphore_mem>>)
    %dma_start3A_344 = arith.constant 0 : i32
    %dma_start3A_345 = arith.constant 160 : i32
    %dma_start3A_346 = arith.constant 0 : i32
    %dma_start3A_347 = tpu.memref_slice %arg7[%dma_start3A_344, %dma_start3A_345, %dma_start3A_346] : memref<2x256x96xf32, #tpu.memory_space<vmem>> -> memref<1x32x96xf32, #tpu.memory_space<vmem>>
    %dma_start3A_348 = tpu.memref_squeeze %dma_start3A_347 : memref<1x32x96xf32, #tpu.memory_space<vmem>> -> memref<32x96xf32, #tpu.memory_space<vmem>>
    %dma_start3A_349 = arith.constant 160 : i32
    %dma_start3A_350 = tpu.memref_slice %arg6[%dma_start3A_349] : memref<512xi32, #tpu.memory_space<vmem>> -> memref<32xi32, #tpu.memory_space<vmem>>
    %dma_start3A_351 = arith.constant 0 : i32
    %dma_start3A_352 = arith.constant 0 : i32
    %dma_start3A_353 = tpu.memref_slice %arg3[%dma_start3A_351, %dma_start3A_352] : memref<131072x96xf32, #tpu.memory_space<hbm>> -> memref<131072x96xf32, #tpu.memory_space<hbm>>
    tpu.enqueue_indirect_dma source(%dma_start3A_353 : memref<131072x96xf32, #tpu.memory_space<hbm>>) target(%dma_start3A_348 : memref<32x96xf32, #tpu.memory_space<vmem>>) offsets(%dma_start3A_350 : memref<32xi32, #tpu.memory_space<vmem>>) semaphore(%arg8 : memref<!tpu.dma_semaphore, #tpu.memory_space<semaphore_mem>>)
    %dma_start3A_354 = arith.constant 0 : i32
    %dma_start3A_355 = arith.constant 192 : i32
    %dma_start3A_356 = arith.constant 0 : i32
    %dma_start3A_357 = tpu.memref_slice %arg7[%dma_start3A_354, %dma_start3A_355, %dma_start3A_356] : memref<2x256x96xf32, #tpu.memory_space<vmem>> -> memref<1x32x96xf32, #tpu.memory_space<vmem>>
    %dma_start3A_358 = tpu.memref_squeeze %dma_start3A_357 : memref<1x32x96xf32, #tpu.memory_space<vmem>> -> memref<32x96xf32, #tpu.memory_space<vmem>>
    %dma_start3A_359 = arith.constant 192 : i32
    %dma_start3A_360 = tpu.memref_slice %arg6[%dma_start3A_359] : memref<512xi32, #tpu.memory_space<vmem>> -> memref<32xi32, #tpu.memory_space<vmem>>
    %dma_start3A_361 = arith.constant 0 : i32
    %dma_start3A_362 = arith.constant 0 : i32
    %dma_start3A_363 = tpu.memref_slice %arg3[%dma_start3A_361, %dma_start3A_362] : memref<131072x96xf32, #tpu.memory_space<hbm>> -> memref<131072x96xf32, #tpu.memory_space<hbm>>
    tpu.enqueue_indirect_dma source(%dma_start3A_363 : memref<131072x96xf32, #tpu.memory_space<hbm>>) target(%dma_start3A_358 : memref<32x96xf32, #tpu.memory_space<vmem>>) offsets(%dma_start3A_360 : memref<32xi32, #tpu.memory_space<vmem>>) semaphore(%arg8 : memref<!tpu.dma_semaphore, #tpu.memory_space<semaphore_mem>>)
    %dma_start3A_364 = arith.constant 0 : i32
    %dma_start3A_365 = arith.constant 224 : i32
    %dma_start3A_366 = arith.constant 0 : i32
    %dma_start3A_367 = tpu.memref_slice %arg7[%dma_start3A_364, %dma_start3A_365, %dma_start3A_366] : memref<2x256x96xf32, #tpu.memory_space<vmem>> -> memref<1x32x96xf32, #tpu.memory_space<vmem>>
    %dma_start3A_368 = tpu.memref_squeeze %dma_start3A_367 : memref<1x32x96xf32, #tpu.memory_space<vmem>> -> memref<32x96xf32, #tpu.memory_space<vmem>>
    %dma_start3A_369 = arith.constant 224 : i32
    %dma_start3A_370 = tpu.memref_slice %arg6[%dma_start3A_369] : memref<512xi32, #tpu.memory_space<vmem>> -> memref<32xi32, #tpu.memory_space<vmem>>
    %dma_start3A_371 = arith.constant 0 : i32
    %dma_start3A_372 = arith.constant 0 : i32
    %dma_start3A_373 = tpu.memref_slice %arg3[%dma_start3A_371, %dma_start3A_372] : memref<131072x96xf32, #tpu.memory_space<hbm>> -> memref<131072x96xf32, #tpu.memory_space<hbm>>
    tpu.enqueue_indirect_dma source(%dma_start3A_373 : memref<131072x96xf32, #tpu.memory_space<hbm>>) target(%dma_start3A_368 : memref<32x96xf32, #tpu.memory_space<vmem>>) offsets(%dma_start3A_370 : memref<32xi32, #tpu.memory_space<vmem>>) semaphore(%arg8 : memref<!tpu.dma_semaphore, #tpu.memory_space<semaphore_mem>>)
    %scan3A_374 = arith.constant 0 : i32
    %scan3A_375 = arith.constant 0 : i32
    %scan3A_376 = arith.constant 8 : i32
    %scan3A_377 = arith.addi %scan3A_375, %scan3A_376 : i32
    %scan3A_378 = arith.constant 1 : i32
    scf.for %scan3A_587 = %scan3A_375 to %scan3A_377 step %scan3A_378  : i32 {
      %mul3A_588 = arith.constant 2 : i32
      %mul3A_589 = arith.muli %mul3A_588, %scan3A_587 : i32
      %add3A_590 = arith.constant 1 : i32
      %add3A_591 = arith.addi %mul3A_589, %add3A_590 : i32
      %mul3A_592 = arith.constant 32 : i32
      %mul3A_593 = arith.muli %add3A_591, %mul3A_592 : i32
      %scan3A_594 = arith.constant 0 : i32
      %scan3A_595 = arith.constant 0 : i32
      %mul3A_596 = arith.constant 16 : i32
      %mul3A_597 = arith.muli %scan3A_595, %mul3A_596 : i32
      %add3A_598 = arith.addi %mul3A_593, %mul3A_597 : i32
      %get3A_599 = arith.index_cast %add3A_598 : i32 to index
      %get3A_600 = tpu.vector_load %arg5[%get3A_599] {strides = array<i32>} : memref<512xi32, #tpu.memory_space<vmem>>, vector<16xi32>,
      %get3A_601 = vector.shape_cast %get3A_600 : vector<16xi32> to vector<16xi32>
      %add3A_602 = arith.constant 1 : i32
      %add3A_603 = vector.broadcast %add3A_602 : i32 to vector<16xi32>
      %add3A_604 = arith.addi %get3A_601, %add3A_603 : vector<16xi32>
      %mul3A_605 = arith.constant 31 : i32
      %mul3A_606 = vector.broadcast %mul3A_605 : i32 to vector<16xi32>
      %mul3A_607 = arith.muli %add3A_604, %mul3A_606 : vector<16xi32>
      %and3A_608 = arith.constant 16383 : i32
      %and3A_609 = vector.broadcast %and3A_608 : i32 to vector<16xi32>
      %and3A_610 = arith.andi %mul3A_607, %and3A_609 : vector<16xi32>
      %add3A_611 = arith.constant 0 : i32
      %add3A_612 = vector.broadcast %add3A_611 : i32 to vector<16xi32>
      %add3A_613 = arith.addi %and3A_610, %add3A_612 : vector<16xi32>
      %mul3A_614 = arith.constant 16 : i32
      %mul3A_615 = arith.muli %scan3A_595, %mul3A_614 : i32
      %add3A_616 = arith.constant 256 : i32
      %add3A_617 = arith.addi %add3A_616, %mul3A_615 : i32
      %swap3A_618 = arith.index_cast %add3A_617 : i32 to index
      %swap3A_619 = tpu.vector_load %arg6[%swap3A_618] {strides = array<i32>} : memref<512xi32, #tpu.memory_space<vmem>>, vector<16xi32>,
      %swap3A_620 = vector.shape_cast %swap3A_619 : vector<16xi32> to vector<16xi32>
      %swap3A_621 = vector.shape_cast %add3A_613 : vector<16xi32> to vector<16xi32>
      tpu.vector_store %arg6[%swap3A_618], %swap3A_621 {strides = array<i32>} : memref<512xi32, #tpu.memory_space<vmem>>, vector<16xi32>,
      %mul3A_622 = arith.constant 43 : i32
      %mul3A_623 = vector.broadcast %mul3A_622 : i32 to vector<16xi32>
      %mul3A_624 = arith.muli %add3A_604, %mul3A_623 : vector<16xi32>
      %and3A_625 = arith.constant 16383 : i32
      %and3A_626 = vector.broadcast %and3A_625 : i32 to vector<16xi32>
      %and3A_627 = arith.andi %mul3A_624, %and3A_626 : vector<16xi32>
      %add3A_628 = arith.constant 16384 : i32
      %add3A_629 = vector.broadcast %add3A_628 : i32 to vector<16xi32>
      %add3A_630 = arith.addi %and3A_627, %add3A_629 : vector<16xi32>
      %mul3A_631 = arith.constant 16 : i32
      %mul3A_632 = arith.muli %scan3A_595, %mul3A_631 : i32
      %add3A_633 = arith.constant 288 : i32
      %add3A_634 = arith.addi %add3A_633, %mul3A_632 : i32
      %swap3A_635 = arith.index_cast %add3A_634 : i32 to index
      %swap3A_636 = tpu.vector_load %arg6[%swap3A_635] {strides = array<i32>} : memref<512xi32, #tpu.memory_space<vmem>>, vector<16xi32>,
      %swap3A_637 = vector.shape_cast %swap3A_636 : vector<16xi32> to vector<16xi32>
      %swap3A_638 = vector.shape_cast %add3A_630 : vector<16xi32> to vector<16xi32>
      tpu.vector_store %arg6[%swap3A_635], %swap3A_638 {strides = array<i32>} : memref<512xi32, #tpu.memory_space<vmem>>, vector<16xi32>,
      %mul3A_639 = arith.constant 59 : i32
      %mul3A_640 = vector.broadcast %mul3A_639 : i32 to vector<16xi32>
      %mul3A_641 = arith.muli %add3A_604, %mul3A_640 : vector<16xi32>
      %and3A_642 = arith.constant 16383 : i32
      %and3A_643 = vector.broadcast %and3A_642 : i32 to vector<16xi32>
      %and3A_644 = arith.andi %mul3A_641, %and3A_643 : vector<16xi32>
      %add3A_645 = arith.constant 32768 : i32
      %add3A_646 = vector.broadcast %add3A_645 : i32 to vector<16xi32>
      %add3A_647 = arith.addi %and3A_644, %add3A_646 : vector<16xi32>
      %mul3A_648 = arith.constant 16 : i32
      %mul3A_649 = arith.muli %scan3A_595, %mul3A_648 : i32
      %add3A_650 = arith.constant 320 : i32
      %add3A_651 = arith.addi %add3A_650, %mul3A_649 : i32
      %swap3A_652 = arith.index_cast %add3A_651 : i32 to index
      %swap3A_653 = tpu.vector_load %arg6[%swap3A_652] {strides = array<i32>} : memref<512xi32, #tpu.memory_space<vmem>>, vector<16xi32>,
      %swap3A_654 = vector.shape_cast %swap3A_653 : vector<16xi32> to vector<16xi32>
      %swap3A_655 = vector.shape_cast %add3A_647 : vector<16xi32> to vector<16xi32>
      tpu.vector_store %arg6[%swap3A_652], %swap3A_655 {strides = array<i32>} : memref<512xi32, #tpu.memory_space<vmem>>, vector<16xi32>,
      %mul3A_656 = arith.constant 61 : i32
      %mul3A_657 = vector.broadcast %mul3A_656 : i32 to vector<16xi32>
      %mul3A_658 = arith.muli %add3A_604, %mul3A_657 : vector<16xi32>
      %and3A_659 = arith.constant 16383 : i32
      %and3A_660 = vector.broadcast %and3A_659 : i32 to vector<16xi32>
      %and3A_661 = arith.andi %mul3A_658, %and3A_660 : vector<16xi32>
      %add3A_662 = arith.constant 49152 : i32
      %add3A_663 = vector.broadcast %add3A_662 : i32 to vector<16xi32>
      %add3A_664 = arith.addi %and3A_661, %add3A_663 : vector<16xi32>
      %mul3A_665 = arith.constant 16 : i32
      %mul3A_666 = arith.muli %scan3A_595, %mul3A_665 : i32
      %add3A_667 = arith.constant 352 : i32
      %add3A_668 = arith.addi %add3A_667, %mul3A_666 : i32
      %swap3A_669 = arith.index_cast %add3A_668 : i32 to index
      %swap3A_670 = tpu.vector_load %arg6[%swap3A_669] {strides = array<i32>} : memref<512xi32, #tpu.memory_space<vmem>>, vector<16xi32>,
      %swap3A_671 = vector.shape_cast %swap3A_670 : vector<16xi32> to vector<16xi32>
      %swap3A_672 = vector.shape_cast %add3A_664 : vector<16xi32> to vector<16xi32>
      tpu.vector_store %arg6[%swap3A_669], %swap3A_672 {strides = array<i32>} : memref<512xi32, #tpu.memory_space<vmem>>, vector<16xi32>,
      %mul3A_673 = arith.constant 73 : i32
      %mul3A_674 = vector.broadcast %mul3A_673 : i32 to vector<16xi32>
      %mul3A_675 = arith.muli %add3A_604, %mul3A_674 : vector<16xi32>
      %and3A_676 = arith.constant 16383 : i32
      %and3A_677 = vector.broadcast %and3A_676 : i32 to vector<16xi32>
      %and3A_678 = arith.andi %mul3A_675, %and3A_677 : vector<16xi32>
      %add3A_679 = arith.constant 65536 : i32
      %add3A_680 = vector.broadcast %add3A_679 : i32 to vector<16xi32>
      %add3A_681 = arith.addi %and3A_678, %add3A_680 : vector<16xi32>
      %mul3A_682 = arith.constant 16 : i32
      %mul3A_683 = arith.muli %scan3A_595, %mul3A_682 : i32
      %add3A_684 = arith.constant 384 : i32
      %add3A_685 = arith.addi %add3A_684, %mul3A_683 : i32
      %swap3A_686 = arith.index_cast %add3A_685 : i32 to index
      %swap3A_687 = tpu.vector_load %arg6[%swap3A_686] {strides = array<i32>} : memref<512xi32, #tpu.memory_space<vmem>>, vector<16xi32>,
      %swap3A_688 = vector.shape_cast %swap3A_687 : vector<16xi32> to vector<16xi32>
      %swap3A_689 = vector.shape_cast %add3A_681 : vector<16xi32> to vector<16xi32>
      tpu.vector_store %arg6[%swap3A_686], %swap3A_689 {strides = array<i32>} : memref<512xi32, #tpu.memory_space<vmem>>, vector<16xi32>,
      %mul3A_690 = arith.constant 97 : i32
      %mul3A_691 = vector.broadcast %mul3A_690 : i32 to vector<16xi32>
      %mul3A_692 = arith.muli %add3A_604, %mul3A_691 : vector<16xi32>
      %and3A_693 = arith.constant 16383 : i32
      %and3A_694 = vector.broadcast %and3A_693 : i32 to vector<16xi32>
      %and3A_695 = arith.andi %mul3A_692, %and3A_694 : vector<16xi32>
      %add3A_696 = arith.constant 81920 : i32
      %add3A_697 = vector.broadcast %add3A_696 : i32 to vector<16xi32>
      %add3A_698 = arith.addi %and3A_695, %add3A_697 : vector<16xi32>
      %mul3A_699 = arith.constant 16 : i32
      %mul3A_700 = arith.muli %scan3A_595, %mul3A_699 : i32
      %add3A_701 = arith.constant 416 : i32
      %add3A_702 = arith.addi %add3A_701, %mul3A_700 : i32
      %swap3A_703 = arith.index_cast %add3A_702 : i32 to index
      %swap3A_704 = tpu.vector_load %arg6[%swap3A_703] {strides = array<i32>} : memref<512xi32, #tpu.memory_space<vmem>>, vector<16xi32>,
      %swap3A_705 = vector.shape_cast %swap3A_704 : vector<16xi32> to vector<16xi32>
      %swap3A_706 = vector.shape_cast %add3A_698 : vector<16xi32> to vector<16xi32>
      tpu.vector_store %arg6[%swap3A_703], %swap3A_706 {strides = array<i32>} : memref<512xi32, #tpu.memory_space<vmem>>, vector<16xi32>,
      %mul3A_707 = arith.constant 103 : i32
      %mul3A_708 = vector.broadcast %mul3A_707 : i32 to vector<16xi32>
      %mul3A_709 = arith.muli %add3A_604, %mul3A_708 : vector<16xi32>
      %and3A_710 = arith.constant 16383 : i32
      %and3A_711 = vector.broadcast %and3A_710 : i32 to vector<16xi32>
      %and3A_712 = arith.andi %mul3A_709, %and3A_711 : vector<16xi32>
      %add3A_713 = arith.constant 98304 : i32
      %add3A_714 = vector.broadcast %add3A_713 : i32 to vector<16xi32>
      %add3A_715 = arith.addi %and3A_712, %add3A_714 : vector<16xi32>
      %mul3A_716 = arith.constant 16 : i32
      %mul3A_717 = arith.muli %scan3A_595, %mul3A_716 : i32
      %add3A_718 = arith.constant 448 : i32
      %add3A_719 = arith.addi %add3A_718, %mul3A_717 : i32
      %swap3A_720 = arith.index_cast %add3A_719 : i32 to index
      %swap3A_721 = tpu.vector_load %arg6[%swap3A_720] {strides = array<i32>} : memref<512xi32, #tpu.memory_space<vmem>>, vector<16xi32>,
      %swap3A_722 = vector.shape_cast %swap3A_721 : vector<16xi32> to vector<16xi32>
      %swap3A_723 = vector.shape_cast %add3A_715 : vector<16xi32> to vector<16xi32>
      tpu.vector_store %arg6[%swap3A_720], %swap3A_723 {strides = array<i32>} : memref<512xi32, #tpu.memory_space<vmem>>, vector<16xi32>,
      %mul3A_724 = arith.constant 113 : i32
      %mul3A_725 = vector.broadcast %mul3A_724 : i32 to vector<16xi32>
      %mul3A_726 = arith.muli %add3A_604, %mul3A_725 : vector<16xi32>
      %and3A_727 = arith.constant 16383 : i32
      %and3A_728 = vector.broadcast %and3A_727 : i32 to vector<16xi32>
      %and3A_729 = arith.andi %mul3A_726, %and3A_728 : vector<16xi32>
      %add3A_730 = arith.constant 114688 : i32
      %add3A_731 = vector.broadcast %add3A_730 : i32 to vector<16xi32>
      %add3A_732 = arith.addi %and3A_729, %add3A_731 : vector<16xi32>
      %mul3A_733 = arith.constant 16 : i32
      %mul3A_734 = arith.muli %scan3A_595, %mul3A_733 : i32
      %add3A_735 = arith.constant 480 : i32
      %add3A_736 = arith.addi %add3A_735, %mul3A_734 : i32
      %swap3A_737 = arith.index_cast %add3A_736 : i32 to index
      %swap3A_738 = tpu.vector_load %arg6[%swap3A_737] {strides = array<i32>} : memref<512xi32, #tpu.memory_space<vmem>>, vector<16xi32>,
      %swap3A_739 = vector.shape_cast %swap3A_738 : vector<16xi32> to vector<16xi32>
      %swap3A_740 = vector.shape_cast %add3A_732 : vector<16xi32> to vector<16xi32>
      tpu.vector_store %arg6[%swap3A_737], %swap3A_740 {strides = array<i32>} : memref<512xi32, #tpu.memory_space<vmem>>, vector<16xi32>,
      %scan3A_741 = arith.constant 1 : i32
      %mul3A_742 = arith.constant 16 : i32
      %mul3A_743 = arith.muli %scan3A_741, %mul3A_742 : i32
      %add3A_744 = arith.addi %mul3A_593, %mul3A_743 : i32
      %get3A_745 = arith.index_cast %add3A_744 : i32 to index
      %get3A_746 = tpu.vector_load %arg5[%get3A_745] {strides = array<i32>} : memref<512xi32, #tpu.memory_space<vmem>>, vector<16xi32>,
      %get3A_747 = vector.shape_cast %get3A_746 : vector<16xi32> to vector<16xi32>
      %add3A_748 = arith.constant 1 : i32
      %add3A_749 = vector.broadcast %add3A_748 : i32 to vector<16xi32>
      %add3A_750 = arith.addi %get3A_747, %add3A_749 : vector<16xi32>
      %mul3A_751 = arith.constant 31 : i32
      %mul3A_752 = vector.broadcast %mul3A_751 : i32 to vector<16xi32>
      %mul3A_753 = arith.muli %add3A_750, %mul3A_752 : vector<16xi32>
      %and3A_754 = arith.constant 16383 : i32
      %and3A_755 = vector.broadcast %and3A_754 : i32 to vector<16xi32>
      %and3A_756 = arith.andi %mul3A_753, %and3A_755 : vector<16xi32>
      %add3A_757 = arith.constant 0 : i32
      %add3A_758 = vector.broadcast %add3A_757 : i32 to vector<16xi32>
      %add3A_759 = arith.addi %and3A_756, %add3A_758 : vector<16xi32>
      %mul3A_760 = arith.constant 16 : i32
      %mul3A_761 = arith.muli %scan3A_741, %mul3A_760 : i32
      %add3A_762 = arith.constant 256 : i32
      %add3A_763 = arith.addi %add3A_762, %mul3A_761 : i32
      %swap3A_764 = arith.index_cast %add3A_763 : i32 to index
      %swap3A_765 = tpu.vector_load %arg6[%swap3A_764] {strides = array<i32>} : memref<512xi32, #tpu.memory_space<vmem>>, vector<16xi32>,
      %swap3A_766 = vector.shape_cast %swap3A_765 : vector<16xi32> to vector<16xi32>
      %swap3A_767 = vector.shape_cast %add3A_759 : vector<16xi32> to vector<16xi32>
      tpu.vector_store %arg6[%swap3A_764], %swap3A_767 {strides = array<i32>} : memref<512xi32, #tpu.memory_space<vmem>>, vector<16xi32>,
      %mul3A_768 = arith.constant 43 : i32
      %mul3A_769 = vector.broadcast %mul3A_768 : i32 to vector<16xi32>
      %mul3A_770 = arith.muli %add3A_750, %mul3A_769 : vector<16xi32>
      %and3A_771 = arith.constant 16383 : i32
      %and3A_772 = vector.broadcast %and3A_771 : i32 to vector<16xi32>
      %and3A_773 = arith.andi %mul3A_770, %and3A_772 : vector<16xi32>
      %add3A_774 = arith.constant 16384 : i32
      %add3A_775 = vector.broadcast %add3A_774 : i32 to vector<16xi32>
      %add3A_776 = arith.addi %and3A_773, %add3A_775 : vector<16xi32>
      %mul3A_777 = arith.constant 16 : i32
      %mul3A_778 = arith.muli %scan3A_741, %mul3A_777 : i32
      %add3A_779 = arith.constant 288 : i32
      %add3A_780 = arith.addi %add3A_779, %mul3A_778 : i32
      %swap3A_781 = arith.index_cast %add3A_780 : i32 to index
      %swap3A_782 = tpu.vector_load %arg6[%swap3A_781] {strides = array<i32>} : memref<512xi32, #tpu.memory_space<vmem>>, vector<16xi32>,
      %swap3A_783 = vector.shape_cast %swap3A_782 : vector<16xi32> to vector<16xi32>
      %swap3A_784 = vector.shape_cast %add3A_776 : vector<16xi32> to vector<16xi32>
      tpu.vector_store %arg6[%swap3A_781], %swap3A_784 {strides = array<i32>} : memref<512xi32, #tpu.memory_space<vmem>>, vector<16xi32>,
      %mul3A_785 = arith.constant 59 : i32
      %mul3A_786 = vector.broadcast %mul3A_785 : i32 to vector<16xi32>
      %mul3A_787 = arith.muli %add3A_750, %mul3A_786 : vector<16xi32>
      %and3A_788 = arith.constant 16383 : i32
      %and3A_789 = vector.broadcast %and3A_788 : i32 to vector<16xi32>
      %and3A_790 = arith.andi %mul3A_787, %and3A_789 : vector<16xi32>
      %add3A_791 = arith.constant 32768 : i32
      %add3A_792 = vector.broadcast %add3A_791 : i32 to vector<16xi32>
      %add3A_793 = arith.addi %and3A_790, %add3A_792 : vector<16xi32>
      %mul3A_794 = arith.constant 16 : i32
      %mul3A_795 = arith.muli %scan3A_741, %mul3A_794 : i32
      %add3A_796 = arith.constant 320 : i32
      %add3A_797 = arith.addi %add3A_796, %mul3A_795 : i32
      %swap3A_798 = arith.index_cast %add3A_797 : i32 to index
      %swap3A_799 = tpu.vector_load %arg6[%swap3A_798] {strides = array<i32>} : memref<512xi32, #tpu.memory_space<vmem>>, vector<16xi32>,
      %swap3A_800 = vector.shape_cast %swap3A_799 : vector<16xi32> to vector<16xi32>
      %swap3A_801 = vector.shape_cast %add3A_793 : vector<16xi32> to vector<16xi32>
      tpu.vector_store %arg6[%swap3A_798], %swap3A_801 {strides = array<i32>} : memref<512xi32, #tpu.memory_space<vmem>>, vector<16xi32>,
      %mul3A_802 = arith.constant 61 : i32
      %mul3A_803 = vector.broadcast %mul3A_802 : i32 to vector<16xi32>
      %mul3A_804 = arith.muli %add3A_750, %mul3A_803 : vector<16xi32>
      %and3A_805 = arith.constant 16383 : i32
      %and3A_806 = vector.broadcast %and3A_805 : i32 to vector<16xi32>
      %and3A_807 = arith.andi %mul3A_804, %and3A_806 : vector<16xi32>
      %add3A_808 = arith.constant 49152 : i32
      %add3A_809 = vector.broadcast %add3A_808 : i32 to vector<16xi32>
      %add3A_810 = arith.addi %and3A_807, %add3A_809 : vector<16xi32>
      %mul3A_811 = arith.constant 16 : i32
      %mul3A_812 = arith.muli %scan3A_741, %mul3A_811 : i32
      %add3A_813 = arith.constant 352 : i32
      %add3A_814 = arith.addi %add3A_813, %mul3A_812 : i32
      %swap3A_815 = arith.index_cast %add3A_814 : i32 to index
      %swap3A_816 = tpu.vector_load %arg6[%swap3A_815] {strides = array<i32>} : memref<512xi32, #tpu.memory_space<vmem>>, vector<16xi32>,
      %swap3A_817 = vector.shape_cast %swap3A_816 : vector<16xi32> to vector<16xi32>
      %swap3A_818 = vector.shape_cast %add3A_810 : vector<16xi32> to vector<16xi32>
      tpu.vector_store %arg6[%swap3A_815], %swap3A_818 {strides = array<i32>} : memref<512xi32, #tpu.memory_space<vmem>>, vector<16xi32>,
      %mul3A_819 = arith.constant 73 : i32
      %mul3A_820 = vector.broadcast %mul3A_819 : i32 to vector<16xi32>
      %mul3A_821 = arith.muli %add3A_750, %mul3A_820 : vector<16xi32>
      %and3A_822 = arith.constant 16383 : i32
      %and3A_823 = vector.broadcast %and3A_822 : i32 to vector<16xi32>
      %and3A_824 = arith.andi %mul3A_821, %and3A_823 : vector<16xi32>
      %add3A_825 = arith.constant 65536 : i32
      %add3A_826 = vector.broadcast %add3A_825 : i32 to vector<16xi32>
      %add3A_827 = arith.addi %and3A_824, %add3A_826 : vector<16xi32>
      %mul3A_828 = arith.constant 16 : i32
      %mul3A_829 = arith.muli %scan3A_741, %mul3A_828 : i32
      %add3A_830 = arith.constant 384 : i32
      %add3A_831 = arith.addi %add3A_830, %mul3A_829 : i32
      %swap3A_832 = arith.index_cast %add3A_831 : i32 to index
      %swap3A_833 = tpu.vector_load %arg6[%swap3A_832] {strides = array<i32>} : memref<512xi32, #tpu.memory_space<vmem>>, vector<16xi32>,
      %swap3A_834 = vector.shape_cast %swap3A_833 : vector<16xi32> to vector<16xi32>
      %swap3A_835 = vector.shape_cast %add3A_827 : vector<16xi32> to vector<16xi32>
      tpu.vector_store %arg6[%swap3A_832], %swap3A_835 {strides = array<i32>} : memref<512xi32, #tpu.memory_space<vmem>>, vector<16xi32>,
      %mul3A_836 = arith.constant 97 : i32
      %mul3A_837 = vector.broadcast %mul3A_836 : i32 to vector<16xi32>
      %mul3A_838 = arith.muli %add3A_750, %mul3A_837 : vector<16xi32>
      %and3A_839 = arith.constant 16383 : i32
      %and3A_840 = vector.broadcast %and3A_839 : i32 to vector<16xi32>
      %and3A_841 = arith.andi %mul3A_838, %and3A_840 : vector<16xi32>
      %add3A_842 = arith.constant 81920 : i32
      %add3A_843 = vector.broadcast %add3A_842 : i32 to vector<16xi32>
      %add3A_844 = arith.addi %and3A_841, %add3A_843 : vector<16xi32>
      %mul3A_845 = arith.constant 16 : i32
      %mul3A_846 = arith.muli %scan3A_741, %mul3A_845 : i32
      %add3A_847 = arith.constant 416 : i32
      %add3A_848 = arith.addi %add3A_847, %mul3A_846 : i32
      %swap3A_849 = arith.index_cast %add3A_848 : i32 to index
      %swap3A_850 = tpu.vector_load %arg6[%swap3A_849] {strides = array<i32>} : memref<512xi32, #tpu.memory_space<vmem>>, vector<16xi32>,
      %swap3A_851 = vector.shape_cast %swap3A_850 : vector<16xi32> to vector<16xi32>
      %swap3A_852 = vector.shape_cast %add3A_844 : vector<16xi32> to vector<16xi32>
      tpu.vector_store %arg6[%swap3A_849], %swap3A_852 {strides = array<i32>} : memref<512xi32, #tpu.memory_space<vmem>>, vector<16xi32>,
      %mul3A_853 = arith.constant 103 : i32
      %mul3A_854 = vector.broadcast %mul3A_853 : i32 to vector<16xi32>
      %mul3A_855 = arith.muli %add3A_750, %mul3A_854 : vector<16xi32>
      %and3A_856 = arith.constant 16383 : i32
      %and3A_857 = vector.broadcast %and3A_856 : i32 to vector<16xi32>
      %and3A_858 = arith.andi %mul3A_855, %and3A_857 : vector<16xi32>
      %add3A_859 = arith.constant 98304 : i32
      %add3A_860 = vector.broadcast %add3A_859 : i32 to vector<16xi32>
      %add3A_861 = arith.addi %and3A_858, %add3A_860 : vector<16xi32>
      %mul3A_862 = arith.constant 16 : i32
      %mul3A_863 = arith.muli %scan3A_741, %mul3A_862 : i32
      %add3A_864 = arith.constant 448 : i32
      %add3A_865 = arith.addi %add3A_864, %mul3A_863 : i32
      %swap3A_866 = arith.index_cast %add3A_865 : i32 to index
      %swap3A_867 = tpu.vector_load %arg6[%swap3A_866] {strides = array<i32>} : memref<512xi32, #tpu.memory_space<vmem>>, vector<16xi32>,
      %swap3A_868 = vector.shape_cast %swap3A_867 : vector<16xi32> to vector<16xi32>
      %swap3A_869 = vector.shape_cast %add3A_861 : vector<16xi32> to vector<16xi32>
      tpu.vector_store %arg6[%swap3A_866], %swap3A_869 {strides = array<i32>} : memref<512xi32, #tpu.memory_space<vmem>>, vector<16xi32>,
      %mul3A_870 = arith.constant 113 : i32
      %mul3A_871 = vector.broadcast %mul3A_870 : i32 to vector<16xi32>
      %mul3A_872 = arith.muli %add3A_750, %mul3A_871 : vector<16xi32>
      %and3A_873 = arith.constant 16383 : i32
      %and3A_874 = vector.broadcast %and3A_873 : i32 to vector<16xi32>
      %and3A_875 = arith.andi %mul3A_872, %and3A_874 : vector<16xi32>
      %add3A_876 = arith.constant 114688 : i32
      %add3A_877 = vector.broadcast %add3A_876 : i32 to vector<16xi32>
      %add3A_878 = arith.addi %and3A_875, %add3A_877 : vector<16xi32>
      %mul3A_879 = arith.constant 16 : i32
      %mul3A_880 = arith.muli %scan3A_741, %mul3A_879 : i32
      %add3A_881 = arith.constant 480 : i32
      %add3A_882 = arith.addi %add3A_881, %mul3A_880 : i32
      %swap3A_883 = arith.index_cast %add3A_882 : i32 to index
      %swap3A_884 = tpu.vector_load %arg6[%swap3A_883] {strides = array<i32>} : memref<512xi32, #tpu.memory_space<vmem>>, vector<16xi32>,
      %swap3A_885 = vector.shape_cast %swap3A_884 : vector<16xi32> to vector<16xi32>
      %swap3A_886 = vector.shape_cast %add3A_878 : vector<16xi32> to vector<16xi32>
      tpu.vector_store %arg6[%swap3A_883], %swap3A_886 {strides = array<i32>} : memref<512xi32, #tpu.memory_space<vmem>>, vector<16xi32>,
      %scan3A_887 = arith.constant 2 : i32
      %dma_start3A_888 = arith.constant 1 : i32
      %dma_start3A_889 = arith.constant 0 : i32
      %dma_start3A_890 = arith.constant 0 : i32
      %dma_start3A_891 = tpu.memref_slice %arg7[%dma_start3A_888, %dma_start3A_889, %dma_start3A_890] : memref<2x256x96xf32, #tpu.memory_space<vmem>> -> memref<1x32x96xf32, #tpu.memory_space<vmem>>
      %dma_start3A_892 = tpu.memref_squeeze %dma_start3A_891 : memref<1x32x96xf32, #tpu.memory_space<vmem>> -> memref<32x96xf32, #tpu.memory_space<vmem>>
      %dma_start3A_893 = arith.constant 256 : i32
      %dma_start3A_894 = tpu.memref_slice %arg6[%dma_start3A_893] : memref<512xi32, #tpu.memory_space<vmem>> -> memref<32xi32, #tpu.memory_space<vmem>>
      %dma_start3A_895 = arith.constant 0 : i32
      %dma_start3A_896 = arith.constant 0 : i32
      %dma_start3A_897 = tpu.memref_slice %arg3[%dma_start3A_895, %dma_start3A_896] : memref<131072x96xf32, #tpu.memory_space<hbm>> -> memref<131072x96xf32, #tpu.memory_space<hbm>>
      tpu.enqueue_indirect_dma source(%dma_start3A_897 : memref<131072x96xf32, #tpu.memory_space<hbm>>) target(%dma_start3A_892 : memref<32x96xf32, #tpu.memory_space<vmem>>) offsets(%dma_start3A_894 : memref<32xi32, #tpu.memory_space<vmem>>) semaphore(%arg9 : memref<!tpu.dma_semaphore, #tpu.memory_space<semaphore_mem>>)
      %dma_start3A_898 = arith.constant 1 : i32
      %dma_start3A_899 = arith.constant 32 : i32
      %dma_start3A_900 = arith.constant 0 : i32
      %dma_start3A_901 = tpu.memref_slice %arg7[%dma_start3A_898, %dma_start3A_899, %dma_start3A_900] : memref<2x256x96xf32, #tpu.memory_space<vmem>> -> memref<1x32x96xf32, #tpu.memory_space<vmem>>
      %dma_start3A_902 = tpu.memref_squeeze %dma_start3A_901 : memref<1x32x96xf32, #tpu.memory_space<vmem>> -> memref<32x96xf32, #tpu.memory_space<vmem>>
      %dma_start3A_903 = arith.constant 288 : i32
      %dma_start3A_904 = tpu.memref_slice %arg6[%dma_start3A_903] : memref<512xi32, #tpu.memory_space<vmem>> -> memref<32xi32, #tpu.memory_space<vmem>>
      %dma_start3A_905 = arith.constant 0 : i32
      %dma_start3A_906 = arith.constant 0 : i32
      %dma_start3A_907 = tpu.memref_slice %arg3[%dma_start3A_905, %dma_start3A_906] : memref<131072x96xf32, #tpu.memory_space<hbm>> -> memref<131072x96xf32, #tpu.memory_space<hbm>>
      tpu.enqueue_indirect_dma source(%dma_start3A_907 : memref<131072x96xf32, #tpu.memory_space<hbm>>) target(%dma_start3A_902 : memref<32x96xf32, #tpu.memory_space<vmem>>) offsets(%dma_start3A_904 : memref<32xi32, #tpu.memory_space<vmem>>) semaphore(%arg9 : memref<!tpu.dma_semaphore, #tpu.memory_space<semaphore_mem>>)
      %dma_start3A_908 = arith.constant 1 : i32
      %dma_start3A_909 = arith.constant 64 : i32
      %dma_start3A_910 = arith.constant 0 : i32
      %dma_start3A_911 = tpu.memref_slice %arg7[%dma_start3A_908, %dma_start3A_909, %dma_start3A_910] : memref<2x256x96xf32, #tpu.memory_space<vmem>> -> memref<1x32x96xf32, #tpu.memory_space<vmem>>
      %dma_start3A_912 = tpu.memref_squeeze %dma_start3A_911 : memref<1x32x96xf32, #tpu.memory_space<vmem>> -> memref<32x96xf32, #tpu.memory_space<vmem>>
      %dma_start3A_913 = arith.constant 320 : i32
      %dma_start3A_914 = tpu.memref_slice %arg6[%dma_start3A_913] : memref<512xi32, #tpu.memory_space<vmem>> -> memref<32xi32, #tpu.memory_space<vmem>>
      %dma_start3A_915 = arith.constant 0 : i32
      %dma_start3A_916 = arith.constant 0 : i32
      %dma_start3A_917 = tpu.memref_slice %arg3[%dma_start3A_915, %dma_start3A_916] : memref<131072x96xf32, #tpu.memory_space<hbm>> -> memref<131072x96xf32, #tpu.memory_space<hbm>>
      tpu.enqueue_indirect_dma source(%dma_start3A_917 : memref<131072x96xf32, #tpu.memory_space<hbm>>) target(%dma_start3A_912 : memref<32x96xf32, #tpu.memory_space<vmem>>) offsets(%dma_start3A_914 : memref<32xi32, #tpu.memory_space<vmem>>) semaphore(%arg9 : memref<!tpu.dma_semaphore, #tpu.memory_space<semaphore_mem>>)
      %dma_start3A_918 = arith.constant 1 : i32
      %dma_start3A_919 = arith.constant 96 : i32
      %dma_start3A_920 = arith.constant 0 : i32
      %dma_start3A_921 = tpu.memref_slice %arg7[%dma_start3A_918, %dma_start3A_919, %dma_start3A_920] : memref<2x256x96xf32, #tpu.memory_space<vmem>> -> memref<1x32x96xf32, #tpu.memory_space<vmem>>
      %dma_start3A_922 = tpu.memref_squeeze %dma_start3A_921 : memref<1x32x96xf32, #tpu.memory_space<vmem>> -> memref<32x96xf32, #tpu.memory_space<vmem>>
      %dma_start3A_923 = arith.constant 352 : i32
      %dma_start3A_924 = tpu.memref_slice %arg6[%dma_start3A_923] : memref<512xi32, #tpu.memory_space<vmem>> -> memref<32xi32, #tpu.memory_space<vmem>>
      %dma_start3A_925 = arith.constant 0 : i32
      %dma_start3A_926 = arith.constant 0 : i32
      %dma_start3A_927 = tpu.memref_slice %arg3[%dma_start3A_925, %dma_start3A_926] : memref<131072x96xf32, #tpu.memory_space<hbm>> -> memref<131072x96xf32, #tpu.memory_space<hbm>>
      tpu.enqueue_indirect_dma source(%dma_start3A_927 : memref<131072x96xf32, #tpu.memory_space<hbm>>) target(%dma_start3A_922 : memref<32x96xf32, #tpu.memory_space<vmem>>) offsets(%dma_start3A_924 : memref<32xi32, #tpu.memory_space<vmem>>) semaphore(%arg9 : memref<!tpu.dma_semaphore, #tpu.memory_space<semaphore_mem>>)
      %dma_start3A_928 = arith.constant 1 : i32
      %dma_start3A_929 = arith.constant 128 : i32
      %dma_start3A_930 = arith.constant 0 : i32
      %dma_start3A_931 = tpu.memref_slice %arg7[%dma_start3A_928, %dma_start3A_929, %dma_start3A_930] : memref<2x256x96xf32, #tpu.memory_space<vmem>> -> memref<1x32x96xf32, #tpu.memory_space<vmem>>
      %dma_start3A_932 = tpu.memref_squeeze %dma_start3A_931 : memref<1x32x96xf32, #tpu.memory_space<vmem>> -> memref<32x96xf32, #tpu.memory_space<vmem>>
      %dma_start3A_933 = arith.constant 384 : i32
      %dma_start3A_934 = tpu.memref_slice %arg6[%dma_start3A_933] : memref<512xi32, #tpu.memory_space<vmem>> -> memref<32xi32, #tpu.memory_space<vmem>>
      %dma_start3A_935 = arith.constant 0 : i32
      %dma_start3A_936 = arith.constant 0 : i32
      %dma_start3A_937 = tpu.memref_slice %arg3[%dma_start3A_935, %dma_start3A_936] : memref<131072x96xf32, #tpu.memory_space<hbm>> -> memref<131072x96xf32, #tpu.memory_space<hbm>>
      tpu.enqueue_indirect_dma source(%dma_start3A_937 : memref<131072x96xf32, #tpu.memory_space<hbm>>) target(%dma_start3A_932 : memref<32x96xf32, #tpu.memory_space<vmem>>) offsets(%dma_start3A_934 : memref<32xi32, #tpu.memory_space<vmem>>) semaphore(%arg9 : memref<!tpu.dma_semaphore, #tpu.memory_space<semaphore_mem>>)
      %dma_start3A_938 = arith.constant 1 : i32
      %dma_start3A_939 = arith.constant 160 : i32
      %dma_start3A_940 = arith.constant 0 : i32
      %dma_start3A_941 = tpu.memref_slice %arg7[%dma_start3A_938, %dma_start3A_939, %dma_start3A_940] : memref<2x256x96xf32, #tpu.memory_space<vmem>> -> memref<1x32x96xf32, #tpu.memory_space<vmem>>
      %dma_start3A_942 = tpu.memref_squeeze %dma_start3A_941 : memref<1x32x96xf32, #tpu.memory_space<vmem>> -> memref<32x96xf32, #tpu.memory_space<vmem>>
      %dma_start3A_943 = arith.constant 416 : i32
      %dma_start3A_944 = tpu.memref_slice %arg6[%dma_start3A_943] : memref<512xi32, #tpu.memory_space<vmem>> -> memref<32xi32, #tpu.memory_space<vmem>>
      %dma_start3A_945 = arith.constant 0 : i32
      %dma_start3A_946 = arith.constant 0 : i32
      %dma_start3A_947 = tpu.memref_slice %arg3[%dma_start3A_945, %dma_start3A_946] : memref<131072x96xf32, #tpu.memory_space<hbm>> -> memref<131072x96xf32, #tpu.memory_space<hbm>>
      tpu.enqueue_indirect_dma source(%dma_start3A_947 : memref<131072x96xf32, #tpu.memory_space<hbm>>) target(%dma_start3A_942 : memref<32x96xf32, #tpu.memory_space<vmem>>) offsets(%dma_start3A_944 : memref<32xi32, #tpu.memory_space<vmem>>) semaphore(%arg9 : memref<!tpu.dma_semaphore, #tpu.memory_space<semaphore_mem>>)
      %dma_start3A_948 = arith.constant 1 : i32
      %dma_start3A_949 = arith.constant 192 : i32
      %dma_start3A_950 = arith.constant 0 : i32
      %dma_start3A_951 = tpu.memref_slice %arg7[%dma_start3A_948, %dma_start3A_949, %dma_start3A_950] : memref<2x256x96xf32, #tpu.memory_space<vmem>> -> memref<1x32x96xf32, #tpu.memory_space<vmem>>
      %dma_start3A_952 = tpu.memref_squeeze %dma_start3A_951 : memref<1x32x96xf32, #tpu.memory_space<vmem>> -> memref<32x96xf32, #tpu.memory_space<vmem>>
      %dma_start3A_953 = arith.constant 448 : i32
      %dma_start3A_954 = tpu.memref_slice %arg6[%dma_start3A_953] : memref<512xi32, #tpu.memory_space<vmem>> -> memref<32xi32, #tpu.memory_space<vmem>>
      %dma_start3A_955 = arith.constant 0 : i32
      %dma_start3A_956 = arith.constant 0 : i32
      %dma_start3A_957 = tpu.memref_slice %arg3[%dma_start3A_955, %dma_start3A_956] : memref<131072x96xf32, #tpu.memory_space<hbm>> -> memref<131072x96xf32, #tpu.memory_space<hbm>>
      tpu.enqueue_indirect_dma source(%dma_start3A_957 : memref<131072x96xf32, #tpu.memory_space<hbm>>) target(%dma_start3A_952 : memref<32x96xf32, #tpu.memory_space<vmem>>) offsets(%dma_start3A_954 : memref<32xi32, #tpu.memory_space<vmem>>) semaphore(%arg9 : memref<!tpu.dma_semaphore, #tpu.memory_space<semaphore_mem>>)
      %dma_start3A_958 = arith.constant 1 : i32
      %dma_start3A_959 = arith.constant 224 : i32
      %dma_start3A_960 = arith.constant 0 : i32
      %dma_start3A_961 = tpu.memref_slice %arg7[%dma_start3A_958, %dma_start3A_959, %dma_start3A_960] : memref<2x256x96xf32, #tpu.memory_space<vmem>> -> memref<1x32x96xf32, #tpu.memory_space<vmem>>
      %dma_start3A_962 = tpu.memref_squeeze %dma_start3A_961 : memref<1x32x96xf32, #tpu.memory_space<vmem>> -> memref<32x96xf32, #tpu.memory_space<vmem>>
      %dma_start3A_963 = arith.constant 480 : i32
      %dma_start3A_964 = tpu.memref_slice %arg6[%dma_start3A_963] : memref<512xi32, #tpu.memory_space<vmem>> -> memref<32xi32, #tpu.memory_space<vmem>>
      %dma_start3A_965 = arith.constant 0 : i32
      %dma_start3A_966 = arith.constant 0 : i32
      %dma_start3A_967 = tpu.memref_slice %arg3[%dma_start3A_965, %dma_start3A_966] : memref<131072x96xf32, #tpu.memory_space<hbm>> -> memref<131072x96xf32, #tpu.memory_space<hbm>>
      tpu.enqueue_indirect_dma source(%dma_start3A_967 : memref<131072x96xf32, #tpu.memory_space<hbm>>) target(%dma_start3A_962 : memref<32x96xf32, #tpu.memory_space<vmem>>) offsets(%dma_start3A_964 : memref<32xi32, #tpu.memory_space<vmem>>) semaphore(%arg9 : memref<!tpu.dma_semaphore, #tpu.memory_space<semaphore_mem>>)
      %dma_wait3A_968 = arith.constant 0 : i32
      %dma_wait3A_969 = arith.constant 0 : i32
      %dma_wait3A_970 = arith.constant 0 : i32
      %dma_wait3A_971 = tpu.memref_slice %arg7[%dma_wait3A_968, %dma_wait3A_969, %dma_wait3A_970] : memref<2x256x96xf32, #tpu.memory_space<vmem>> -> memref<1x32x96xf32, #tpu.memory_space<vmem>>
      %dma_wait3A_972 = tpu.memref_squeeze %dma_wait3A_971 : memref<1x32x96xf32, #tpu.memory_space<vmem>> -> memref<32x96xf32, #tpu.memory_space<vmem>>
      %dma_wait3A_973 = arith.constant 0 : i32
      %dma_wait3A_974 = tpu.memref_slice %arg6[%dma_wait3A_973] : memref<512xi32, #tpu.memory_space<vmem>> -> memref<32xi32, #tpu.memory_space<vmem>>
      %dma_wait3A_975 = arith.constant 0 : i32
      %dma_wait3A_976 = arith.constant 0 : i32
      %dma_wait3A_977 = tpu.memref_slice %arg3[%dma_wait3A_975, %dma_wait3A_976] : memref<131072x96xf32, #tpu.memory_space<hbm>> -> memref<131072x96xf32, #tpu.memory_space<hbm>>
      tpu.wait_indirect_dma semaphore(%arg8 : memref<!tpu.dma_semaphore, #tpu.memory_space<semaphore_mem>>) src(%dma_wait3A_977 : memref<131072x96xf32, #tpu.memory_space<hbm>>) dst(%dma_wait3A_972 : memref<32x96xf32, #tpu.memory_space<vmem>>)
      %dma_wait3A_978 = arith.constant 0 : i32
      %dma_wait3A_979 = arith.constant 32 : i32
      %dma_wait3A_980 = arith.constant 0 : i32
      %dma_wait3A_981 = tpu.memref_slice %arg7[%dma_wait3A_978, %dma_wait3A_979, %dma_wait3A_980] : memref<2x256x96xf32, #tpu.memory_space<vmem>> -> memref<1x32x96xf32, #tpu.memory_space<vmem>>
      %dma_wait3A_982 = tpu.memref_squeeze %dma_wait3A_981 : memref<1x32x96xf32, #tpu.memory_space<vmem>> -> memref<32x96xf32, #tpu.memory_space<vmem>>
      %dma_wait3A_983 = arith.constant 32 : i32
      %dma_wait3A_984 = tpu.memref_slice %arg6[%dma_wait3A_983] : memref<512xi32, #tpu.memory_space<vmem>> -> memref<32xi32, #tpu.memory_space<vmem>>
      %dma_wait3A_985 = arith.constant 0 : i32
      %dma_wait3A_986 = arith.constant 0 : i32
      %dma_wait3A_987 = tpu.memref_slice %arg3[%dma_wait3A_985, %dma_wait3A_986] : memref<131072x96xf32, #tpu.memory_space<hbm>> -> memref<131072x96xf32, #tpu.memory_space<hbm>>
      tpu.wait_indirect_dma semaphore(%arg8 : memref<!tpu.dma_semaphore, #tpu.memory_space<semaphore_mem>>) src(%dma_wait3A_987 : memref<131072x96xf32, #tpu.memory_space<hbm>>) dst(%dma_wait3A_982 : memref<32x96xf32, #tpu.memory_space<vmem>>)
      %dma_wait3A_988 = arith.constant 0 : i32
      %dma_wait3A_989 = arith.constant 64 : i32
      %dma_wait3A_990 = arith.constant 0 : i32
      %dma_wait3A_991 = tpu.memref_slice %arg7[%dma_wait3A_988, %dma_wait3A_989, %dma_wait3A_990] : memref<2x256x96xf32, #tpu.memory_space<vmem>> -> memref<1x32x96xf32, #tpu.memory_space<vmem>>
      %dma_wait3A_992 = tpu.memref_squeeze %dma_wait3A_991 : memref<1x32x96xf32, #tpu.memory_space<vmem>> -> memref<32x96xf32, #tpu.memory_space<vmem>>
      %dma_wait3A_993 = arith.constant 64 : i32
      %dma_wait3A_994 = tpu.memref_slice %arg6[%dma_wait3A_993] : memref<512xi32, #tpu.memory_space<vmem>> -> memref<32xi32, #tpu.memory_space<vmem>>
      %dma_wait3A_995 = arith.constant 0 : i32
      %dma_wait3A_996 = arith.constant 0 : i32
      %dma_wait3A_997 = tpu.memref_slice %arg3[%dma_wait3A_995, %dma_wait3A_996] : memref<131072x96xf32, #tpu.memory_space<hbm>> -> memref<131072x96xf32, #tpu.memory_space<hbm>>
      tpu.wait_indirect_dma semaphore(%arg8 : memref<!tpu.dma_semaphore, #tpu.memory_space<semaphore_mem>>) src(%dma_wait3A_997 : memref<131072x96xf32, #tpu.memory_space<hbm>>) dst(%dma_wait3A_992 : memref<32x96xf32, #tpu.memory_space<vmem>>)
      %dma_wait3A_998 = arith.constant 0 : i32
      %dma_wait3A_999 = arith.constant 96 : i32
      %dma_wait3A_1000 = arith.constant 0 : i32
      %dma_wait3A_1001 = tpu.memref_slice %arg7[%dma_wait3A_998, %dma_wait3A_999, %dma_wait3A_1000] : memref<2x256x96xf32, #tpu.memory_space<vmem>> -> memref<1x32x96xf32, #tpu.memory_space<vmem>>
      %dma_wait3A_1002 = tpu.memref_squeeze %dma_wait3A_1001 : memref<1x32x96xf32, #tpu.memory_space<vmem>> -> memref<32x96xf32, #tpu.memory_space<vmem>>
      %dma_wait3A_1003 = arith.constant 96 : i32
      %dma_wait3A_1004 = tpu.memref_slice %arg6[%dma_wait3A_1003] : memref<512xi32, #tpu.memory_space<vmem>> -> memref<32xi32, #tpu.memory_space<vmem>>
      %dma_wait3A_1005 = arith.constant 0 : i32
      %dma_wait3A_1006 = arith.constant 0 : i32
      %dma_wait3A_1007 = tpu.memref_slice %arg3[%dma_wait3A_1005, %dma_wait3A_1006] : memref<131072x96xf32, #tpu.memory_space<hbm>> -> memref<131072x96xf32, #tpu.memory_space<hbm>>
      tpu.wait_indirect_dma semaphore(%arg8 : memref<!tpu.dma_semaphore, #tpu.memory_space<semaphore_mem>>) src(%dma_wait3A_1007 : memref<131072x96xf32, #tpu.memory_space<hbm>>) dst(%dma_wait3A_1002 : memref<32x96xf32, #tpu.memory_space<vmem>>)
      %dma_wait3A_1008 = arith.constant 0 : i32
      %dma_wait3A_1009 = arith.constant 128 : i32
      %dma_wait3A_1010 = arith.constant 0 : i32
      %dma_wait3A_1011 = tpu.memref_slice %arg7[%dma_wait3A_1008, %dma_wait3A_1009, %dma_wait3A_1010] : memref<2x256x96xf32, #tpu.memory_space<vmem>> -> memref<1x32x96xf32, #tpu.memory_space<vmem>>
      %dma_wait3A_1012 = tpu.memref_squeeze %dma_wait3A_1011 : memref<1x32x96xf32, #tpu.memory_space<vmem>> -> memref<32x96xf32, #tpu.memory_space<vmem>>
      %dma_wait3A_1013 = arith.constant 128 : i32
      %dma_wait3A_1014 = tpu.memref_slice %arg6[%dma_wait3A_1013] : memref<512xi32, #tpu.memory_space<vmem>> -> memref<32xi32, #tpu.memory_space<vmem>>
      %dma_wait3A_1015 = arith.constant 0 : i32
      %dma_wait3A_1016 = arith.constant 0 : i32
      %dma_wait3A_1017 = tpu.memref_slice %arg3[%dma_wait3A_1015, %dma_wait3A_1016] : memref<131072x96xf32, #tpu.memory_space<hbm>> -> memref<131072x96xf32, #tpu.memory_space<hbm>>
      tpu.wait_indirect_dma semaphore(%arg8 : memref<!tpu.dma_semaphore, #tpu.memory_space<semaphore_mem>>) src(%dma_wait3A_1017 : memref<131072x96xf32, #tpu.memory_space<hbm>>) dst(%dma_wait3A_1012 : memref<32x96xf32, #tpu.memory_space<vmem>>)
      %dma_wait3A_1018 = arith.constant 0 : i32
      %dma_wait3A_1019 = arith.constant 160 : i32
      %dma_wait3A_1020 = arith.constant 0 : i32
      %dma_wait3A_1021 = tpu.memref_slice %arg7[%dma_wait3A_1018, %dma_wait3A_1019, %dma_wait3A_1020] : memref<2x256x96xf32, #tpu.memory_space<vmem>> -> memref<1x32x96xf32, #tpu.memory_space<vmem>>
      %dma_wait3A_1022 = tpu.memref_squeeze %dma_wait3A_1021 : memref<1x32x96xf32, #tpu.memory_space<vmem>> -> memref<32x96xf32, #tpu.memory_space<vmem>>
      %dma_wait3A_1023 = arith.constant 160 : i32
      %dma_wait3A_1024 = tpu.memref_slice %arg6[%dma_wait3A_1023] : memref<512xi32, #tpu.memory_space<vmem>> -> memref<32xi32, #tpu.memory_space<vmem>>
      %dma_wait3A_1025 = arith.constant 0 : i32
      %dma_wait3A_1026 = arith.constant 0 : i32
      %dma_wait3A_1027 = tpu.memref_slice %arg3[%dma_wait3A_1025, %dma_wait3A_1026] : memref<131072x96xf32, #tpu.memory_space<hbm>> -> memref<131072x96xf32, #tpu.memory_space<hbm>>
      tpu.wait_indirect_dma semaphore(%arg8 : memref<!tpu.dma_semaphore, #tpu.memory_space<semaphore_mem>>) src(%dma_wait3A_1027 : memref<131072x96xf32, #tpu.memory_space<hbm>>) dst(%dma_wait3A_1022 : memref<32x96xf32, #tpu.memory_space<vmem>>)
      %dma_wait3A_1028 = arith.constant 0 : i32
      %dma_wait3A_1029 = arith.constant 192 : i32
      %dma_wait3A_1030 = arith.constant 0 : i32
      %dma_wait3A_1031 = tpu.memref_slice %arg7[%dma_wait3A_1028, %dma_wait3A_1029, %dma_wait3A_1030] : memref<2x256x96xf32, #tpu.memory_space<vmem>> -> memref<1x32x96xf32, #tpu.memory_space<vmem>>
      %dma_wait3A_1032 = tpu.memref_squeeze %dma_wait3A_1031 : memref<1x32x96xf32, #tpu.memory_space<vmem>> -> memref<32x96xf32, #tpu.memory_space<vmem>>
      %dma_wait3A_1033 = arith.constant 192 : i32
      %dma_wait3A_1034 = tpu.memref_slice %arg6[%dma_wait3A_1033] : memref<512xi32, #tpu.memory_space<vmem>> -> memref<32xi32, #tpu.memory_space<vmem>>
      %dma_wait3A_1035 = arith.constant 0 : i32
      %dma_wait3A_1036 = arith.constant 0 : i32
      %dma_wait3A_1037 = tpu.memref_slice %arg3[%dma_wait3A_1035, %dma_wait3A_1036] : memref<131072x96xf32, #tpu.memory_space<hbm>> -> memref<131072x96xf32, #tpu.memory_space<hbm>>
      tpu.wait_indirect_dma semaphore(%arg8 : memref<!tpu.dma_semaphore, #tpu.memory_space<semaphore_mem>>) src(%dma_wait3A_1037 : memref<131072x96xf32, #tpu.memory_space<hbm>>) dst(%dma_wait3A_1032 : memref<32x96xf32, #tpu.memory_space<vmem>>)
      %dma_wait3A_1038 = arith.constant 0 : i32
      %dma_wait3A_1039 = arith.constant 224 : i32
      %dma_wait3A_1040 = arith.constant 0 : i32
      %dma_wait3A_1041 = tpu.memref_slice %arg7[%dma_wait3A_1038, %dma_wait3A_1039, %dma_wait3A_1040] : memref<2x256x96xf32, #tpu.memory_space<vmem>> -> memref<1x32x96xf32, #tpu.memory_space<vmem>>
      %dma_wait3A_1042 = tpu.memref_squeeze %dma_wait3A_1041 : memref<1x32x96xf32, #tpu.memory_space<vmem>> -> memref<32x96xf32, #tpu.memory_space<vmem>>
      %dma_wait3A_1043 = arith.constant 224 : i32
      %dma_wait3A_1044 = tpu.memref_slice %arg6[%dma_wait3A_1043] : memref<512xi32, #tpu.memory_space<vmem>> -> memref<32xi32, #tpu.memory_space<vmem>>
      %dma_wait3A_1045 = arith.constant 0 : i32
      %dma_wait3A_1046 = arith.constant 0 : i32
      %dma_wait3A_1047 = tpu.memref_slice %arg3[%dma_wait3A_1045, %dma_wait3A_1046] : memref<131072x96xf32, #tpu.memory_space<hbm>> -> memref<131072x96xf32, #tpu.memory_space<hbm>>
      tpu.wait_indirect_dma semaphore(%arg8 : memref<!tpu.dma_semaphore, #tpu.memory_space<semaphore_mem>>) src(%dma_wait3A_1047 : memref<131072x96xf32, #tpu.memory_space<hbm>>) dst(%dma_wait3A_1042 : memref<32x96xf32, #tpu.memory_space<vmem>>)
      %mul3A_1048 = arith.constant 2 : i32
      %mul3A_1049 = arith.muli %mul3A_1048, %scan3A_587 : i32
      %mul3A_1050 = arith.constant 32 : i32
      %mul3A_1051 = arith.muli %mul3A_1049, %mul3A_1050 : i32
      %add3A_1052 = arith.addi %mul3A_2, %mul3A_1051 : i32
      %dma_start3A_1053 = arith.constant 0 : i32
      %dma_start3A_1054 = arith.constant 0 : i32
      %dma_start3A_1055 = arith.constant 0 : i32
      %dma_start3A_1056 = tpu.memref_slice %arg7[%dma_start3A_1053, %dma_start3A_1054, %dma_start3A_1055] : memref<2x256x96xf32, #tpu.memory_space<vmem>> -> memref<1x32x96xf32, #tpu.memory_space<vmem>>
      %dma_start3A_1057 = tpu.memref_squeeze %dma_start3A_1056 : memref<1x32x96xf32, #tpu.memory_space<vmem>> -> memref<32x96xf32, #tpu.memory_space<vmem>>
      %dma_start3A_1058 = arith.constant 0 : i32
      %dma_start3A_1059 = tpu.memref_slice %arg4[%add3A_1052, %dma_start3A_1058] : memref<16384x768xf32, #tpu.memory_space<hbm>> -> memref<32x96xf32, #tpu.memory_space<hbm>>
      %dma_start3A_1060 = arith.constant 0 : i32
      %dma_start3A_1061 = tpu.memref_slice %arg4[%add3A_1052, %dma_start3A_1060] : memref<16384x768xf32, #tpu.memory_space<hbm>> -> memref<32x96xf32, #tpu.memory_space<hbm>>
      %dma_start3A_1062 = arith.constant 0 : i32
      %dma_start3A_1063 = arith.constant 0 : i32
      %dma_start3A_1064 = tpu.memref_slice %arg7[%dma_start3A_1053, %dma_start3A_1062, %dma_start3A_1063] : memref<2x256x96xf32, #tpu.memory_space<vmem>> -> memref<1x32x96xf32, #tpu.memory_space<vmem>>
      %dma_start3A_1065 = tpu.memref_squeeze %dma_start3A_1064 : memref<1x32x96xf32, #tpu.memory_space<vmem>> -> memref<32x96xf32, #tpu.memory_space<vmem>>
      tpu.enqueue_dma source(%dma_start3A_1065 : memref<32x96xf32, #tpu.memory_space<vmem>>) target(%dma_start3A_1061 : memref<32x96xf32, #tpu.memory_space<hbm>>) target_semaphore(%arg10 : memref<!tpu.dma_semaphore, #tpu.memory_space<semaphore_mem>>)
      %mul3A_1066 = arith.constant 32 : i32
      %mul3A_1067 = arith.muli %mul3A_1049, %mul3A_1066 : i32
      %add3A_1068 = arith.addi %mul3A_2, %mul3A_1067 : i32
      %dma_start3A_1069 = arith.constant 0 : i32
      %dma_start3A_1070 = arith.constant 32 : i32
      %dma_start3A_1071 = arith.constant 0 : i32
      %dma_start3A_1072 = tpu.memref_slice %arg7[%dma_start3A_1069, %dma_start3A_1070, %dma_start3A_1071] : memref<2x256x96xf32, #tpu.memory_space<vmem>> -> memref<1x32x96xf32, #tpu.memory_space<vmem>>
      %dma_start3A_1073 = tpu.memref_squeeze %dma_start3A_1072 : memref<1x32x96xf32, #tpu.memory_space<vmem>> -> memref<32x96xf32, #tpu.memory_space<vmem>>
      %dma_start3A_1074 = arith.constant 96 : i32
      %dma_start3A_1075 = tpu.memref_slice %arg4[%add3A_1068, %dma_start3A_1074] : memref<16384x768xf32, #tpu.memory_space<hbm>> -> memref<32x96xf32, #tpu.memory_space<hbm>>
      %dma_start3A_1076 = arith.constant 96 : i32
      %dma_start3A_1077 = tpu.memref_slice %arg4[%add3A_1068, %dma_start3A_1076] : memref<16384x768xf32, #tpu.memory_space<hbm>> -> memref<32x96xf32, #tpu.memory_space<hbm>>
      %dma_start3A_1078 = arith.constant 32 : i32
      %dma_start3A_1079 = arith.constant 0 : i32
      %dma_start3A_1080 = tpu.memref_slice %arg7[%dma_start3A_1069, %dma_start3A_1078, %dma_start3A_1079] : memref<2x256x96xf32, #tpu.memory_space<vmem>> -> memref<1x32x96xf32, #tpu.memory_space<vmem>>
      %dma_start3A_1081 = tpu.memref_squeeze %dma_start3A_1080 : memref<1x32x96xf32, #tpu.memory_space<vmem>> -> memref<32x96xf32, #tpu.memory_space<vmem>>
      tpu.enqueue_dma source(%dma_start3A_1081 : memref<32x96xf32, #tpu.memory_space<vmem>>) target(%dma_start3A_1077 : memref<32x96xf32, #tpu.memory_space<hbm>>) target_semaphore(%arg10 : memref<!tpu.dma_semaphore, #tpu.memory_space<semaphore_mem>>)
      %mul3A_1082 = arith.constant 32 : i32
      %mul3A_1083 = arith.muli %mul3A_1049, %mul3A_1082 : i32
      %add3A_1084 = arith.addi %mul3A_2, %mul3A_1083 : i32
      %dma_start3A_1085 = arith.constant 0 : i32
      %dma_start3A_1086 = arith.constant 64 : i32
      %dma_start3A_1087 = arith.constant 0 : i32
      %dma_start3A_1088 = tpu.memref_slice %arg7[%dma_start3A_1085, %dma_start3A_1086, %dma_start3A_1087] : memref<2x256x96xf32, #tpu.memory_space<vmem>> -> memref<1x32x96xf32, #tpu.memory_space<vmem>>
      %dma_start3A_1089 = tpu.memref_squeeze %dma_start3A_1088 : memref<1x32x96xf32, #tpu.memory_space<vmem>> -> memref<32x96xf32, #tpu.memory_space<vmem>>
      %dma_start3A_1090 = arith.constant 192 : i32
      %dma_start3A_1091 = tpu.memref_slice %arg4[%add3A_1084, %dma_start3A_1090] : memref<16384x768xf32, #tpu.memory_space<hbm>> -> memref<32x96xf32, #tpu.memory_space<hbm>>
      %dma_start3A_1092 = arith.constant 192 : i32
      %dma_start3A_1093 = tpu.memref_slice %arg4[%add3A_1084, %dma_start3A_1092] : memref<16384x768xf32, #tpu.memory_space<hbm>> -> memref<32x96xf32, #tpu.memory_space<hbm>>
      %dma_start3A_1094 = arith.constant 64 : i32
      %dma_start3A_1095 = arith.constant 0 : i32
      %dma_start3A_1096 = tpu.memref_slice %arg7[%dma_start3A_1085, %dma_start3A_1094, %dma_start3A_1095] : memref<2x256x96xf32, #tpu.memory_space<vmem>> -> memref<1x32x96xf32, #tpu.memory_space<vmem>>
      %dma_start3A_1097 = tpu.memref_squeeze %dma_start3A_1096 : memref<1x32x96xf32, #tpu.memory_space<vmem>> -> memref<32x96xf32, #tpu.memory_space<vmem>>
      tpu.enqueue_dma source(%dma_start3A_1097 : memref<32x96xf32, #tpu.memory_space<vmem>>) target(%dma_start3A_1093 : memref<32x96xf32, #tpu.memory_space<hbm>>) target_semaphore(%arg10 : memref<!tpu.dma_semaphore, #tpu.memory_space<semaphore_mem>>)
      %mul3A_1098 = arith.constant 32 : i32
      %mul3A_1099 = arith.muli %mul3A_1049, %mul3A_1098 : i32
      %add3A_1100 = arith.addi %mul3A_2, %mul3A_1099 : i32
      %dma_start3A_1101 = arith.constant 0 : i32
      %dma_start3A_1102 = arith.constant 96 : i32
      %dma_start3A_1103 = arith.constant 0 : i32
      %dma_start3A_1104 = tpu.memref_slice %arg7[%dma_start3A_1101, %dma_start3A_1102, %dma_start3A_1103] : memref<2x256x96xf32, #tpu.memory_space<vmem>> -> memref<1x32x96xf32, #tpu.memory_space<vmem>>
      %dma_start3A_1105 = tpu.memref_squeeze %dma_start3A_1104 : memref<1x32x96xf32, #tpu.memory_space<vmem>> -> memref<32x96xf32, #tpu.memory_space<vmem>>
      %dma_start3A_1106 = arith.constant 288 : i32
      %dma_start3A_1107 = tpu.memref_slice %arg4[%add3A_1100, %dma_start3A_1106] : memref<16384x768xf32, #tpu.memory_space<hbm>> -> memref<32x96xf32, #tpu.memory_space<hbm>>
      %dma_start3A_1108 = arith.constant 288 : i32
      %dma_start3A_1109 = tpu.memref_slice %arg4[%add3A_1100, %dma_start3A_1108] : memref<16384x768xf32, #tpu.memory_space<hbm>> -> memref<32x96xf32, #tpu.memory_space<hbm>>
      %dma_start3A_1110 = arith.constant 96 : i32
      %dma_start3A_1111 = arith.constant 0 : i32
      %dma_start3A_1112 = tpu.memref_slice %arg7[%dma_start3A_1101, %dma_start3A_1110, %dma_start3A_1111] : memref<2x256x96xf32, #tpu.memory_space<vmem>> -> memref<1x32x96xf32, #tpu.memory_space<vmem>>
      %dma_start3A_1113 = tpu.memref_squeeze %dma_start3A_1112 : memref<1x32x96xf32, #tpu.memory_space<vmem>> -> memref<32x96xf32, #tpu.memory_space<vmem>>
      tpu.enqueue_dma source(%dma_start3A_1113 : memref<32x96xf32, #tpu.memory_space<vmem>>) target(%dma_start3A_1109 : memref<32x96xf32, #tpu.memory_space<hbm>>) target_semaphore(%arg10 : memref<!tpu.dma_semaphore, #tpu.memory_space<semaphore_mem>>)
      %mul3A_1114 = arith.constant 32 : i32
      %mul3A_1115 = arith.muli %mul3A_1049, %mul3A_1114 : i32
      %add3A_1116 = arith.addi %mul3A_2, %mul3A_1115 : i32
      %dma_start3A_1117 = arith.constant 0 : i32
      %dma_start3A_1118 = arith.constant 128 : i32
      %dma_start3A_1119 = arith.constant 0 : i32
      %dma_start3A_1120 = tpu.memref_slice %arg7[%dma_start3A_1117, %dma_start3A_1118, %dma_start3A_1119] : memref<2x256x96xf32, #tpu.memory_space<vmem>> -> memref<1x32x96xf32, #tpu.memory_space<vmem>>
      %dma_start3A_1121 = tpu.memref_squeeze %dma_start3A_1120 : memref<1x32x96xf32, #tpu.memory_space<vmem>> -> memref<32x96xf32, #tpu.memory_space<vmem>>
      %dma_start3A_1122 = arith.constant 384 : i32
      %dma_start3A_1123 = tpu.memref_slice %arg4[%add3A_1116, %dma_start3A_1122] : memref<16384x768xf32, #tpu.memory_space<hbm>> -> memref<32x96xf32, #tpu.memory_space<hbm>>
      %dma_start3A_1124 = arith.constant 384 : i32
      %dma_start3A_1125 = tpu.memref_slice %arg4[%add3A_1116, %dma_start3A_1124] : memref<16384x768xf32, #tpu.memory_space<hbm>> -> memref<32x96xf32, #tpu.memory_space<hbm>>
      %dma_start3A_1126 = arith.constant 128 : i32
      %dma_start3A_1127 = arith.constant 0 : i32
      %dma_start3A_1128 = tpu.memref_slice %arg7[%dma_start3A_1117, %dma_start3A_1126, %dma_start3A_1127] : memref<2x256x96xf32, #tpu.memory_space<vmem>> -> memref<1x32x96xf32, #tpu.memory_space<vmem>>
      %dma_start3A_1129 = tpu.memref_squeeze %dma_start3A_1128 : memref<1x32x96xf32, #tpu.memory_space<vmem>> -> memref<32x96xf32, #tpu.memory_space<vmem>>
      tpu.enqueue_dma source(%dma_start3A_1129 : memref<32x96xf32, #tpu.memory_space<vmem>>) target(%dma_start3A_1125 : memref<32x96xf32, #tpu.memory_space<hbm>>) target_semaphore(%arg10 : memref<!tpu.dma_semaphore, #tpu.memory_space<semaphore_mem>>)
      %mul3A_1130 = arith.constant 32 : i32
      %mul3A_1131 = arith.muli %mul3A_1049, %mul3A_1130 : i32
      %add3A_1132 = arith.addi %mul3A_2, %mul3A_1131 : i32
      %dma_start3A_1133 = arith.constant 0 : i32
      %dma_start3A_1134 = arith.constant 160 : i32
      %dma_start3A_1135 = arith.constant 0 : i32
      %dma_start3A_1136 = tpu.memref_slice %arg7[%dma_start3A_1133, %dma_start3A_1134, %dma_start3A_1135] : memref<2x256x96xf32, #tpu.memory_space<vmem>> -> memref<1x32x96xf32, #tpu.memory_space<vmem>>
      %dma_start3A_1137 = tpu.memref_squeeze %dma_start3A_1136 : memref<1x32x96xf32, #tpu.memory_space<vmem>> -> memref<32x96xf32, #tpu.memory_space<vmem>>
      %dma_start3A_1138 = arith.constant 480 : i32
      %dma_start3A_1139 = tpu.memref_slice %arg4[%add3A_1132, %dma_start3A_1138] : memref<16384x768xf32, #tpu.memory_space<hbm>> -> memref<32x96xf32, #tpu.memory_space<hbm>>
      %dma_start3A_1140 = arith.constant 480 : i32
      %dma_start3A_1141 = tpu.memref_slice %arg4[%add3A_1132, %dma_start3A_1140] : memref<16384x768xf32, #tpu.memory_space<hbm>> -> memref<32x96xf32, #tpu.memory_space<hbm>>
      %dma_start3A_1142 = arith.constant 160 : i32
      %dma_start3A_1143 = arith.constant 0 : i32
      %dma_start3A_1144 = tpu.memref_slice %arg7[%dma_start3A_1133, %dma_start3A_1142, %dma_start3A_1143] : memref<2x256x96xf32, #tpu.memory_space<vmem>> -> memref<1x32x96xf32, #tpu.memory_space<vmem>>
      %dma_start3A_1145 = tpu.memref_squeeze %dma_start3A_1144 : memref<1x32x96xf32, #tpu.memory_space<vmem>> -> memref<32x96xf32, #tpu.memory_space<vmem>>
      tpu.enqueue_dma source(%dma_start3A_1145 : memref<32x96xf32, #tpu.memory_space<vmem>>) target(%dma_start3A_1141 : memref<32x96xf32, #tpu.memory_space<hbm>>) target_semaphore(%arg10 : memref<!tpu.dma_semaphore, #tpu.memory_space<semaphore_mem>>)
      %mul3A_1146 = arith.constant 32 : i32
      %mul3A_1147 = arith.muli %mul3A_1049, %mul3A_1146 : i32
      %add3A_1148 = arith.addi %mul3A_2, %mul3A_1147 : i32
      %dma_start3A_1149 = arith.constant 0 : i32
      %dma_start3A_1150 = arith.constant 192 : i32
      %dma_start3A_1151 = arith.constant 0 : i32
      %dma_start3A_1152 = tpu.memref_slice %arg7[%dma_start3A_1149, %dma_start3A_1150, %dma_start3A_1151] : memref<2x256x96xf32, #tpu.memory_space<vmem>> -> memref<1x32x96xf32, #tpu.memory_space<vmem>>
      %dma_start3A_1153 = tpu.memref_squeeze %dma_start3A_1152 : memref<1x32x96xf32, #tpu.memory_space<vmem>> -> memref<32x96xf32, #tpu.memory_space<vmem>>
      %dma_start3A_1154 = arith.constant 576 : i32
      %dma_start3A_1155 = tpu.memref_slice %arg4[%add3A_1148, %dma_start3A_1154] : memref<16384x768xf32, #tpu.memory_space<hbm>> -> memref<32x96xf32, #tpu.memory_space<hbm>>
      %dma_start3A_1156 = arith.constant 576 : i32
      %dma_start3A_1157 = tpu.memref_slice %arg4[%add3A_1148, %dma_start3A_1156] : memref<16384x768xf32, #tpu.memory_space<hbm>> -> memref<32x96xf32, #tpu.memory_space<hbm>>
      %dma_start3A_1158 = arith.constant 192 : i32
      %dma_start3A_1159 = arith.constant 0 : i32
      %dma_start3A_1160 = tpu.memref_slice %arg7[%dma_start3A_1149, %dma_start3A_1158, %dma_start3A_1159] : memref<2x256x96xf32, #tpu.memory_space<vmem>> -> memref<1x32x96xf32, #tpu.memory_space<vmem>>
      %dma_start3A_1161 = tpu.memref_squeeze %dma_start3A_1160 : memref<1x32x96xf32, #tpu.memory_space<vmem>> -> memref<32x96xf32, #tpu.memory_space<vmem>>
      tpu.enqueue_dma source(%dma_start3A_1161 : memref<32x96xf32, #tpu.memory_space<vmem>>) target(%dma_start3A_1157 : memref<32x96xf32, #tpu.memory_space<hbm>>) target_semaphore(%arg10 : memref<!tpu.dma_semaphore, #tpu.memory_space<semaphore_mem>>)
      %mul3A_1162 = arith.constant 32 : i32
      %mul3A_1163 = arith.muli %mul3A_1049, %mul3A_1162 : i32
      %add3A_1164 = arith.addi %mul3A_2, %mul3A_1163 : i32
      %dma_start3A_1165 = arith.constant 0 : i32
      %dma_start3A_1166 = arith.constant 224 : i32
      %dma_start3A_1167 = arith.constant 0 : i32
      %dma_start3A_1168 = tpu.memref_slice %arg7[%dma_start3A_1165, %dma_start3A_1166, %dma_start3A_1167] : memref<2x256x96xf32, #tpu.memory_space<vmem>> -> memref<1x32x96xf32, #tpu.memory_space<vmem>>
      %dma_start3A_1169 = tpu.memref_squeeze %dma_start3A_1168 : memref<1x32x96xf32, #tpu.memory_space<vmem>> -> memref<32x96xf32, #tpu.memory_space<vmem>>
      %dma_start3A_1170 = arith.constant 672 : i32
      %dma_start3A_1171 = tpu.memref_slice %arg4[%add3A_1164, %dma_start3A_1170] : memref<16384x768xf32, #tpu.memory_space<hbm>> -> memref<32x96xf32, #tpu.memory_space<hbm>>
      %dma_start3A_1172 = arith.constant 672 : i32
      %dma_start3A_1173 = tpu.memref_slice %arg4[%add3A_1164, %dma_start3A_1172] : memref<16384x768xf32, #tpu.memory_space<hbm>> -> memref<32x96xf32, #tpu.memory_space<hbm>>
      %dma_start3A_1174 = arith.constant 224 : i32
      %dma_start3A_1175 = arith.constant 0 : i32
      %dma_start3A_1176 = tpu.memref_slice %arg7[%dma_start3A_1165, %dma_start3A_1174, %dma_start3A_1175] : memref<2x256x96xf32, #tpu.memory_space<vmem>> -> memref<1x32x96xf32, #tpu.memory_space<vmem>>
      %dma_start3A_1177 = tpu.memref_squeeze %dma_start3A_1176 : memref<1x32x96xf32, #tpu.memory_space<vmem>> -> memref<32x96xf32, #tpu.memory_space<vmem>>
      tpu.enqueue_dma source(%dma_start3A_1177 : memref<32x96xf32, #tpu.memory_space<vmem>>) target(%dma_start3A_1173 : memref<32x96xf32, #tpu.memory_space<hbm>>) target_semaphore(%arg10 : memref<!tpu.dma_semaphore, #tpu.memory_space<semaphore_mem>>)
      %lt3A = arith.constant 7 : i32
      %lt3A_1178 = arith.cmpi slt, %scan3A_587, %lt3A : i32
      %convert_element_type3A = arith.extui %lt3A_1178 : i1 to i32
      %cond3A = arith.constant 0 : i32
      %cond3A_1179 = arith.cmpi ne, %convert_element_type3A, %cond3A : i32
      scf.if %cond3A_1179 {
        %dma_wait3A_1393 = arith.constant 0 : i32
        %dma_wait3A_1394 = arith.constant 0 : i32
        %dma_wait3A_1395 = arith.constant 0 : i32
        %dma_wait3A_1396 = tpu.memref_slice %arg7[%dma_wait3A_1393, %dma_wait3A_1394, %dma_wait3A_1395] : memref<2x256x96xf32, #tpu.memory_space<vmem>> -> memref<1x32x96xf32, #tpu.memory_space<vmem>>
        %dma_wait3A_1397 = tpu.memref_squeeze %dma_wait3A_1396 : memref<1x32x96xf32, #tpu.memory_space<vmem>> -> memref<32x96xf32, #tpu.memory_space<vmem>>
        %dma_wait3A_1398 = arith.constant 0 : i32
        %dma_wait3A_1399 = tpu.memref_slice %arg4[%mul3A_2, %dma_wait3A_1398] : memref<16384x768xf32, #tpu.memory_space<hbm>> -> memref<32x96xf32, #tpu.memory_space<hbm>>
        %dma_wait3A_1400 = arith.constant 0 : i32
        %dma_wait3A_1401 = tpu.memref_slice %arg4[%mul3A_2, %dma_wait3A_1400] : memref<16384x768xf32, #tpu.memory_space<hbm>> -> memref<32x96xf32, #tpu.memory_space<hbm>>
        %dma_wait3A_1402 = arith.constant 0 : i32
        %dma_wait3A_1403 = arith.constant 0 : i32
        %dma_wait3A_1404 = tpu.memref_slice %arg7[%dma_wait3A_1393, %dma_wait3A_1402, %dma_wait3A_1403] : memref<2x256x96xf32, #tpu.memory_space<vmem>> -> memref<1x32x96xf32, #tpu.memory_space<vmem>>
        %dma_wait3A_1405 = tpu.memref_squeeze %dma_wait3A_1404 : memref<1x32x96xf32, #tpu.memory_space<vmem>> -> memref<32x96xf32, #tpu.memory_space<vmem>>
        tpu.wait_dma2 semaphore(%arg10 : memref<!tpu.dma_semaphore, #tpu.memory_space<semaphore_mem>>) src(%dma_wait3A_1405 : memref<32x96xf32, #tpu.memory_space<vmem>>) dst(%dma_wait3A_1401 : memref<32x96xf32, #tpu.memory_space<hbm>>)
        %dma_wait3A_1406 = arith.constant 0 : i32
        %dma_wait3A_1407 = arith.constant 32 : i32
        %dma_wait3A_1408 = arith.constant 0 : i32
        %dma_wait3A_1409 = tpu.memref_slice %arg7[%dma_wait3A_1406, %dma_wait3A_1407, %dma_wait3A_1408] : memref<2x256x96xf32, #tpu.memory_space<vmem>> -> memref<1x32x96xf32, #tpu.memory_space<vmem>>
        %dma_wait3A_1410 = tpu.memref_squeeze %dma_wait3A_1409 : memref<1x32x96xf32, #tpu.memory_space<vmem>> -> memref<32x96xf32, #tpu.memory_space<vmem>>
        %dma_wait3A_1411 = arith.constant 96 : i32
        %dma_wait3A_1412 = tpu.memref_slice %arg4[%mul3A_2, %dma_wait3A_1411] : memref<16384x768xf32, #tpu.memory_space<hbm>> -> memref<32x96xf32, #tpu.memory_space<hbm>>
        %dma_wait3A_1413 = arith.constant 96 : i32
        %dma_wait3A_1414 = tpu.memref_slice %arg4[%mul3A_2, %dma_wait3A_1413] : memref<16384x768xf32, #tpu.memory_space<hbm>> -> memref<32x96xf32, #tpu.memory_space<hbm>>
        %dma_wait3A_1415 = arith.constant 32 : i32
        %dma_wait3A_1416 = arith.constant 0 : i32
        %dma_wait3A_1417 = tpu.memref_slice %arg7[%dma_wait3A_1406, %dma_wait3A_1415, %dma_wait3A_1416] : memref<2x256x96xf32, #tpu.memory_space<vmem>> -> memref<1x32x96xf32, #tpu.memory_space<vmem>>
        %dma_wait3A_1418 = tpu.memref_squeeze %dma_wait3A_1417 : memref<1x32x96xf32, #tpu.memory_space<vmem>> -> memref<32x96xf32, #tpu.memory_space<vmem>>
        tpu.wait_dma2 semaphore(%arg10 : memref<!tpu.dma_semaphore, #tpu.memory_space<semaphore_mem>>) src(%dma_wait3A_1418 : memref<32x96xf32, #tpu.memory_space<vmem>>) dst(%dma_wait3A_1414 : memref<32x96xf32, #tpu.memory_space<hbm>>)
        %dma_wait3A_1419 = arith.constant 0 : i32
        %dma_wait3A_1420 = arith.constant 64 : i32
        %dma_wait3A_1421 = arith.constant 0 : i32
        %dma_wait3A_1422 = tpu.memref_slice %arg7[%dma_wait3A_1419, %dma_wait3A_1420, %dma_wait3A_1421] : memref<2x256x96xf32, #tpu.memory_space<vmem>> -> memref<1x32x96xf32, #tpu.memory_space<vmem>>
        %dma_wait3A_1423 = tpu.memref_squeeze %dma_wait3A_1422 : memref<1x32x96xf32, #tpu.memory_space<vmem>> -> memref<32x96xf32, #tpu.memory_space<vmem>>
        %dma_wait3A_1424 = arith.constant 192 : i32
        %dma_wait3A_1425 = tpu.memref_slice %arg4[%mul3A_2, %dma_wait3A_1424] : memref<16384x768xf32, #tpu.memory_space<hbm>> -> memref<32x96xf32, #tpu.memory_space<hbm>>
        %dma_wait3A_1426 = arith.constant 192 : i32
        %dma_wait3A_1427 = tpu.memref_slice %arg4[%mul3A_2, %dma_wait3A_1426] : memref<16384x768xf32, #tpu.memory_space<hbm>> -> memref<32x96xf32, #tpu.memory_space<hbm>>
        %dma_wait3A_1428 = arith.constant 64 : i32
        %dma_wait3A_1429 = arith.constant 0 : i32
        %dma_wait3A_1430 = tpu.memref_slice %arg7[%dma_wait3A_1419, %dma_wait3A_1428, %dma_wait3A_1429] : memref<2x256x96xf32, #tpu.memory_space<vmem>> -> memref<1x32x96xf32, #tpu.memory_space<vmem>>
        %dma_wait3A_1431 = tpu.memref_squeeze %dma_wait3A_1430 : memref<1x32x96xf32, #tpu.memory_space<vmem>> -> memref<32x96xf32, #tpu.memory_space<vmem>>
        tpu.wait_dma2 semaphore(%arg10 : memref<!tpu.dma_semaphore, #tpu.memory_space<semaphore_mem>>) src(%dma_wait3A_1431 : memref<32x96xf32, #tpu.memory_space<vmem>>) dst(%dma_wait3A_1427 : memref<32x96xf32, #tpu.memory_space<hbm>>)
        %dma_wait3A_1432 = arith.constant 0 : i32
        %dma_wait3A_1433 = arith.constant 96 : i32
        %dma_wait3A_1434 = arith.constant 0 : i32
        %dma_wait3A_1435 = tpu.memref_slice %arg7[%dma_wait3A_1432, %dma_wait3A_1433, %dma_wait3A_1434] : memref<2x256x96xf32, #tpu.memory_space<vmem>> -> memref<1x32x96xf32, #tpu.memory_space<vmem>>
        %dma_wait3A_1436 = tpu.memref_squeeze %dma_wait3A_1435 : memref<1x32x96xf32, #tpu.memory_space<vmem>> -> memref<32x96xf32, #tpu.memory_space<vmem>>
        %dma_wait3A_1437 = arith.constant 288 : i32
        %dma_wait3A_1438 = tpu.memref_slice %arg4[%mul3A_2, %dma_wait3A_1437] : memref<16384x768xf32, #tpu.memory_space<hbm>> -> memref<32x96xf32, #tpu.memory_space<hbm>>
        %dma_wait3A_1439 = arith.constant 288 : i32
        %dma_wait3A_1440 = tpu.memref_slice %arg4[%mul3A_2, %dma_wait3A_1439] : memref<16384x768xf32, #tpu.memory_space<hbm>> -> memref<32x96xf32, #tpu.memory_space<hbm>>
        %dma_wait3A_1441 = arith.constant 96 : i32
        %dma_wait3A_1442 = arith.constant 0 : i32
        %dma_wait3A_1443 = tpu.memref_slice %arg7[%dma_wait3A_1432, %dma_wait3A_1441, %dma_wait3A_1442] : memref<2x256x96xf32, #tpu.memory_space<vmem>> -> memref<1x32x96xf32, #tpu.memory_space<vmem>>
        %dma_wait3A_1444 = tpu.memref_squeeze %dma_wait3A_1443 : memref<1x32x96xf32, #tpu.memory_space<vmem>> -> memref<32x96xf32, #tpu.memory_space<vmem>>
        tpu.wait_dma2 semaphore(%arg10 : memref<!tpu.dma_semaphore, #tpu.memory_space<semaphore_mem>>) src(%dma_wait3A_1444 : memref<32x96xf32, #tpu.memory_space<vmem>>) dst(%dma_wait3A_1440 : memref<32x96xf32, #tpu.memory_space<hbm>>)
        %dma_wait3A_1445 = arith.constant 0 : i32
        %dma_wait3A_1446 = arith.constant 128 : i32
        %dma_wait3A_1447 = arith.constant 0 : i32
        %dma_wait3A_1448 = tpu.memref_slice %arg7[%dma_wait3A_1445, %dma_wait3A_1446, %dma_wait3A_1447] : memref<2x256x96xf32, #tpu.memory_space<vmem>> -> memref<1x32x96xf32, #tpu.memory_space<vmem>>
        %dma_wait3A_1449 = tpu.memref_squeeze %dma_wait3A_1448 : memref<1x32x96xf32, #tpu.memory_space<vmem>> -> memref<32x96xf32, #tpu.memory_space<vmem>>
        %dma_wait3A_1450 = arith.constant 384 : i32
        %dma_wait3A_1451 = tpu.memref_slice %arg4[%mul3A_2, %dma_wait3A_1450] : memref<16384x768xf32, #tpu.memory_space<hbm>> -> memref<32x96xf32, #tpu.memory_space<hbm>>
        %dma_wait3A_1452 = arith.constant 384 : i32
        %dma_wait3A_1453 = tpu.memref_slice %arg4[%mul3A_2, %dma_wait3A_1452] : memref<16384x768xf32, #tpu.memory_space<hbm>> -> memref<32x96xf32, #tpu.memory_space<hbm>>
        %dma_wait3A_1454 = arith.constant 128 : i32
        %dma_wait3A_1455 = arith.constant 0 : i32
        %dma_wait3A_1456 = tpu.memref_slice %arg7[%dma_wait3A_1445, %dma_wait3A_1454, %dma_wait3A_1455] : memref<2x256x96xf32, #tpu.memory_space<vmem>> -> memref<1x32x96xf32, #tpu.memory_space<vmem>>
        %dma_wait3A_1457 = tpu.memref_squeeze %dma_wait3A_1456 : memref<1x32x96xf32, #tpu.memory_space<vmem>> -> memref<32x96xf32, #tpu.memory_space<vmem>>
        tpu.wait_dma2 semaphore(%arg10 : memref<!tpu.dma_semaphore, #tpu.memory_space<semaphore_mem>>) src(%dma_wait3A_1457 : memref<32x96xf32, #tpu.memory_space<vmem>>) dst(%dma_wait3A_1453 : memref<32x96xf32, #tpu.memory_space<hbm>>)
        %dma_wait3A_1458 = arith.constant 0 : i32
        %dma_wait3A_1459 = arith.constant 160 : i32
        %dma_wait3A_1460 = arith.constant 0 : i32
        %dma_wait3A_1461 = tpu.memref_slice %arg7[%dma_wait3A_1458, %dma_wait3A_1459, %dma_wait3A_1460] : memref<2x256x96xf32, #tpu.memory_space<vmem>> -> memref<1x32x96xf32, #tpu.memory_space<vmem>>
        %dma_wait3A_1462 = tpu.memref_squeeze %dma_wait3A_1461 : memref<1x32x96xf32, #tpu.memory_space<vmem>> -> memref<32x96xf32, #tpu.memory_space<vmem>>
        %dma_wait3A_1463 = arith.constant 480 : i32
        %dma_wait3A_1464 = tpu.memref_slice %arg4[%mul3A_2, %dma_wait3A_1463] : memref<16384x768xf32, #tpu.memory_space<hbm>> -> memref<32x96xf32, #tpu.memory_space<hbm>>
        %dma_wait3A_1465 = arith.constant 480 : i32
        %dma_wait3A_1466 = tpu.memref_slice %arg4[%mul3A_2, %dma_wait3A_1465] : memref<16384x768xf32, #tpu.memory_space<hbm>> -> memref<32x96xf32, #tpu.memory_space<hbm>>
        %dma_wait3A_1467 = arith.constant 160 : i32
        %dma_wait3A_1468 = arith.constant 0 : i32
        %dma_wait3A_1469 = tpu.memref_slice %arg7[%dma_wait3A_1458, %dma_wait3A_1467, %dma_wait3A_1468] : memref<2x256x96xf32, #tpu.memory_space<vmem>> -> memref<1x32x96xf32, #tpu.memory_space<vmem>>
        %dma_wait3A_1470 = tpu.memref_squeeze %dma_wait3A_1469 : memref<1x32x96xf32, #tpu.memory_space<vmem>> -> memref<32x96xf32, #tpu.memory_space<vmem>>
        tpu.wait_dma2 semaphore(%arg10 : memref<!tpu.dma_semaphore, #tpu.memory_space<semaphore_mem>>) src(%dma_wait3A_1470 : memref<32x96xf32, #tpu.memory_space<vmem>>) dst(%dma_wait3A_1466 : memref<32x96xf32, #tpu.memory_space<hbm>>)
        %dma_wait3A_1471 = arith.constant 0 : i32
        %dma_wait3A_1472 = arith.constant 192 : i32
        %dma_wait3A_1473 = arith.constant 0 : i32
        %dma_wait3A_1474 = tpu.memref_slice %arg7[%dma_wait3A_1471, %dma_wait3A_1472, %dma_wait3A_1473] : memref<2x256x96xf32, #tpu.memory_space<vmem>> -> memref<1x32x96xf32, #tpu.memory_space<vmem>>
        %dma_wait3A_1475 = tpu.memref_squeeze %dma_wait3A_1474 : memref<1x32x96xf32, #tpu.memory_space<vmem>> -> memref<32x96xf32, #tpu.memory_space<vmem>>
        %dma_wait3A_1476 = arith.constant 576 : i32
        %dma_wait3A_1477 = tpu.memref_slice %arg4[%mul3A_2, %dma_wait3A_1476] : memref<16384x768xf32, #tpu.memory_space<hbm>> -> memref<32x96xf32, #tpu.memory_space<hbm>>
        %dma_wait3A_1478 = arith.constant 576 : i32
        %dma_wait3A_1479 = tpu.memref_slice %arg4[%mul3A_2, %dma_wait3A_1478] : memref<16384x768xf32, #tpu.memory_space<hbm>> -> memref<32x96xf32, #tpu.memory_space<hbm>>
        %dma_wait3A_1480 = arith.constant 192 : i32
        %dma_wait3A_1481 = arith.constant 0 : i32
        %dma_wait3A_1482 = tpu.memref_slice %arg7[%dma_wait3A_1471, %dma_wait3A_1480, %dma_wait3A_1481] : memref<2x256x96xf32, #tpu.memory_space<vmem>> -> memref<1x32x96xf32, #tpu.memory_space<vmem>>
        %dma_wait3A_1483 = tpu.memref_squeeze %dma_wait3A_1482 : memref<1x32x96xf32, #tpu.memory_space<vmem>> -> memref<32x96xf32, #tpu.memory_space<vmem>>
        tpu.wait_dma2 semaphore(%arg10 : memref<!tpu.dma_semaphore, #tpu.memory_space<semaphore_mem>>) src(%dma_wait3A_1483 : memref<32x96xf32, #tpu.memory_space<vmem>>) dst(%dma_wait3A_1479 : memref<32x96xf32, #tpu.memory_space<hbm>>)
        %dma_wait3A_1484 = arith.constant 0 : i32
        %dma_wait3A_1485 = arith.constant 224 : i32
        %dma_wait3A_1486 = arith.constant 0 : i32
        %dma_wait3A_1487 = tpu.memref_slice %arg7[%dma_wait3A_1484, %dma_wait3A_1485, %dma_wait3A_1486] : memref<2x256x96xf32, #tpu.memory_space<vmem>> -> memref<1x32x96xf32, #tpu.memory_space<vmem>>
        %dma_wait3A_1488 = tpu.memref_squeeze %dma_wait3A_1487 : memref<1x32x96xf32, #tpu.memory_space<vmem>> -> memref<32x96xf32, #tpu.memory_space<vmem>>
        %dma_wait3A_1489 = arith.constant 672 : i32
        %dma_wait3A_1490 = tpu.memref_slice %arg4[%mul3A_2, %dma_wait3A_1489] : memref<16384x768xf32, #tpu.memory_space<hbm>> -> memref<32x96xf32, #tpu.memory_space<hbm>>
        %dma_wait3A_1491 = arith.constant 672 : i32
        %dma_wait3A_1492 = tpu.memref_slice %arg4[%mul3A_2, %dma_wait3A_1491] : memref<16384x768xf32, #tpu.memory_space<hbm>> -> memref<32x96xf32, #tpu.memory_space<hbm>>
        %dma_wait3A_1493 = arith.constant 224 : i32
        %dma_wait3A_1494 = arith.constant 0 : i32
        %dma_wait3A_1495 = tpu.memref_slice %arg7[%dma_wait3A_1484, %dma_wait3A_1493, %dma_wait3A_1494] : memref<2x256x96xf32, #tpu.memory_space<vmem>> -> memref<1x32x96xf32, #tpu.memory_space<vmem>>
        %dma_wait3A_1496 = tpu.memref_squeeze %dma_wait3A_1495 : memref<1x32x96xf32, #tpu.memory_space<vmem>> -> memref<32x96xf32, #tpu.memory_space<vmem>>
        tpu.wait_dma2 semaphore(%arg10 : memref<!tpu.dma_semaphore, #tpu.memory_space<semaphore_mem>>) src(%dma_wait3A_1496 : memref<32x96xf32, #tpu.memory_space<vmem>>) dst(%dma_wait3A_1492 : memref<32x96xf32, #tpu.memory_space<hbm>>)
        %add3A_1497 = arith.constant 1 : i32
        %add3A_1498 = arith.addi %add3A_591, %add3A_1497 : i32
        %mul3A_1499 = arith.constant 32 : i32
        %mul3A_1500 = arith.muli %add3A_1498, %mul3A_1499 : i32
        %scan3A_1501 = arith.constant 0 : i32
        %scan3A_1502 = arith.constant 0 : i32
        %mul3A_1503 = arith.constant 16 : i32
        %mul3A_1504 = arith.muli %scan3A_1502, %mul3A_1503 : i32
        %add3A_1505 = arith.addi %mul3A_1500, %mul3A_1504 : i32
        %get3A_1506 = arith.index_cast %add3A_1505 : i32 to index
        %get3A_1507 = tpu.vector_load %arg5[%get3A_1506] {strides = array<i32>} : memref<512xi32, #tpu.memory_space<vmem>>, vector<16xi32>,
        %get3A_1508 = vector.shape_cast %get3A_1507 : vector<16xi32> to vector<16xi32>
        %add3A_1509 = arith.constant 1 : i32
        %add3A_1510 = vector.broadcast %add3A_1509 : i32 to vector<16xi32>
        %add3A_1511 = arith.addi %get3A_1508, %add3A_1510 : vector<16xi32>
        %mul3A_1512 = arith.constant 31 : i32
        %mul3A_1513 = vector.broadcast %mul3A_1512 : i32 to vector<16xi32>
        %mul3A_1514 = arith.muli %add3A_1511, %mul3A_1513 : vector<16xi32>
        %and3A_1515 = arith.constant 16383 : i32
        %and3A_1516 = vector.broadcast %and3A_1515 : i32 to vector<16xi32>
        %and3A_1517 = arith.andi %mul3A_1514, %and3A_1516 : vector<16xi32>
        %add3A_1518 = arith.constant 0 : i32
        %add3A_1519 = vector.broadcast %add3A_1518 : i32 to vector<16xi32>
        %add3A_1520 = arith.addi %and3A_1517, %add3A_1519 : vector<16xi32>
        %mul3A_1521 = arith.constant 16 : i32
        %mul3A_1522 = arith.muli %scan3A_1502, %mul3A_1521 : i32
        %add3A_1523 = arith.constant 0 : i32
        %add3A_1524 = arith.addi %add3A_1523, %mul3A_1522 : i32
        %swap3A_1525 = arith.index_cast %add3A_1524 : i32 to index
        %swap3A_1526 = tpu.vector_load %arg6[%swap3A_1525] {strides = array<i32>} : memref<512xi32, #tpu.memory_space<vmem>>, vector<16xi32>,
        %swap3A_1527 = vector.shape_cast %swap3A_1526 : vector<16xi32> to vector<16xi32>
        %swap3A_1528 = vector.shape_cast %add3A_1520 : vector<16xi32> to vector<16xi32>
        tpu.vector_store %arg6[%swap3A_1525], %swap3A_1528 {strides = array<i32>} : memref<512xi32, #tpu.memory_space<vmem>>, vector<16xi32>,
        %mul3A_1529 = arith.constant 43 : i32
        %mul3A_1530 = vector.broadcast %mul3A_1529 : i32 to vector<16xi32>
        %mul3A_1531 = arith.muli %add3A_1511, %mul3A_1530 : vector<16xi32>
        %and3A_1532 = arith.constant 16383 : i32
        %and3A_1533 = vector.broadcast %and3A_1532 : i32 to vector<16xi32>
        %and3A_1534 = arith.andi %mul3A_1531, %and3A_1533 : vector<16xi32>
        %add3A_1535 = arith.constant 16384 : i32
        %add3A_1536 = vector.broadcast %add3A_1535 : i32 to vector<16xi32>
        %add3A_1537 = arith.addi %and3A_1534, %add3A_1536 : vector<16xi32>
        %mul3A_1538 = arith.constant 16 : i32
        %mul3A_1539 = arith.muli %scan3A_1502, %mul3A_1538 : i32
        %add3A_1540 = arith.constant 32 : i32
        %add3A_1541 = arith.addi %add3A_1540, %mul3A_1539 : i32
        %swap3A_1542 = arith.index_cast %add3A_1541 : i32 to index
        %swap3A_1543 = tpu.vector_load %arg6[%swap3A_1542] {strides = array<i32>} : memref<512xi32, #tpu.memory_space<vmem>>, vector<16xi32>,
        %swap3A_1544 = vector.shape_cast %swap3A_1543 : vector<16xi32> to vector<16xi32>
        %swap3A_1545 = vector.shape_cast %add3A_1537 : vector<16xi32> to vector<16xi32>
        tpu.vector_store %arg6[%swap3A_1542], %swap3A_1545 {strides = array<i32>} : memref<512xi32, #tpu.memory_space<vmem>>, vector<16xi32>,
        %mul3A_1546 = arith.constant 59 : i32
        %mul3A_1547 = vector.broadcast %mul3A_1546 : i32 to vector<16xi32>
        %mul3A_1548 = arith.muli %add3A_1511, %mul3A_1547 : vector<16xi32>
        %and3A_1549 = arith.constant 16383 : i32
        %and3A_1550 = vector.broadcast %and3A_1549 : i32 to vector<16xi32>
        %and3A_1551 = arith.andi %mul3A_1548, %and3A_1550 : vector<16xi32>
        %add3A_1552 = arith.constant 32768 : i32
        %add3A_1553 = vector.broadcast %add3A_1552 : i32 to vector<16xi32>
        %add3A_1554 = arith.addi %and3A_1551, %add3A_1553 : vector<16xi32>
        %mul3A_1555 = arith.constant 16 : i32
        %mul3A_1556 = arith.muli %scan3A_1502, %mul3A_1555 : i32
        %add3A_1557 = arith.constant 64 : i32
        %add3A_1558 = arith.addi %add3A_1557, %mul3A_1556 : i32
        %swap3A_1559 = arith.index_cast %add3A_1558 : i32 to index
        %swap3A_1560 = tpu.vector_load %arg6[%swap3A_1559] {strides = array<i32>} : memref<512xi32, #tpu.memory_space<vmem>>, vector<16xi32>,
        %swap3A_1561 = vector.shape_cast %swap3A_1560 : vector<16xi32> to vector<16xi32>
        %swap3A_1562 = vector.shape_cast %add3A_1554 : vector<16xi32> to vector<16xi32>
        tpu.vector_store %arg6[%swap3A_1559], %swap3A_1562 {strides = array<i32>} : memref<512xi32, #tpu.memory_space<vmem>>, vector<16xi32>,
        %mul3A_1563 = arith.constant 61 : i32
        %mul3A_1564 = vector.broadcast %mul3A_1563 : i32 to vector<16xi32>
        %mul3A_1565 = arith.muli %add3A_1511, %mul3A_1564 : vector<16xi32>
        %and3A_1566 = arith.constant 16383 : i32
        %and3A_1567 = vector.broadcast %and3A_1566 : i32 to vector<16xi32>
        %and3A_1568 = arith.andi %mul3A_1565, %and3A_1567 : vector<16xi32>
        %add3A_1569 = arith.constant 49152 : i32
        %add3A_1570 = vector.broadcast %add3A_1569 : i32 to vector<16xi32>
        %add3A_1571 = arith.addi %and3A_1568, %add3A_1570 : vector<16xi32>
        %mul3A_1572 = arith.constant 16 : i32
        %mul3A_1573 = arith.muli %scan3A_1502, %mul3A_1572 : i32
        %add3A_1574 = arith.constant 96 : i32
        %add3A_1575 = arith.addi %add3A_1574, %mul3A_1573 : i32
        %swap3A_1576 = arith.index_cast %add3A_1575 : i32 to index
        %swap3A_1577 = tpu.vector_load %arg6[%swap3A_1576] {strides = array<i32>} : memref<512xi32, #tpu.memory_space<vmem>>, vector<16xi32>,
        %swap3A_1578 = vector.shape_cast %swap3A_1577 : vector<16xi32> to vector<16xi32>
        %swap3A_1579 = vector.shape_cast %add3A_1571 : vector<16xi32> to vector<16xi32>
        tpu.vector_store %arg6[%swap3A_1576], %swap3A_1579 {strides = array<i32>} : memref<512xi32, #tpu.memory_space<vmem>>, vector<16xi32>,
        %mul3A_1580 = arith.constant 73 : i32
        %mul3A_1581 = vector.broadcast %mul3A_1580 : i32 to vector<16xi32>
        %mul3A_1582 = arith.muli %add3A_1511, %mul3A_1581 : vector<16xi32>
        %and3A_1583 = arith.constant 16383 : i32
        %and3A_1584 = vector.broadcast %and3A_1583 : i32 to vector<16xi32>
        %and3A_1585 = arith.andi %mul3A_1582, %and3A_1584 : vector<16xi32>
        %add3A_1586 = arith.constant 65536 : i32
        %add3A_1587 = vector.broadcast %add3A_1586 : i32 to vector<16xi32>
        %add3A_1588 = arith.addi %and3A_1585, %add3A_1587 : vector<16xi32>
        %mul3A_1589 = arith.constant 16 : i32
        %mul3A_1590 = arith.muli %scan3A_1502, %mul3A_1589 : i32
        %add3A_1591 = arith.constant 128 : i32
        %add3A_1592 = arith.addi %add3A_1591, %mul3A_1590 : i32
        %swap3A_1593 = arith.index_cast %add3A_1592 : i32 to index
        %swap3A_1594 = tpu.vector_load %arg6[%swap3A_1593] {strides = array<i32>} : memref<512xi32, #tpu.memory_space<vmem>>, vector<16xi32>,
        %swap3A_1595 = vector.shape_cast %swap3A_1594 : vector<16xi32> to vector<16xi32>
        %swap3A_1596 = vector.shape_cast %add3A_1588 : vector<16xi32> to vector<16xi32>
        tpu.vector_store %arg6[%swap3A_1593], %swap3A_1596 {strides = array<i32>} : memref<512xi32, #tpu.memory_space<vmem>>, vector<16xi32>,
        %mul3A_1597 = arith.constant 97 : i32
        %mul3A_1598 = vector.broadcast %mul3A_1597 : i32 to vector<16xi32>
        %mul3A_1599 = arith.muli %add3A_1511, %mul3A_1598 : vector<16xi32>
        %and3A_1600 = arith.constant 16383 : i32
        %and3A_1601 = vector.broadcast %and3A_1600 : i32 to vector<16xi32>
        %and3A_1602 = arith.andi %mul3A_1599, %and3A_1601 : vector<16xi32>
        %add3A_1603 = arith.constant 81920 : i32
        %add3A_1604 = vector.broadcast %add3A_1603 : i32 to vector<16xi32>
        %add3A_1605 = arith.addi %and3A_1602, %add3A_1604 : vector<16xi32>
        %mul3A_1606 = arith.constant 16 : i32
        %mul3A_1607 = arith.muli %scan3A_1502, %mul3A_1606 : i32
        %add3A_1608 = arith.constant 160 : i32
        %add3A_1609 = arith.addi %add3A_1608, %mul3A_1607 : i32
        %swap3A_1610 = arith.index_cast %add3A_1609 : i32 to index
        %swap3A_1611 = tpu.vector_load %arg6[%swap3A_1610] {strides = array<i32>} : memref<512xi32, #tpu.memory_space<vmem>>, vector<16xi32>,
        %swap3A_1612 = vector.shape_cast %swap3A_1611 : vector<16xi32> to vector<16xi32>
        %swap3A_1613 = vector.shape_cast %add3A_1605 : vector<16xi32> to vector<16xi32>
        tpu.vector_store %arg6[%swap3A_1610], %swap3A_1613 {strides = array<i32>} : memref<512xi32, #tpu.memory_space<vmem>>, vector<16xi32>,
        %mul3A_1614 = arith.constant 103 : i32
        %mul3A_1615 = vector.broadcast %mul3A_1614 : i32 to vector<16xi32>
        %mul3A_1616 = arith.muli %add3A_1511, %mul3A_1615 : vector<16xi32>
        %and3A_1617 = arith.constant 16383 : i32
        %and3A_1618 = vector.broadcast %and3A_1617 : i32 to vector<16xi32>
        %and3A_1619 = arith.andi %mul3A_1616, %and3A_1618 : vector<16xi32>
        %add3A_1620 = arith.constant 98304 : i32
        %add3A_1621 = vector.broadcast %add3A_1620 : i32 to vector<16xi32>
        %add3A_1622 = arith.addi %and3A_1619, %add3A_1621 : vector<16xi32>
        %mul3A_1623 = arith.constant 16 : i32
        %mul3A_1624 = arith.muli %scan3A_1502, %mul3A_1623 : i32
        %add3A_1625 = arith.constant 192 : i32
        %add3A_1626 = arith.addi %add3A_1625, %mul3A_1624 : i32
        %swap3A_1627 = arith.index_cast %add3A_1626 : i32 to index
        %swap3A_1628 = tpu.vector_load %arg6[%swap3A_1627] {strides = array<i32>} : memref<512xi32, #tpu.memory_space<vmem>>, vector<16xi32>,
        %swap3A_1629 = vector.shape_cast %swap3A_1628 : vector<16xi32> to vector<16xi32>
        %swap3A_1630 = vector.shape_cast %add3A_1622 : vector<16xi32> to vector<16xi32>
        tpu.vector_store %arg6[%swap3A_1627], %swap3A_1630 {strides = array<i32>} : memref<512xi32, #tpu.memory_space<vmem>>, vector<16xi32>,
        %mul3A_1631 = arith.constant 113 : i32
        %mul3A_1632 = vector.broadcast %mul3A_1631 : i32 to vector<16xi32>
        %mul3A_1633 = arith.muli %add3A_1511, %mul3A_1632 : vector<16xi32>
        %and3A_1634 = arith.constant 16383 : i32
        %and3A_1635 = vector.broadcast %and3A_1634 : i32 to vector<16xi32>
        %and3A_1636 = arith.andi %mul3A_1633, %and3A_1635 : vector<16xi32>
        %add3A_1637 = arith.constant 114688 : i32
        %add3A_1638 = vector.broadcast %add3A_1637 : i32 to vector<16xi32>
        %add3A_1639 = arith.addi %and3A_1636, %add3A_1638 : vector<16xi32>
        %mul3A_1640 = arith.constant 16 : i32
        %mul3A_1641 = arith.muli %scan3A_1502, %mul3A_1640 : i32
        %add3A_1642 = arith.constant 224 : i32
        %add3A_1643 = arith.addi %add3A_1642, %mul3A_1641 : i32
        %swap3A_1644 = arith.index_cast %add3A_1643 : i32 to index
        %swap3A_1645 = tpu.vector_load %arg6[%swap3A_1644] {strides = array<i32>} : memref<512xi32, #tpu.memory_space<vmem>>, vector<16xi32>,
        %swap3A_1646 = vector.shape_cast %swap3A_1645 : vector<16xi32> to vector<16xi32>
        %swap3A_1647 = vector.shape_cast %add3A_1639 : vector<16xi32> to vector<16xi32>
        tpu.vector_store %arg6[%swap3A_1644], %swap3A_1647 {strides = array<i32>} : memref<512xi32, #tpu.memory_space<vmem>>, vector<16xi32>,
        %scan3A_1648 = arith.constant 1 : i32
        %mul3A_1649 = arith.constant 16 : i32
        %mul3A_1650 = arith.muli %scan3A_1648, %mul3A_1649 : i32
        %add3A_1651 = arith.addi %mul3A_1500, %mul3A_1650 : i32
        %get3A_1652 = arith.index_cast %add3A_1651 : i32 to index
        %get3A_1653 = tpu.vector_load %arg5[%get3A_1652] {strides = array<i32>} : memref<512xi32, #tpu.memory_space<vmem>>, vector<16xi32>,
        %get3A_1654 = vector.shape_cast %get3A_1653 : vector<16xi32> to vector<16xi32>
        %add3A_1655 = arith.constant 1 : i32
        %add3A_1656 = vector.broadcast %add3A_1655 : i32 to vector<16xi32>
        %add3A_1657 = arith.addi %get3A_1654, %add3A_1656 : vector<16xi32>
        %mul3A_1658 = arith.constant 31 : i32
        %mul3A_1659 = vector.broadcast %mul3A_1658 : i32 to vector<16xi32>
        %mul3A_1660 = arith.muli %add3A_1657, %mul3A_1659 : vector<16xi32>
        %and3A_1661 = arith.constant 16383 : i32
        %and3A_1662 = vector.broadcast %and3A_1661 : i32 to vector<16xi32>
        %and3A_1663 = arith.andi %mul3A_1660, %and3A_1662 : vector<16xi32>
        %add3A_1664 = arith.constant 0 : i32
        %add3A_1665 = vector.broadcast %add3A_1664 : i32 to vector<16xi32>
        %add3A_1666 = arith.addi %and3A_1663, %add3A_1665 : vector<16xi32>
        %mul3A_1667 = arith.constant 16 : i32
        %mul3A_1668 = arith.muli %scan3A_1648, %mul3A_1667 : i32
        %add3A_1669 = arith.constant 0 : i32
        %add3A_1670 = arith.addi %add3A_1669, %mul3A_1668 : i32
        %swap3A_1671 = arith.index_cast %add3A_1670 : i32 to index
        %swap3A_1672 = tpu.vector_load %arg6[%swap3A_1671] {strides = array<i32>} : memref<512xi32, #tpu.memory_space<vmem>>, vector<16xi32>,
        %swap3A_1673 = vector.shape_cast %swap3A_1672 : vector<16xi32> to vector<16xi32>
        %swap3A_1674 = vector.shape_cast %add3A_1666 : vector<16xi32> to vector<16xi32>
        tpu.vector_store %arg6[%swap3A_1671], %swap3A_1674 {strides = array<i32>} : memref<512xi32, #tpu.memory_space<vmem>>, vector<16xi32>,
        %mul3A_1675 = arith.constant 43 : i32
        %mul3A_1676 = vector.broadcast %mul3A_1675 : i32 to vector<16xi32>
        %mul3A_1677 = arith.muli %add3A_1657, %mul3A_1676 : vector<16xi32>
        %and3A_1678 = arith.constant 16383 : i32
        %and3A_1679 = vector.broadcast %and3A_1678 : i32 to vector<16xi32>
        %and3A_1680 = arith.andi %mul3A_1677, %and3A_1679 : vector<16xi32>
        %add3A_1681 = arith.constant 16384 : i32
        %add3A_1682 = vector.broadcast %add3A_1681 : i32 to vector<16xi32>
        %add3A_1683 = arith.addi %and3A_1680, %add3A_1682 : vector<16xi32>
        %mul3A_1684 = arith.constant 16 : i32
        %mul3A_1685 = arith.muli %scan3A_1648, %mul3A_1684 : i32
        %add3A_1686 = arith.constant 32 : i32
        %add3A_1687 = arith.addi %add3A_1686, %mul3A_1685 : i32
        %swap3A_1688 = arith.index_cast %add3A_1687 : i32 to index
        %swap3A_1689 = tpu.vector_load %arg6[%swap3A_1688] {strides = array<i32>} : memref<512xi32, #tpu.memory_space<vmem>>, vector<16xi32>,
        %swap3A_1690 = vector.shape_cast %swap3A_1689 : vector<16xi32> to vector<16xi32>
        %swap3A_1691 = vector.shape_cast %add3A_1683 : vector<16xi32> to vector<16xi32>
        tpu.vector_store %arg6[%swap3A_1688], %swap3A_1691 {strides = array<i32>} : memref<512xi32, #tpu.memory_space<vmem>>, vector<16xi32>,
        %mul3A_1692 = arith.constant 59 : i32
        %mul3A_1693 = vector.broadcast %mul3A_1692 : i32 to vector<16xi32>
        %mul3A_1694 = arith.muli %add3A_1657, %mul3A_1693 : vector<16xi32>
        %and3A_1695 = arith.constant 16383 : i32
        %and3A_1696 = vector.broadcast %and3A_1695 : i32 to vector<16xi32>
        %and3A_1697 = arith.andi %mul3A_1694, %and3A_1696 : vector<16xi32>
        %add3A_1698 = arith.constant 32768 : i32
        %add3A_1699 = vector.broadcast %add3A_1698 : i32 to vector<16xi32>
        %add3A_1700 = arith.addi %and3A_1697, %add3A_1699 : vector<16xi32>
        %mul3A_1701 = arith.constant 16 : i32
        %mul3A_1702 = arith.muli %scan3A_1648, %mul3A_1701 : i32
        %add3A_1703 = arith.constant 64 : i32
        %add3A_1704 = arith.addi %add3A_1703, %mul3A_1702 : i32
        %swap3A_1705 = arith.index_cast %add3A_1704 : i32 to index
        %swap3A_1706 = tpu.vector_load %arg6[%swap3A_1705] {strides = array<i32>} : memref<512xi32, #tpu.memory_space<vmem>>, vector<16xi32>,
        %swap3A_1707 = vector.shape_cast %swap3A_1706 : vector<16xi32> to vector<16xi32>
        %swap3A_1708 = vector.shape_cast %add3A_1700 : vector<16xi32> to vector<16xi32>
        tpu.vector_store %arg6[%swap3A_1705], %swap3A_1708 {strides = array<i32>} : memref<512xi32, #tpu.memory_space<vmem>>, vector<16xi32>,
        %mul3A_1709 = arith.constant 61 : i32
        %mul3A_1710 = vector.broadcast %mul3A_1709 : i32 to vector<16xi32>
        %mul3A_1711 = arith.muli %add3A_1657, %mul3A_1710 : vector<16xi32>
        %and3A_1712 = arith.constant 16383 : i32
        %and3A_1713 = vector.broadcast %and3A_1712 : i32 to vector<16xi32>
        %and3A_1714 = arith.andi %mul3A_1711, %and3A_1713 : vector<16xi32>
        %add3A_1715 = arith.constant 49152 : i32
        %add3A_1716 = vector.broadcast %add3A_1715 : i32 to vector<16xi32>
        %add3A_1717 = arith.addi %and3A_1714, %add3A_1716 : vector<16xi32>
        %mul3A_1718 = arith.constant 16 : i32
        %mul3A_1719 = arith.muli %scan3A_1648, %mul3A_1718 : i32
        %add3A_1720 = arith.constant 96 : i32
        %add3A_1721 = arith.addi %add3A_1720, %mul3A_1719 : i32
        %swap3A_1722 = arith.index_cast %add3A_1721 : i32 to index
        %swap3A_1723 = tpu.vector_load %arg6[%swap3A_1722] {strides = array<i32>} : memref<512xi32, #tpu.memory_space<vmem>>, vector<16xi32>,
        %swap3A_1724 = vector.shape_cast %swap3A_1723 : vector<16xi32> to vector<16xi32>
        %swap3A_1725 = vector.shape_cast %add3A_1717 : vector<16xi32> to vector<16xi32>
        tpu.vector_store %arg6[%swap3A_1722], %swap3A_1725 {strides = array<i32>} : memref<512xi32, #tpu.memory_space<vmem>>, vector<16xi32>,
        %mul3A_1726 = arith.constant 73 : i32
        %mul3A_1727 = vector.broadcast %mul3A_1726 : i32 to vector<16xi32>
        %mul3A_1728 = arith.muli %add3A_1657, %mul3A_1727 : vector<16xi32>
        %and3A_1729 = arith.constant 16383 : i32
        %and3A_1730 = vector.broadcast %and3A_1729 : i32 to vector<16xi32>
        %and3A_1731 = arith.andi %mul3A_1728, %and3A_1730 : vector<16xi32>
        %add3A_1732 = arith.constant 65536 : i32
        %add3A_1733 = vector.broadcast %add3A_1732 : i32 to vector<16xi32>
        %add3A_1734 = arith.addi %and3A_1731, %add3A_1733 : vector<16xi32>
        %mul3A_1735 = arith.constant 16 : i32
        %mul3A_1736 = arith.muli %scan3A_1648, %mul3A_1735 : i32
        %add3A_1737 = arith.constant 128 : i32
        %add3A_1738 = arith.addi %add3A_1737, %mul3A_1736 : i32
        %swap3A_1739 = arith.index_cast %add3A_1738 : i32 to index
        %swap3A_1740 = tpu.vector_load %arg6[%swap3A_1739] {strides = array<i32>} : memref<512xi32, #tpu.memory_space<vmem>>, vector<16xi32>,
        %swap3A_1741 = vector.shape_cast %swap3A_1740 : vector<16xi32> to vector<16xi32>
        %swap3A_1742 = vector.shape_cast %add3A_1734 : vector<16xi32> to vector<16xi32>
        tpu.vector_store %arg6[%swap3A_1739], %swap3A_1742 {strides = array<i32>} : memref<512xi32, #tpu.memory_space<vmem>>, vector<16xi32>,
        %mul3A_1743 = arith.constant 97 : i32
        %mul3A_1744 = vector.broadcast %mul3A_1743 : i32 to vector<16xi32>
        %mul3A_1745 = arith.muli %add3A_1657, %mul3A_1744 : vector<16xi32>
        %and3A_1746 = arith.constant 16383 : i32
        %and3A_1747 = vector.broadcast %and3A_1746 : i32 to vector<16xi32>
        %and3A_1748 = arith.andi %mul3A_1745, %and3A_1747 : vector<16xi32>
        %add3A_1749 = arith.constant 81920 : i32
        %add3A_1750 = vector.broadcast %add3A_1749 : i32 to vector<16xi32>
        %add3A_1751 = arith.addi %and3A_1748, %add3A_1750 : vector<16xi32>
        %mul3A_1752 = arith.constant 16 : i32
        %mul3A_1753 = arith.muli %scan3A_1648, %mul3A_1752 : i32
        %add3A_1754 = arith.constant 160 : i32
        %add3A_1755 = arith.addi %add3A_1754, %mul3A_1753 : i32
        %swap3A_1756 = arith.index_cast %add3A_1755 : i32 to index
        %swap3A_1757 = tpu.vector_load %arg6[%swap3A_1756] {strides = array<i32>} : memref<512xi32, #tpu.memory_space<vmem>>, vector<16xi32>,
        %swap3A_1758 = vector.shape_cast %swap3A_1757 : vector<16xi32> to vector<16xi32>
        %swap3A_1759 = vector.shape_cast %add3A_1751 : vector<16xi32> to vector<16xi32>
        tpu.vector_store %arg6[%swap3A_1756], %swap3A_1759 {strides = array<i32>} : memref<512xi32, #tpu.memory_space<vmem>>, vector<16xi32>,
        %mul3A_1760 = arith.constant 103 : i32
        %mul3A_1761 = vector.broadcast %mul3A_1760 : i32 to vector<16xi32>
        %mul3A_1762 = arith.muli %add3A_1657, %mul3A_1761 : vector<16xi32>
        %and3A_1763 = arith.constant 16383 : i32
        %and3A_1764 = vector.broadcast %and3A_1763 : i32 to vector<16xi32>
        %and3A_1765 = arith.andi %mul3A_1762, %and3A_1764 : vector<16xi32>
        %add3A_1766 = arith.constant 98304 : i32
        %add3A_1767 = vector.broadcast %add3A_1766 : i32 to vector<16xi32>
        %add3A_1768 = arith.addi %and3A_1765, %add3A_1767 : vector<16xi32>
        %mul3A_1769 = arith.constant 16 : i32
        %mul3A_1770 = arith.muli %scan3A_1648, %mul3A_1769 : i32
        %add3A_1771 = arith.constant 192 : i32
        %add3A_1772 = arith.addi %add3A_1771, %mul3A_1770 : i32
        %swap3A_1773 = arith.index_cast %add3A_1772 : i32 to index
        %swap3A_1774 = tpu.vector_load %arg6[%swap3A_1773] {strides = array<i32>} : memref<512xi32, #tpu.memory_space<vmem>>, vector<16xi32>,
        %swap3A_1775 = vector.shape_cast %swap3A_1774 : vector<16xi32> to vector<16xi32>
        %swap3A_1776 = vector.shape_cast %add3A_1768 : vector<16xi32> to vector<16xi32>
        tpu.vector_store %arg6[%swap3A_1773], %swap3A_1776 {strides = array<i32>} : memref<512xi32, #tpu.memory_space<vmem>>, vector<16xi32>,
        %mul3A_1777 = arith.constant 113 : i32
        %mul3A_1778 = vector.broadcast %mul3A_1777 : i32 to vector<16xi32>
        %mul3A_1779 = arith.muli %add3A_1657, %mul3A_1778 : vector<16xi32>
        %and3A_1780 = arith.constant 16383 : i32
        %and3A_1781 = vector.broadcast %and3A_1780 : i32 to vector<16xi32>
        %and3A_1782 = arith.andi %mul3A_1779, %and3A_1781 : vector<16xi32>
        %add3A_1783 = arith.constant 114688 : i32
        %add3A_1784 = vector.broadcast %add3A_1783 : i32 to vector<16xi32>
        %add3A_1785 = arith.addi %and3A_1782, %add3A_1784 : vector<16xi32>
        %mul3A_1786 = arith.constant 16 : i32
        %mul3A_1787 = arith.muli %scan3A_1648, %mul3A_1786 : i32
        %add3A_1788 = arith.constant 224 : i32
        %add3A_1789 = arith.addi %add3A_1788, %mul3A_1787 : i32
        %swap3A_1790 = arith.index_cast %add3A_1789 : i32 to index
        %swap3A_1791 = tpu.vector_load %arg6[%swap3A_1790] {strides = array<i32>} : memref<512xi32, #tpu.memory_space<vmem>>, vector<16xi32>,
        %swap3A_1792 = vector.shape_cast %swap3A_1791 : vector<16xi32> to vector<16xi32>
        %swap3A_1793 = vector.shape_cast %add3A_1785 : vector<16xi32> to vector<16xi32>
        tpu.vector_store %arg6[%swap3A_1790], %swap3A_1793 {strides = array<i32>} : memref<512xi32, #tpu.memory_space<vmem>>, vector<16xi32>,
        %scan3A_1794 = arith.constant 2 : i32
        %dma_start3A_1795 = arith.constant 0 : i32
        %dma_start3A_1796 = arith.constant 0 : i32
        %dma_start3A_1797 = arith.constant 0 : i32
        %dma_start3A_1798 = tpu.memref_slice %arg7[%dma_start3A_1795, %dma_start3A_1796, %dma_start3A_1797] : memref<2x256x96xf32, #tpu.memory_space<vmem>> -> memref<1x32x96xf32, #tpu.memory_space<vmem>>
        %dma_start3A_1799 = tpu.memref_squeeze %dma_start3A_1798 : memref<1x32x96xf32, #tpu.memory_space<vmem>> -> memref<32x96xf32, #tpu.memory_space<vmem>>
        %dma_start3A_1800 = arith.constant 0 : i32
        %dma_start3A_1801 = tpu.memref_slice %arg6[%dma_start3A_1800] : memref<512xi32, #tpu.memory_space<vmem>> -> memref<32xi32, #tpu.memory_space<vmem>>
        %dma_start3A_1802 = arith.constant 0 : i32
        %dma_start3A_1803 = arith.constant 0 : i32
        %dma_start3A_1804 = tpu.memref_slice %arg3[%dma_start3A_1802, %dma_start3A_1803] : memref<131072x96xf32, #tpu.memory_space<hbm>> -> memref<131072x96xf32, #tpu.memory_space<hbm>>
        tpu.enqueue_indirect_dma source(%dma_start3A_1804 : memref<131072x96xf32, #tpu.memory_space<hbm>>) target(%dma_start3A_1799 : memref<32x96xf32, #tpu.memory_space<vmem>>) offsets(%dma_start3A_1801 : memref<32xi32, #tpu.memory_space<vmem>>) semaphore(%arg8 : memref<!tpu.dma_semaphore, #tpu.memory_space<semaphore_mem>>)
        %dma_start3A_1805 = arith.constant 0 : i32
        %dma_start3A_1806 = arith.constant 32 : i32
        %dma_start3A_1807 = arith.constant 0 : i32
        %dma_start3A_1808 = tpu.memref_slice %arg7[%dma_start3A_1805, %dma_start3A_1806, %dma_start3A_1807] : memref<2x256x96xf32, #tpu.memory_space<vmem>> -> memref<1x32x96xf32, #tpu.memory_space<vmem>>
        %dma_start3A_1809 = tpu.memref_squeeze %dma_start3A_1808 : memref<1x32x96xf32, #tpu.memory_space<vmem>> -> memref<32x96xf32, #tpu.memory_space<vmem>>
        %dma_start3A_1810 = arith.constant 32 : i32
        %dma_start3A_1811 = tpu.memref_slice %arg6[%dma_start3A_1810] : memref<512xi32, #tpu.memory_space<vmem>> -> memref<32xi32, #tpu.memory_space<vmem>>
        %dma_start3A_1812 = arith.constant 0 : i32
        %dma_start3A_1813 = arith.constant 0 : i32
        %dma_start3A_1814 = tpu.memref_slice %arg3[%dma_start3A_1812, %dma_start3A_1813] : memref<131072x96xf32, #tpu.memory_space<hbm>> -> memref<131072x96xf32, #tpu.memory_space<hbm>>
        tpu.enqueue_indirect_dma source(%dma_start3A_1814 : memref<131072x96xf32, #tpu.memory_space<hbm>>) target(%dma_start3A_1809 : memref<32x96xf32, #tpu.memory_space<vmem>>) offsets(%dma_start3A_1811 : memref<32xi32, #tpu.memory_space<vmem>>) semaphore(%arg8 : memref<!tpu.dma_semaphore, #tpu.memory_space<semaphore_mem>>)
        %dma_start3A_1815 = arith.constant 0 : i32
        %dma_start3A_1816 = arith.constant 64 : i32
        %dma_start3A_1817 = arith.constant 0 : i32
        %dma_start3A_1818 = tpu.memref_slice %arg7[%dma_start3A_1815, %dma_start3A_1816, %dma_start3A_1817] : memref<2x256x96xf32, #tpu.memory_space<vmem>> -> memref<1x32x96xf32, #tpu.memory_space<vmem>>
        %dma_start3A_1819 = tpu.memref_squeeze %dma_start3A_1818 : memref<1x32x96xf32, #tpu.memory_space<vmem>> -> memref<32x96xf32, #tpu.memory_space<vmem>>
        %dma_start3A_1820 = arith.constant 64 : i32
        %dma_start3A_1821 = tpu.memref_slice %arg6[%dma_start3A_1820] : memref<512xi32, #tpu.memory_space<vmem>> -> memref<32xi32, #tpu.memory_space<vmem>>
        %dma_start3A_1822 = arith.constant 0 : i32
        %dma_start3A_1823 = arith.constant 0 : i32
        %dma_start3A_1824 = tpu.memref_slice %arg3[%dma_start3A_1822, %dma_start3A_1823] : memref<131072x96xf32, #tpu.memory_space<hbm>> -> memref<131072x96xf32, #tpu.memory_space<hbm>>
        tpu.enqueue_indirect_dma source(%dma_start3A_1824 : memref<131072x96xf32, #tpu.memory_space<hbm>>) target(%dma_start3A_1819 : memref<32x96xf32, #tpu.memory_space<vmem>>) offsets(%dma_start3A_1821 : memref<32xi32, #tpu.memory_space<vmem>>) semaphore(%arg8 : memref<!tpu.dma_semaphore, #tpu.memory_space<semaphore_mem>>)
        %dma_start3A_1825 = arith.constant 0 : i32
        %dma_start3A_1826 = arith.constant 96 : i32
        %dma_start3A_1827 = arith.constant 0 : i32
        %dma_start3A_1828 = tpu.memref_slice %arg7[%dma_start3A_1825, %dma_start3A_1826, %dma_start3A_1827] : memref<2x256x96xf32, #tpu.memory_space<vmem>> -> memref<1x32x96xf32, #tpu.memory_space<vmem>>
        %dma_start3A_1829 = tpu.memref_squeeze %dma_start3A_1828 : memref<1x32x96xf32, #tpu.memory_space<vmem>> -> memref<32x96xf32, #tpu.memory_space<vmem>>
        %dma_start3A_1830 = arith.constant 96 : i32
        %dma_start3A_1831 = tpu.memref_slice %arg6[%dma_start3A_1830] : memref<512xi32, #tpu.memory_space<vmem>> -> memref<32xi32, #tpu.memory_space<vmem>>
        %dma_start3A_1832 = arith.constant 0 : i32
        %dma_start3A_1833 = arith.constant 0 : i32
        %dma_start3A_1834 = tpu.memref_slice %arg3[%dma_start3A_1832, %dma_start3A_1833] : memref<131072x96xf32, #tpu.memory_space<hbm>> -> memref<131072x96xf32, #tpu.memory_space<hbm>>
        tpu.enqueue_indirect_dma source(%dma_start3A_1834 : memref<131072x96xf32, #tpu.memory_space<hbm>>) target(%dma_start3A_1829 : memref<32x96xf32, #tpu.memory_space<vmem>>) offsets(%dma_start3A_1831 : memref<32xi32, #tpu.memory_space<vmem>>) semaphore(%arg8 : memref<!tpu.dma_semaphore, #tpu.memory_space<semaphore_mem>>)
        %dma_start3A_1835 = arith.constant 0 : i32
        %dma_start3A_1836 = arith.constant 128 : i32
        %dma_start3A_1837 = arith.constant 0 : i32
        %dma_start3A_1838 = tpu.memref_slice %arg7[%dma_start3A_1835, %dma_start3A_1836, %dma_start3A_1837] : memref<2x256x96xf32, #tpu.memory_space<vmem>> -> memref<1x32x96xf32, #tpu.memory_space<vmem>>
        %dma_start3A_1839 = tpu.memref_squeeze %dma_start3A_1838 : memref<1x32x96xf32, #tpu.memory_space<vmem>> -> memref<32x96xf32, #tpu.memory_space<vmem>>
        %dma_start3A_1840 = arith.constant 128 : i32
        %dma_start3A_1841 = tpu.memref_slice %arg6[%dma_start3A_1840] : memref<512xi32, #tpu.memory_space<vmem>> -> memref<32xi32, #tpu.memory_space<vmem>>
        %dma_start3A_1842 = arith.constant 0 : i32
        %dma_start3A_1843 = arith.constant 0 : i32
        %dma_start3A_1844 = tpu.memref_slice %arg3[%dma_start3A_1842, %dma_start3A_1843] : memref<131072x96xf32, #tpu.memory_space<hbm>> -> memref<131072x96xf32, #tpu.memory_space<hbm>>
        tpu.enqueue_indirect_dma source(%dma_start3A_1844 : memref<131072x96xf32, #tpu.memory_space<hbm>>) target(%dma_start3A_1839 : memref<32x96xf32, #tpu.memory_space<vmem>>) offsets(%dma_start3A_1841 : memref<32xi32, #tpu.memory_space<vmem>>) semaphore(%arg8 : memref<!tpu.dma_semaphore, #tpu.memory_space<semaphore_mem>>)
        %dma_start3A_1845 = arith.constant 0 : i32
        %dma_start3A_1846 = arith.constant 160 : i32
        %dma_start3A_1847 = arith.constant 0 : i32
        %dma_start3A_1848 = tpu.memref_slice %arg7[%dma_start3A_1845, %dma_start3A_1846, %dma_start3A_1847] : memref<2x256x96xf32, #tpu.memory_space<vmem>> -> memref<1x32x96xf32, #tpu.memory_space<vmem>>
        %dma_start3A_1849 = tpu.memref_squeeze %dma_start3A_1848 : memref<1x32x96xf32, #tpu.memory_space<vmem>> -> memref<32x96xf32, #tpu.memory_space<vmem>>
        %dma_start3A_1850 = arith.constant 160 : i32
        %dma_start3A_1851 = tpu.memref_slice %arg6[%dma_start3A_1850] : memref<512xi32, #tpu.memory_space<vmem>> -> memref<32xi32, #tpu.memory_space<vmem>>
        %dma_start3A_1852 = arith.constant 0 : i32
        %dma_start3A_1853 = arith.constant 0 : i32
        %dma_start3A_1854 = tpu.memref_slice %arg3[%dma_start3A_1852, %dma_start3A_1853] : memref<131072x96xf32, #tpu.memory_space<hbm>> -> memref<131072x96xf32, #tpu.memory_space<hbm>>
        tpu.enqueue_indirect_dma source(%dma_start3A_1854 : memref<131072x96xf32, #tpu.memory_space<hbm>>) target(%dma_start3A_1849 : memref<32x96xf32, #tpu.memory_space<vmem>>) offsets(%dma_start3A_1851 : memref<32xi32, #tpu.memory_space<vmem>>) semaphore(%arg8 : memref<!tpu.dma_semaphore, #tpu.memory_space<semaphore_mem>>)
        %dma_start3A_1855 = arith.constant 0 : i32
        %dma_start3A_1856 = arith.constant 192 : i32
        %dma_start3A_1857 = arith.constant 0 : i32
        %dma_start3A_1858 = tpu.memref_slice %arg7[%dma_start3A_1855, %dma_start3A_1856, %dma_start3A_1857] : memref<2x256x96xf32, #tpu.memory_space<vmem>> -> memref<1x32x96xf32, #tpu.memory_space<vmem>>
        %dma_start3A_1859 = tpu.memref_squeeze %dma_start3A_1858 : memref<1x32x96xf32, #tpu.memory_space<vmem>> -> memref<32x96xf32, #tpu.memory_space<vmem>>
        %dma_start3A_1860 = arith.constant 192 : i32
        %dma_start3A_1861 = tpu.memref_slice %arg6[%dma_start3A_1860] : memref<512xi32, #tpu.memory_space<vmem>> -> memref<32xi32, #tpu.memory_space<vmem>>
        %dma_start3A_1862 = arith.constant 0 : i32
        %dma_start3A_1863 = arith.constant 0 : i32
        %dma_start3A_1864 = tpu.memref_slice %arg3[%dma_start3A_1862, %dma_start3A_1863] : memref<131072x96xf32, #tpu.memory_space<hbm>> -> memref<131072x96xf32, #tpu.memory_space<hbm>>
        tpu.enqueue_indirect_dma source(%dma_start3A_1864 : memref<131072x96xf32, #tpu.memory_space<hbm>>) target(%dma_start3A_1859 : memref<32x96xf32, #tpu.memory_space<vmem>>) offsets(%dma_start3A_1861 : memref<32xi32, #tpu.memory_space<vmem>>) semaphore(%arg8 : memref<!tpu.dma_semaphore, #tpu.memory_space<semaphore_mem>>)
        %dma_start3A_1865 = arith.constant 0 : i32
        %dma_start3A_1866 = arith.constant 224 : i32
        %dma_start3A_1867 = arith.constant 0 : i32
        %dma_start3A_1868 = tpu.memref_slice %arg7[%dma_start3A_1865, %dma_start3A_1866, %dma_start3A_1867] : memref<2x256x96xf32, #tpu.memory_space<vmem>> -> memref<1x32x96xf32, #tpu.memory_space<vmem>>
        %dma_start3A_1869 = tpu.memref_squeeze %dma_start3A_1868 : memref<1x32x96xf32, #tpu.memory_space<vmem>> -> memref<32x96xf32, #tpu.memory_space<vmem>>
        %dma_start3A_1870 = arith.constant 224 : i32
        %dma_start3A_1871 = tpu.memref_slice %arg6[%dma_start3A_1870] : memref<512xi32, #tpu.memory_space<vmem>> -> memref<32xi32, #tpu.memory_space<vmem>>
        %dma_start3A_1872 = arith.constant 0 : i32
        %dma_start3A_1873 = arith.constant 0 : i32
        %dma_start3A_1874 = tpu.memref_slice %arg3[%dma_start3A_1872, %dma_start3A_1873] : memref<131072x96xf32, #tpu.memory_space<hbm>> -> memref<131072x96xf32, #tpu.memory_space<hbm>>
        tpu.enqueue_indirect_dma source(%dma_start3A_1874 : memref<131072x96xf32, #tpu.memory_space<hbm>>) target(%dma_start3A_1869 : memref<32x96xf32, #tpu.memory_space<vmem>>) offsets(%dma_start3A_1871 : memref<32xi32, #tpu.memory_space<vmem>>) semaphore(%arg8 : memref<!tpu.dma_semaphore, #tpu.memory_space<semaphore_mem>>)
      } else {
      }
      %dma_wait3A_1180 = arith.constant 1 : i32
      %dma_wait3A_1181 = arith.constant 0 : i32
      %dma_wait3A_1182 = arith.constant 0 : i32
      %dma_wait3A_1183 = tpu.memref_slice %arg7[%dma_wait3A_1180, %dma_wait3A_1181, %dma_wait3A_1182] : memref<2x256x96xf32, #tpu.memory_space<vmem>> -> memref<1x32x96xf32, #tpu.memory_space<vmem>>
      %dma_wait3A_1184 = tpu.memref_squeeze %dma_wait3A_1183 : memref<1x32x96xf32, #tpu.memory_space<vmem>> -> memref<32x96xf32, #tpu.memory_space<vmem>>
      %dma_wait3A_1185 = arith.constant 256 : i32
      %dma_wait3A_1186 = tpu.memref_slice %arg6[%dma_wait3A_1185] : memref<512xi32, #tpu.memory_space<vmem>> -> memref<32xi32, #tpu.memory_space<vmem>>
      %dma_wait3A_1187 = arith.constant 0 : i32
      %dma_wait3A_1188 = arith.constant 0 : i32
      %dma_wait3A_1189 = tpu.memref_slice %arg3[%dma_wait3A_1187, %dma_wait3A_1188] : memref<131072x96xf32, #tpu.memory_space<hbm>> -> memref<131072x96xf32, #tpu.memory_space<hbm>>
      tpu.wait_indirect_dma semaphore(%arg9 : memref<!tpu.dma_semaphore, #tpu.memory_space<semaphore_mem>>) src(%dma_wait3A_1189 : memref<131072x96xf32, #tpu.memory_space<hbm>>) dst(%dma_wait3A_1184 : memref<32x96xf32, #tpu.memory_space<vmem>>)
      %dma_wait3A_1190 = arith.constant 1 : i32
      %dma_wait3A_1191 = arith.constant 32 : i32
      %dma_wait3A_1192 = arith.constant 0 : i32
      %dma_wait3A_1193 = tpu.memref_slice %arg7[%dma_wait3A_1190, %dma_wait3A_1191, %dma_wait3A_1192] : memref<2x256x96xf32, #tpu.memory_space<vmem>> -> memref<1x32x96xf32, #tpu.memory_space<vmem>>
      %dma_wait3A_1194 = tpu.memref_squeeze %dma_wait3A_1193 : memref<1x32x96xf32, #tpu.memory_space<vmem>> -> memref<32x96xf32, #tpu.memory_space<vmem>>
      %dma_wait3A_1195 = arith.constant 288 : i32
      %dma_wait3A_1196 = tpu.memref_slice %arg6[%dma_wait3A_1195] : memref<512xi32, #tpu.memory_space<vmem>> -> memref<32xi32, #tpu.memory_space<vmem>>
      %dma_wait3A_1197 = arith.constant 0 : i32
      %dma_wait3A_1198 = arith.constant 0 : i32
      %dma_wait3A_1199 = tpu.memref_slice %arg3[%dma_wait3A_1197, %dma_wait3A_1198] : memref<131072x96xf32, #tpu.memory_space<hbm>> -> memref<131072x96xf32, #tpu.memory_space<hbm>>
      tpu.wait_indirect_dma semaphore(%arg9 : memref<!tpu.dma_semaphore, #tpu.memory_space<semaphore_mem>>) src(%dma_wait3A_1199 : memref<131072x96xf32, #tpu.memory_space<hbm>>) dst(%dma_wait3A_1194 : memref<32x96xf32, #tpu.memory_space<vmem>>)
      %dma_wait3A_1200 = arith.constant 1 : i32
      %dma_wait3A_1201 = arith.constant 64 : i32
      %dma_wait3A_1202 = arith.constant 0 : i32
      %dma_wait3A_1203 = tpu.memref_slice %arg7[%dma_wait3A_1200, %dma_wait3A_1201, %dma_wait3A_1202] : memref<2x256x96xf32, #tpu.memory_space<vmem>> -> memref<1x32x96xf32, #tpu.memory_space<vmem>>
      %dma_wait3A_1204 = tpu.memref_squeeze %dma_wait3A_1203 : memref<1x32x96xf32, #tpu.memory_space<vmem>> -> memref<32x96xf32, #tpu.memory_space<vmem>>
      %dma_wait3A_1205 = arith.constant 320 : i32
      %dma_wait3A_1206 = tpu.memref_slice %arg6[%dma_wait3A_1205] : memref<512xi32, #tpu.memory_space<vmem>> -> memref<32xi32, #tpu.memory_space<vmem>>
      %dma_wait3A_1207 = arith.constant 0 : i32
      %dma_wait3A_1208 = arith.constant 0 : i32
      %dma_wait3A_1209 = tpu.memref_slice %arg3[%dma_wait3A_1207, %dma_wait3A_1208] : memref<131072x96xf32, #tpu.memory_space<hbm>> -> memref<131072x96xf32, #tpu.memory_space<hbm>>
      tpu.wait_indirect_dma semaphore(%arg9 : memref<!tpu.dma_semaphore, #tpu.memory_space<semaphore_mem>>) src(%dma_wait3A_1209 : memref<131072x96xf32, #tpu.memory_space<hbm>>) dst(%dma_wait3A_1204 : memref<32x96xf32, #tpu.memory_space<vmem>>)
      %dma_wait3A_1210 = arith.constant 1 : i32
      %dma_wait3A_1211 = arith.constant 96 : i32
      %dma_wait3A_1212 = arith.constant 0 : i32
      %dma_wait3A_1213 = tpu.memref_slice %arg7[%dma_wait3A_1210, %dma_wait3A_1211, %dma_wait3A_1212] : memref<2x256x96xf32, #tpu.memory_space<vmem>> -> memref<1x32x96xf32, #tpu.memory_space<vmem>>
      %dma_wait3A_1214 = tpu.memref_squeeze %dma_wait3A_1213 : memref<1x32x96xf32, #tpu.memory_space<vmem>> -> memref<32x96xf32, #tpu.memory_space<vmem>>
      %dma_wait3A_1215 = arith.constant 352 : i32
      %dma_wait3A_1216 = tpu.memref_slice %arg6[%dma_wait3A_1215] : memref<512xi32, #tpu.memory_space<vmem>> -> memref<32xi32, #tpu.memory_space<vmem>>
      %dma_wait3A_1217 = arith.constant 0 : i32
      %dma_wait3A_1218 = arith.constant 0 : i32
      %dma_wait3A_1219 = tpu.memref_slice %arg3[%dma_wait3A_1217, %dma_wait3A_1218] : memref<131072x96xf32, #tpu.memory_space<hbm>> -> memref<131072x96xf32, #tpu.memory_space<hbm>>
      tpu.wait_indirect_dma semaphore(%arg9 : memref<!tpu.dma_semaphore, #tpu.memory_space<semaphore_mem>>) src(%dma_wait3A_1219 : memref<131072x96xf32, #tpu.memory_space<hbm>>) dst(%dma_wait3A_1214 : memref<32x96xf32, #tpu.memory_space<vmem>>)
      %dma_wait3A_1220 = arith.constant 1 : i32
      %dma_wait3A_1221 = arith.constant 128 : i32
      %dma_wait3A_1222 = arith.constant 0 : i32
      %dma_wait3A_1223 = tpu.memref_slice %arg7[%dma_wait3A_1220, %dma_wait3A_1221, %dma_wait3A_1222] : memref<2x256x96xf32, #tpu.memory_space<vmem>> -> memref<1x32x96xf32, #tpu.memory_space<vmem>>
      %dma_wait3A_1224 = tpu.memref_squeeze %dma_wait3A_1223 : memref<1x32x96xf32, #tpu.memory_space<vmem>> -> memref<32x96xf32, #tpu.memory_space<vmem>>
      %dma_wait3A_1225 = arith.constant 384 : i32
      %dma_wait3A_1226 = tpu.memref_slice %arg6[%dma_wait3A_1225] : memref<512xi32, #tpu.memory_space<vmem>> -> memref<32xi32, #tpu.memory_space<vmem>>
      %dma_wait3A_1227 = arith.constant 0 : i32
      %dma_wait3A_1228 = arith.constant 0 : i32
      %dma_wait3A_1229 = tpu.memref_slice %arg3[%dma_wait3A_1227, %dma_wait3A_1228] : memref<131072x96xf32, #tpu.memory_space<hbm>> -> memref<131072x96xf32, #tpu.memory_space<hbm>>
      tpu.wait_indirect_dma semaphore(%arg9 : memref<!tpu.dma_semaphore, #tpu.memory_space<semaphore_mem>>) src(%dma_wait3A_1229 : memref<131072x96xf32, #tpu.memory_space<hbm>>) dst(%dma_wait3A_1224 : memref<32x96xf32, #tpu.memory_space<vmem>>)
      %dma_wait3A_1230 = arith.constant 1 : i32
      %dma_wait3A_1231 = arith.constant 160 : i32
      %dma_wait3A_1232 = arith.constant 0 : i32
      %dma_wait3A_1233 = tpu.memref_slice %arg7[%dma_wait3A_1230, %dma_wait3A_1231, %dma_wait3A_1232] : memref<2x256x96xf32, #tpu.memory_space<vmem>> -> memref<1x32x96xf32, #tpu.memory_space<vmem>>
      %dma_wait3A_1234 = tpu.memref_squeeze %dma_wait3A_1233 : memref<1x32x96xf32, #tpu.memory_space<vmem>> -> memref<32x96xf32, #tpu.memory_space<vmem>>
      %dma_wait3A_1235 = arith.constant 416 : i32
      %dma_wait3A_1236 = tpu.memref_slice %arg6[%dma_wait3A_1235] : memref<512xi32, #tpu.memory_space<vmem>> -> memref<32xi32, #tpu.memory_space<vmem>>
      %dma_wait3A_1237 = arith.constant 0 : i32
      %dma_wait3A_1238 = arith.constant 0 : i32
      %dma_wait3A_1239 = tpu.memref_slice %arg3[%dma_wait3A_1237, %dma_wait3A_1238] : memref<131072x96xf32, #tpu.memory_space<hbm>> -> memref<131072x96xf32, #tpu.memory_space<hbm>>
      tpu.wait_indirect_dma semaphore(%arg9 : memref<!tpu.dma_semaphore, #tpu.memory_space<semaphore_mem>>) src(%dma_wait3A_1239 : memref<131072x96xf32, #tpu.memory_space<hbm>>) dst(%dma_wait3A_1234 : memref<32x96xf32, #tpu.memory_space<vmem>>)
      %dma_wait3A_1240 = arith.constant 1 : i32
      %dma_wait3A_1241 = arith.constant 192 : i32
      %dma_wait3A_1242 = arith.constant 0 : i32
      %dma_wait3A_1243 = tpu.memref_slice %arg7[%dma_wait3A_1240, %dma_wait3A_1241, %dma_wait3A_1242] : memref<2x256x96xf32, #tpu.memory_space<vmem>> -> memref<1x32x96xf32, #tpu.memory_space<vmem>>
      %dma_wait3A_1244 = tpu.memref_squeeze %dma_wait3A_1243 : memref<1x32x96xf32, #tpu.memory_space<vmem>> -> memref<32x96xf32, #tpu.memory_space<vmem>>
      %dma_wait3A_1245 = arith.constant 448 : i32
      %dma_wait3A_1246 = tpu.memref_slice %arg6[%dma_wait3A_1245] : memref<512xi32, #tpu.memory_space<vmem>> -> memref<32xi32, #tpu.memory_space<vmem>>
      %dma_wait3A_1247 = arith.constant 0 : i32
      %dma_wait3A_1248 = arith.constant 0 : i32
      %dma_wait3A_1249 = tpu.memref_slice %arg3[%dma_wait3A_1247, %dma_wait3A_1248] : memref<131072x96xf32, #tpu.memory_space<hbm>> -> memref<131072x96xf32, #tpu.memory_space<hbm>>
      tpu.wait_indirect_dma semaphore(%arg9 : memref<!tpu.dma_semaphore, #tpu.memory_space<semaphore_mem>>) src(%dma_wait3A_1249 : memref<131072x96xf32, #tpu.memory_space<hbm>>) dst(%dma_wait3A_1244 : memref<32x96xf32, #tpu.memory_space<vmem>>)
      %dma_wait3A_1250 = arith.constant 1 : i32
      %dma_wait3A_1251 = arith.constant 224 : i32
      %dma_wait3A_1252 = arith.constant 0 : i32
      %dma_wait3A_1253 = tpu.memref_slice %arg7[%dma_wait3A_1250, %dma_wait3A_1251, %dma_wait3A_1252] : memref<2x256x96xf32, #tpu.memory_space<vmem>> -> memref<1x32x96xf32, #tpu.memory_space<vmem>>
      %dma_wait3A_1254 = tpu.memref_squeeze %dma_wait3A_1253 : memref<1x32x96xf32, #tpu.memory_space<vmem>> -> memref<32x96xf32, #tpu.memory_space<vmem>>
      %dma_wait3A_1255 = arith.constant 480 : i32
      %dma_wait3A_1256 = tpu.memref_slice %arg6[%dma_wait3A_1255] : memref<512xi32, #tpu.memory_space<vmem>> -> memref<32xi32, #tpu.memory_space<vmem>>
      %dma_wait3A_1257 = arith.constant 0 : i32
      %dma_wait3A_1258 = arith.constant 0 : i32
      %dma_wait3A_1259 = tpu.memref_slice %arg3[%dma_wait3A_1257, %dma_wait3A_1258] : memref<131072x96xf32, #tpu.memory_space<hbm>> -> memref<131072x96xf32, #tpu.memory_space<hbm>>
      tpu.wait_indirect_dma semaphore(%arg9 : memref<!tpu.dma_semaphore, #tpu.memory_space<semaphore_mem>>) src(%dma_wait3A_1259 : memref<131072x96xf32, #tpu.memory_space<hbm>>) dst(%dma_wait3A_1254 : memref<32x96xf32, #tpu.memory_space<vmem>>)
      %mul3A_1260 = arith.constant 32 : i32
      %mul3A_1261 = arith.muli %add3A_591, %mul3A_1260 : i32
      %add3A_1262 = arith.addi %mul3A_2, %mul3A_1261 : i32
      %dma_start3A_1263 = arith.constant 1 : i32
      %dma_start3A_1264 = arith.constant 0 : i32
      %dma_start3A_1265 = arith.constant 0 : i32
      %dma_start3A_1266 = tpu.memref_slice %arg7[%dma_start3A_1263, %dma_start3A_1264, %dma_start3A_1265] : memref<2x256x96xf32, #tpu.memory_space<vmem>> -> memref<1x32x96xf32, #tpu.memory_space<vmem>>
      %dma_start3A_1267 = tpu.memref_squeeze %dma_start3A_1266 : memref<1x32x96xf32, #tpu.memory_space<vmem>> -> memref<32x96xf32, #tpu.memory_space<vmem>>
      %dma_start3A_1268 = arith.constant 0 : i32
      %dma_start3A_1269 = tpu.memref_slice %arg4[%add3A_1262, %dma_start3A_1268] : memref<16384x768xf32, #tpu.memory_space<hbm>> -> memref<32x96xf32, #tpu.memory_space<hbm>>
      %dma_start3A_1270 = arith.constant 0 : i32
      %dma_start3A_1271 = tpu.memref_slice %arg4[%add3A_1262, %dma_start3A_1270] : memref<16384x768xf32, #tpu.memory_space<hbm>> -> memref<32x96xf32, #tpu.memory_space<hbm>>
      %dma_start3A_1272 = arith.constant 0 : i32
      %dma_start3A_1273 = arith.constant 0 : i32
      %dma_start3A_1274 = tpu.memref_slice %arg7[%dma_start3A_1263, %dma_start3A_1272, %dma_start3A_1273] : memref<2x256x96xf32, #tpu.memory_space<vmem>> -> memref<1x32x96xf32, #tpu.memory_space<vmem>>
      %dma_start3A_1275 = tpu.memref_squeeze %dma_start3A_1274 : memref<1x32x96xf32, #tpu.memory_space<vmem>> -> memref<32x96xf32, #tpu.memory_space<vmem>>
      tpu.enqueue_dma source(%dma_start3A_1275 : memref<32x96xf32, #tpu.memory_space<vmem>>) target(%dma_start3A_1271 : memref<32x96xf32, #tpu.memory_space<hbm>>) target_semaphore(%arg11 : memref<!tpu.dma_semaphore, #tpu.memory_space<semaphore_mem>>)
      %mul3A_1276 = arith.constant 32 : i32
      %mul3A_1277 = arith.muli %add3A_591, %mul3A_1276 : i32
      %add3A_1278 = arith.addi %mul3A_2, %mul3A_1277 : i32
      %dma_start3A_1279 = arith.constant 1 : i32
      %dma_start3A_1280 = arith.constant 32 : i32
      %dma_start3A_1281 = arith.constant 0 : i32
      %dma_start3A_1282 = tpu.memref_slice %arg7[%dma_start3A_1279, %dma_start3A_1280, %dma_start3A_1281] : memref<2x256x96xf32, #tpu.memory_space<vmem>> -> memref<1x32x96xf32, #tpu.memory_space<vmem>>
      %dma_start3A_1283 = tpu.memref_squeeze %dma_start3A_1282 : memref<1x32x96xf32, #tpu.memory_space<vmem>> -> memref<32x96xf32, #tpu.memory_space<vmem>>
      %dma_start3A_1284 = arith.constant 96 : i32
      %dma_start3A_1285 = tpu.memref_slice %arg4[%add3A_1278, %dma_start3A_1284] : memref<16384x768xf32, #tpu.memory_space<hbm>> -> memref<32x96xf32, #tpu.memory_space<hbm>>
      %dma_start3A_1286 = arith.constant 96 : i32
      %dma_start3A_1287 = tpu.memref_slice %arg4[%add3A_1278, %dma_start3A_1286] : memref<16384x768xf32, #tpu.memory_space<hbm>> -> memref<32x96xf32, #tpu.memory_space<hbm>>
      %dma_start3A_1288 = arith.constant 32 : i32
      %dma_start3A_1289 = arith.constant 0 : i32
      %dma_start3A_1290 = tpu.memref_slice %arg7[%dma_start3A_1279, %dma_start3A_1288, %dma_start3A_1289] : memref<2x256x96xf32, #tpu.memory_space<vmem>> -> memref<1x32x96xf32, #tpu.memory_space<vmem>>
      %dma_start3A_1291 = tpu.memref_squeeze %dma_start3A_1290 : memref<1x32x96xf32, #tpu.memory_space<vmem>> -> memref<32x96xf32, #tpu.memory_space<vmem>>
      tpu.enqueue_dma source(%dma_start3A_1291 : memref<32x96xf32, #tpu.memory_space<vmem>>) target(%dma_start3A_1287 : memref<32x96xf32, #tpu.memory_space<hbm>>) target_semaphore(%arg11 : memref<!tpu.dma_semaphore, #tpu.memory_space<semaphore_mem>>)
      %mul3A_1292 = arith.constant 32 : i32
      %mul3A_1293 = arith.muli %add3A_591, %mul3A_1292 : i32
      %add3A_1294 = arith.addi %mul3A_2, %mul3A_1293 : i32
      %dma_start3A_1295 = arith.constant 1 : i32
      %dma_start3A_1296 = arith.constant 64 : i32
      %dma_start3A_1297 = arith.constant 0 : i32
      %dma_start3A_1298 = tpu.memref_slice %arg7[%dma_start3A_1295, %dma_start3A_1296, %dma_start3A_1297] : memref<2x256x96xf32, #tpu.memory_space<vmem>> -> memref<1x32x96xf32, #tpu.memory_space<vmem>>
      %dma_start3A_1299 = tpu.memref_squeeze %dma_start3A_1298 : memref<1x32x96xf32, #tpu.memory_space<vmem>> -> memref<32x96xf32, #tpu.memory_space<vmem>>
      %dma_start3A_1300 = arith.constant 192 : i32
      %dma_start3A_1301 = tpu.memref_slice %arg4[%add3A_1294, %dma_start3A_1300] : memref<16384x768xf32, #tpu.memory_space<hbm>> -> memref<32x96xf32, #tpu.memory_space<hbm>>
      %dma_start3A_1302 = arith.constant 192 : i32
      %dma_start3A_1303 = tpu.memref_slice %arg4[%add3A_1294, %dma_start3A_1302] : memref<16384x768xf32, #tpu.memory_space<hbm>> -> memref<32x96xf32, #tpu.memory_space<hbm>>
      %dma_start3A_1304 = arith.constant 64 : i32
      %dma_start3A_1305 = arith.constant 0 : i32
      %dma_start3A_1306 = tpu.memref_slice %arg7[%dma_start3A_1295, %dma_start3A_1304, %dma_start3A_1305] : memref<2x256x96xf32, #tpu.memory_space<vmem>> -> memref<1x32x96xf32, #tpu.memory_space<vmem>>
      %dma_start3A_1307 = tpu.memref_squeeze %dma_start3A_1306 : memref<1x32x96xf32, #tpu.memory_space<vmem>> -> memref<32x96xf32, #tpu.memory_space<vmem>>
      tpu.enqueue_dma source(%dma_start3A_1307 : memref<32x96xf32, #tpu.memory_space<vmem>>) target(%dma_start3A_1303 : memref<32x96xf32, #tpu.memory_space<hbm>>) target_semaphore(%arg11 : memref<!tpu.dma_semaphore, #tpu.memory_space<semaphore_mem>>)
      %mul3A_1308 = arith.constant 32 : i32
      %mul3A_1309 = arith.muli %add3A_591, %mul3A_1308 : i32
      %add3A_1310 = arith.addi %mul3A_2, %mul3A_1309 : i32
      %dma_start3A_1311 = arith.constant 1 : i32
      %dma_start3A_1312 = arith.constant 96 : i32
      %dma_start3A_1313 = arith.constant 0 : i32
      %dma_start3A_1314 = tpu.memref_slice %arg7[%dma_start3A_1311, %dma_start3A_1312, %dma_start3A_1313] : memref<2x256x96xf32, #tpu.memory_space<vmem>> -> memref<1x32x96xf32, #tpu.memory_space<vmem>>
      %dma_start3A_1315 = tpu.memref_squeeze %dma_start3A_1314 : memref<1x32x96xf32, #tpu.memory_space<vmem>> -> memref<32x96xf32, #tpu.memory_space<vmem>>
      %dma_start3A_1316 = arith.constant 288 : i32
      %dma_start3A_1317 = tpu.memref_slice %arg4[%add3A_1310, %dma_start3A_1316] : memref<16384x768xf32, #tpu.memory_space<hbm>> -> memref<32x96xf32, #tpu.memory_space<hbm>>
      %dma_start3A_1318 = arith.constant 288 : i32
      %dma_start3A_1319 = tpu.memref_slice %arg4[%add3A_1310, %dma_start3A_1318] : memref<16384x768xf32, #tpu.memory_space<hbm>> -> memref<32x96xf32, #tpu.memory_space<hbm>>
      %dma_start3A_1320 = arith.constant 96 : i32
      %dma_start3A_1321 = arith.constant 0 : i32
      %dma_start3A_1322 = tpu.memref_slice %arg7[%dma_start3A_1311, %dma_start3A_1320, %dma_start3A_1321] : memref<2x256x96xf32, #tpu.memory_space<vmem>> -> memref<1x32x96xf32, #tpu.memory_space<vmem>>
      %dma_start3A_1323 = tpu.memref_squeeze %dma_start3A_1322 : memref<1x32x96xf32, #tpu.memory_space<vmem>> -> memref<32x96xf32, #tpu.memory_space<vmem>>
      tpu.enqueue_dma source(%dma_start3A_1323 : memref<32x96xf32, #tpu.memory_space<vmem>>) target(%dma_start3A_1319 : memref<32x96xf32, #tpu.memory_space<hbm>>) target_semaphore(%arg11 : memref<!tpu.dma_semaphore, #tpu.memory_space<semaphore_mem>>)
      %mul3A_1324 = arith.constant 32 : i32
      %mul3A_1325 = arith.muli %add3A_591, %mul3A_1324 : i32
      %add3A_1326 = arith.addi %mul3A_2, %mul3A_1325 : i32
      %dma_start3A_1327 = arith.constant 1 : i32
      %dma_start3A_1328 = arith.constant 128 : i32
      %dma_start3A_1329 = arith.constant 0 : i32
      %dma_start3A_1330 = tpu.memref_slice %arg7[%dma_start3A_1327, %dma_start3A_1328, %dma_start3A_1329] : memref<2x256x96xf32, #tpu.memory_space<vmem>> -> memref<1x32x96xf32, #tpu.memory_space<vmem>>
      %dma_start3A_1331 = tpu.memref_squeeze %dma_start3A_1330 : memref<1x32x96xf32, #tpu.memory_space<vmem>> -> memref<32x96xf32, #tpu.memory_space<vmem>>
      %dma_start3A_1332 = arith.constant 384 : i32
      %dma_start3A_1333 = tpu.memref_slice %arg4[%add3A_1326, %dma_start3A_1332] : memref<16384x768xf32, #tpu.memory_space<hbm>> -> memref<32x96xf32, #tpu.memory_space<hbm>>
      %dma_start3A_1334 = arith.constant 384 : i32
      %dma_start3A_1335 = tpu.memref_slice %arg4[%add3A_1326, %dma_start3A_1334] : memref<16384x768xf32, #tpu.memory_space<hbm>> -> memref<32x96xf32, #tpu.memory_space<hbm>>
      %dma_start3A_1336 = arith.constant 128 : i32
      %dma_start3A_1337 = arith.constant 0 : i32
      %dma_start3A_1338 = tpu.memref_slice %arg7[%dma_start3A_1327, %dma_start3A_1336, %dma_start3A_1337] : memref<2x256x96xf32, #tpu.memory_space<vmem>> -> memref<1x32x96xf32, #tpu.memory_space<vmem>>
      %dma_start3A_1339 = tpu.memref_squeeze %dma_start3A_1338 : memref<1x32x96xf32, #tpu.memory_space<vmem>> -> memref<32x96xf32, #tpu.memory_space<vmem>>
      tpu.enqueue_dma source(%dma_start3A_1339 : memref<32x96xf32, #tpu.memory_space<vmem>>) target(%dma_start3A_1335 : memref<32x96xf32, #tpu.memory_space<hbm>>) target_semaphore(%arg11 : memref<!tpu.dma_semaphore, #tpu.memory_space<semaphore_mem>>)
      %mul3A_1340 = arith.constant 32 : i32
      %mul3A_1341 = arith.muli %add3A_591, %mul3A_1340 : i32
      %add3A_1342 = arith.addi %mul3A_2, %mul3A_1341 : i32
      %dma_start3A_1343 = arith.constant 1 : i32
      %dma_start3A_1344 = arith.constant 160 : i32
      %dma_start3A_1345 = arith.constant 0 : i32
      %dma_start3A_1346 = tpu.memref_slice %arg7[%dma_start3A_1343, %dma_start3A_1344, %dma_start3A_1345] : memref<2x256x96xf32, #tpu.memory_space<vmem>> -> memref<1x32x96xf32, #tpu.memory_space<vmem>>
      %dma_start3A_1347 = tpu.memref_squeeze %dma_start3A_1346 : memref<1x32x96xf32, #tpu.memory_space<vmem>> -> memref<32x96xf32, #tpu.memory_space<vmem>>
      %dma_start3A_1348 = arith.constant 480 : i32
      %dma_start3A_1349 = tpu.memref_slice %arg4[%add3A_1342, %dma_start3A_1348] : memref<16384x768xf32, #tpu.memory_space<hbm>> -> memref<32x96xf32, #tpu.memory_space<hbm>>
      %dma_start3A_1350 = arith.constant 480 : i32
      %dma_start3A_1351 = tpu.memref_slice %arg4[%add3A_1342, %dma_start3A_1350] : memref<16384x768xf32, #tpu.memory_space<hbm>> -> memref<32x96xf32, #tpu.memory_space<hbm>>
      %dma_start3A_1352 = arith.constant 160 : i32
      %dma_start3A_1353 = arith.constant 0 : i32
      %dma_start3A_1354 = tpu.memref_slice %arg7[%dma_start3A_1343, %dma_start3A_1352, %dma_start3A_1353] : memref<2x256x96xf32, #tpu.memory_space<vmem>> -> memref<1x32x96xf32, #tpu.memory_space<vmem>>
      %dma_start3A_1355 = tpu.memref_squeeze %dma_start3A_1354 : memref<1x32x96xf32, #tpu.memory_space<vmem>> -> memref<32x96xf32, #tpu.memory_space<vmem>>
      tpu.enqueue_dma source(%dma_start3A_1355 : memref<32x96xf32, #tpu.memory_space<vmem>>) target(%dma_start3A_1351 : memref<32x96xf32, #tpu.memory_space<hbm>>) target_semaphore(%arg11 : memref<!tpu.dma_semaphore, #tpu.memory_space<semaphore_mem>>)
      %mul3A_1356 = arith.constant 32 : i32
      %mul3A_1357 = arith.muli %add3A_591, %mul3A_1356 : i32
      %add3A_1358 = arith.addi %mul3A_2, %mul3A_1357 : i32
      %dma_start3A_1359 = arith.constant 1 : i32
      %dma_start3A_1360 = arith.constant 192 : i32
      %dma_start3A_1361 = arith.constant 0 : i32
      %dma_start3A_1362 = tpu.memref_slice %arg7[%dma_start3A_1359, %dma_start3A_1360, %dma_start3A_1361] : memref<2x256x96xf32, #tpu.memory_space<vmem>> -> memref<1x32x96xf32, #tpu.memory_space<vmem>>
      %dma_start3A_1363 = tpu.memref_squeeze %dma_start3A_1362 : memref<1x32x96xf32, #tpu.memory_space<vmem>> -> memref<32x96xf32, #tpu.memory_space<vmem>>
      %dma_start3A_1364 = arith.constant 576 : i32
      %dma_start3A_1365 = tpu.memref_slice %arg4[%add3A_1358, %dma_start3A_1364] : memref<16384x768xf32, #tpu.memory_space<hbm>> -> memref<32x96xf32, #tpu.memory_space<hbm>>
      %dma_start3A_1366 = arith.constant 576 : i32
      %dma_start3A_1367 = tpu.memref_slice %arg4[%add3A_1358, %dma_start3A_1366] : memref<16384x768xf32, #tpu.memory_space<hbm>> -> memref<32x96xf32, #tpu.memory_space<hbm>>
      %dma_start3A_1368 = arith.constant 192 : i32
      %dma_start3A_1369 = arith.constant 0 : i32
      %dma_start3A_1370 = tpu.memref_slice %arg7[%dma_start3A_1359, %dma_start3A_1368, %dma_start3A_1369] : memref<2x256x96xf32, #tpu.memory_space<vmem>> -> memref<1x32x96xf32, #tpu.memory_space<vmem>>
      %dma_start3A_1371 = tpu.memref_squeeze %dma_start3A_1370 : memref<1x32x96xf32, #tpu.memory_space<vmem>> -> memref<32x96xf32, #tpu.memory_space<vmem>>
      tpu.enqueue_dma source(%dma_start3A_1371 : memref<32x96xf32, #tpu.memory_space<vmem>>) target(%dma_start3A_1367 : memref<32x96xf32, #tpu.memory_space<hbm>>) target_semaphore(%arg11 : memref<!tpu.dma_semaphore, #tpu.memory_space<semaphore_mem>>)
      %mul3A_1372 = arith.constant 32 : i32
      %mul3A_1373 = arith.muli %add3A_591, %mul3A_1372 : i32
      %add3A_1374 = arith.addi %mul3A_2, %mul3A_1373 : i32
      %dma_start3A_1375 = arith.constant 1 : i32
      %dma_start3A_1376 = arith.constant 224 : i32
      %dma_start3A_1377 = arith.constant 0 : i32
      %dma_start3A_1378 = tpu.memref_slice %arg7[%dma_start3A_1375, %dma_start3A_1376, %dma_start3A_1377] : memref<2x256x96xf32, #tpu.memory_space<vmem>> -> memref<1x32x96xf32, #tpu.memory_space<vmem>>
      %dma_start3A_1379 = tpu.memref_squeeze %dma_start3A_1378 : memref<1x32x96xf32, #tpu.memory_space<vmem>> -> memref<32x96xf32, #tpu.memory_space<vmem>>
      %dma_start3A_1380 = arith.constant 672 : i32
      %dma_start3A_1381 = tpu.memref_slice %arg4[%add3A_1374, %dma_start3A_1380] : memref<16384x768xf32, #tpu.memory_space<hbm>> -> memref<32x96xf32, #tpu.memory_space<hbm>>
      %dma_start3A_1382 = arith.constant 672 : i32
      %dma_start3A_1383 = tpu.memref_slice %arg4[%add3A_1374, %dma_start3A_1382] : memref<16384x768xf32, #tpu.memory_space<hbm>> -> memref<32x96xf32, #tpu.memory_space<hbm>>
      %dma_start3A_1384 = arith.constant 224 : i32
      %dma_start3A_1385 = arith.constant 0 : i32
      %dma_start3A_1386 = tpu.memref_slice %arg7[%dma_start3A_1375, %dma_start3A_1384, %dma_start3A_1385] : memref<2x256x96xf32, #tpu.memory_space<vmem>> -> memref<1x32x96xf32, #tpu.memory_space<vmem>>
      %dma_start3A_1387 = tpu.memref_squeeze %dma_start3A_1386 : memref<1x32x96xf32, #tpu.memory_space<vmem>> -> memref<32x96xf32, #tpu.memory_space<vmem>>
      tpu.enqueue_dma source(%dma_start3A_1387 : memref<32x96xf32, #tpu.memory_space<vmem>>) target(%dma_start3A_1383 : memref<32x96xf32, #tpu.memory_space<hbm>>) target_semaphore(%arg11 : memref<!tpu.dma_semaphore, #tpu.memory_space<semaphore_mem>>)
      %lt3A_1388 = arith.constant 7 : i32
      %lt3A_1389 = arith.cmpi slt, %scan3A_587, %lt3A_1388 : i32
      %convert_element_type3A_1390 = arith.extui %lt3A_1389 : i1 to i32
      %cond3A_1391 = arith.constant 0 : i32
      %cond3A_1392 = arith.cmpi ne, %convert_element_type3A_1390, %cond3A_1391 : i32
      scf.if %cond3A_1392 {
        %dma_wait3A_1393 = arith.constant 1 : i32
        %dma_wait3A_1394 = arith.constant 0 : i32
        %dma_wait3A_1395 = arith.constant 0 : i32
        %dma_wait3A_1396 = tpu.memref_slice %arg7[%dma_wait3A_1393, %dma_wait3A_1394, %dma_wait3A_1395] : memref<2x256x96xf32, #tpu.memory_space<vmem>> -> memref<1x32x96xf32, #tpu.memory_space<vmem>>
        %dma_wait3A_1397 = tpu.memref_squeeze %dma_wait3A_1396 : memref<1x32x96xf32, #tpu.memory_space<vmem>> -> memref<32x96xf32, #tpu.memory_space<vmem>>
        %dma_wait3A_1398 = arith.constant 0 : i32
        %dma_wait3A_1399 = tpu.memref_slice %arg4[%mul3A_2, %dma_wait3A_1398] : memref<16384x768xf32, #tpu.memory_space<hbm>> -> memref<32x96xf32, #tpu.memory_space<hbm>>
        %dma_wait3A_1400 = arith.constant 0 : i32
        %dma_wait3A_1401 = tpu.memref_slice %arg4[%mul3A_2, %dma_wait3A_1400] : memref<16384x768xf32, #tpu.memory_space<hbm>> -> memref<32x96xf32, #tpu.memory_space<hbm>>
        %dma_wait3A_1402 = arith.constant 0 : i32
        %dma_wait3A_1403 = arith.constant 0 : i32
        %dma_wait3A_1404 = tpu.memref_slice %arg7[%dma_wait3A_1393, %dma_wait3A_1402, %dma_wait3A_1403] : memref<2x256x96xf32, #tpu.memory_space<vmem>> -> memref<1x32x96xf32, #tpu.memory_space<vmem>>
        %dma_wait3A_1405 = tpu.memref_squeeze %dma_wait3A_1404 : memref<1x32x96xf32, #tpu.memory_space<vmem>> -> memref<32x96xf32, #tpu.memory_space<vmem>>
        tpu.wait_dma2 semaphore(%arg11 : memref<!tpu.dma_semaphore, #tpu.memory_space<semaphore_mem>>) src(%dma_wait3A_1405 : memref<32x96xf32, #tpu.memory_space<vmem>>) dst(%dma_wait3A_1401 : memref<32x96xf32, #tpu.memory_space<hbm>>)
        %dma_wait3A_1406 = arith.constant 1 : i32
        %dma_wait3A_1407 = arith.constant 32 : i32
        %dma_wait3A_1408 = arith.constant 0 : i32
        %dma_wait3A_1409 = tpu.memref_slice %arg7[%dma_wait3A_1406, %dma_wait3A_1407, %dma_wait3A_1408] : memref<2x256x96xf32, #tpu.memory_space<vmem>> -> memref<1x32x96xf32, #tpu.memory_space<vmem>>
        %dma_wait3A_1410 = tpu.memref_squeeze %dma_wait3A_1409 : memref<1x32x96xf32, #tpu.memory_space<vmem>> -> memref<32x96xf32, #tpu.memory_space<vmem>>
        %dma_wait3A_1411 = arith.constant 96 : i32
        %dma_wait3A_1412 = tpu.memref_slice %arg4[%mul3A_2, %dma_wait3A_1411] : memref<16384x768xf32, #tpu.memory_space<hbm>> -> memref<32x96xf32, #tpu.memory_space<hbm>>
        %dma_wait3A_1413 = arith.constant 96 : i32
        %dma_wait3A_1414 = tpu.memref_slice %arg4[%mul3A_2, %dma_wait3A_1413] : memref<16384x768xf32, #tpu.memory_space<hbm>> -> memref<32x96xf32, #tpu.memory_space<hbm>>
        %dma_wait3A_1415 = arith.constant 32 : i32
        %dma_wait3A_1416 = arith.constant 0 : i32
        %dma_wait3A_1417 = tpu.memref_slice %arg7[%dma_wait3A_1406, %dma_wait3A_1415, %dma_wait3A_1416] : memref<2x256x96xf32, #tpu.memory_space<vmem>> -> memref<1x32x96xf32, #tpu.memory_space<vmem>>
        %dma_wait3A_1418 = tpu.memref_squeeze %dma_wait3A_1417 : memref<1x32x96xf32, #tpu.memory_space<vmem>> -> memref<32x96xf32, #tpu.memory_space<vmem>>
        tpu.wait_dma2 semaphore(%arg11 : memref<!tpu.dma_semaphore, #tpu.memory_space<semaphore_mem>>) src(%dma_wait3A_1418 : memref<32x96xf32, #tpu.memory_space<vmem>>) dst(%dma_wait3A_1414 : memref<32x96xf32, #tpu.memory_space<hbm>>)
        %dma_wait3A_1419 = arith.constant 1 : i32
        %dma_wait3A_1420 = arith.constant 64 : i32
        %dma_wait3A_1421 = arith.constant 0 : i32
        %dma_wait3A_1422 = tpu.memref_slice %arg7[%dma_wait3A_1419, %dma_wait3A_1420, %dma_wait3A_1421] : memref<2x256x96xf32, #tpu.memory_space<vmem>> -> memref<1x32x96xf32, #tpu.memory_space<vmem>>
        %dma_wait3A_1423 = tpu.memref_squeeze %dma_wait3A_1422 : memref<1x32x96xf32, #tpu.memory_space<vmem>> -> memref<32x96xf32, #tpu.memory_space<vmem>>
        %dma_wait3A_1424 = arith.constant 192 : i32
        %dma_wait3A_1425 = tpu.memref_slice %arg4[%mul3A_2, %dma_wait3A_1424] : memref<16384x768xf32, #tpu.memory_space<hbm>> -> memref<32x96xf32, #tpu.memory_space<hbm>>
        %dma_wait3A_1426 = arith.constant 192 : i32
        %dma_wait3A_1427 = tpu.memref_slice %arg4[%mul3A_2, %dma_wait3A_1426] : memref<16384x768xf32, #tpu.memory_space<hbm>> -> memref<32x96xf32, #tpu.memory_space<hbm>>
        %dma_wait3A_1428 = arith.constant 64 : i32
        %dma_wait3A_1429 = arith.constant 0 : i32
        %dma_wait3A_1430 = tpu.memref_slice %arg7[%dma_wait3A_1419, %dma_wait3A_1428, %dma_wait3A_1429] : memref<2x256x96xf32, #tpu.memory_space<vmem>> -> memref<1x32x96xf32, #tpu.memory_space<vmem>>
        %dma_wait3A_1431 = tpu.memref_squeeze %dma_wait3A_1430 : memref<1x32x96xf32, #tpu.memory_space<vmem>> -> memref<32x96xf32, #tpu.memory_space<vmem>>
        tpu.wait_dma2 semaphore(%arg11 : memref<!tpu.dma_semaphore, #tpu.memory_space<semaphore_mem>>) src(%dma_wait3A_1431 : memref<32x96xf32, #tpu.memory_space<vmem>>) dst(%dma_wait3A_1427 : memref<32x96xf32, #tpu.memory_space<hbm>>)
        %dma_wait3A_1432 = arith.constant 1 : i32
        %dma_wait3A_1433 = arith.constant 96 : i32
        %dma_wait3A_1434 = arith.constant 0 : i32
        %dma_wait3A_1435 = tpu.memref_slice %arg7[%dma_wait3A_1432, %dma_wait3A_1433, %dma_wait3A_1434] : memref<2x256x96xf32, #tpu.memory_space<vmem>> -> memref<1x32x96xf32, #tpu.memory_space<vmem>>
        %dma_wait3A_1436 = tpu.memref_squeeze %dma_wait3A_1435 : memref<1x32x96xf32, #tpu.memory_space<vmem>> -> memref<32x96xf32, #tpu.memory_space<vmem>>
        %dma_wait3A_1437 = arith.constant 288 : i32
        %dma_wait3A_1438 = tpu.memref_slice %arg4[%mul3A_2, %dma_wait3A_1437] : memref<16384x768xf32, #tpu.memory_space<hbm>> -> memref<32x96xf32, #tpu.memory_space<hbm>>
        %dma_wait3A_1439 = arith.constant 288 : i32
        %dma_wait3A_1440 = tpu.memref_slice %arg4[%mul3A_2, %dma_wait3A_1439] : memref<16384x768xf32, #tpu.memory_space<hbm>> -> memref<32x96xf32, #tpu.memory_space<hbm>>
        %dma_wait3A_1441 = arith.constant 96 : i32
        %dma_wait3A_1442 = arith.constant 0 : i32
        %dma_wait3A_1443 = tpu.memref_slice %arg7[%dma_wait3A_1432, %dma_wait3A_1441, %dma_wait3A_1442] : memref<2x256x96xf32, #tpu.memory_space<vmem>> -> memref<1x32x96xf32, #tpu.memory_space<vmem>>
        %dma_wait3A_1444 = tpu.memref_squeeze %dma_wait3A_1443 : memref<1x32x96xf32, #tpu.memory_space<vmem>> -> memref<32x96xf32, #tpu.memory_space<vmem>>
        tpu.wait_dma2 semaphore(%arg11 : memref<!tpu.dma_semaphore, #tpu.memory_space<semaphore_mem>>) src(%dma_wait3A_1444 : memref<32x96xf32, #tpu.memory_space<vmem>>) dst(%dma_wait3A_1440 : memref<32x96xf32, #tpu.memory_space<hbm>>)
        %dma_wait3A_1445 = arith.constant 1 : i32
        %dma_wait3A_1446 = arith.constant 128 : i32
        %dma_wait3A_1447 = arith.constant 0 : i32
        %dma_wait3A_1448 = tpu.memref_slice %arg7[%dma_wait3A_1445, %dma_wait3A_1446, %dma_wait3A_1447] : memref<2x256x96xf32, #tpu.memory_space<vmem>> -> memref<1x32x96xf32, #tpu.memory_space<vmem>>
        %dma_wait3A_1449 = tpu.memref_squeeze %dma_wait3A_1448 : memref<1x32x96xf32, #tpu.memory_space<vmem>> -> memref<32x96xf32, #tpu.memory_space<vmem>>
        %dma_wait3A_1450 = arith.constant 384 : i32
        %dma_wait3A_1451 = tpu.memref_slice %arg4[%mul3A_2, %dma_wait3A_1450] : memref<16384x768xf32, #tpu.memory_space<hbm>> -> memref<32x96xf32, #tpu.memory_space<hbm>>
        %dma_wait3A_1452 = arith.constant 384 : i32
        %dma_wait3A_1453 = tpu.memref_slice %arg4[%mul3A_2, %dma_wait3A_1452] : memref<16384x768xf32, #tpu.memory_space<hbm>> -> memref<32x96xf32, #tpu.memory_space<hbm>>
        %dma_wait3A_1454 = arith.constant 128 : i32
        %dma_wait3A_1455 = arith.constant 0 : i32
        %dma_wait3A_1456 = tpu.memref_slice %arg7[%dma_wait3A_1445, %dma_wait3A_1454, %dma_wait3A_1455] : memref<2x256x96xf32, #tpu.memory_space<vmem>> -> memref<1x32x96xf32, #tpu.memory_space<vmem>>
        %dma_wait3A_1457 = tpu.memref_squeeze %dma_wait3A_1456 : memref<1x32x96xf32, #tpu.memory_space<vmem>> -> memref<32x96xf32, #tpu.memory_space<vmem>>
        tpu.wait_dma2 semaphore(%arg11 : memref<!tpu.dma_semaphore, #tpu.memory_space<semaphore_mem>>) src(%dma_wait3A_1457 : memref<32x96xf32, #tpu.memory_space<vmem>>) dst(%dma_wait3A_1453 : memref<32x96xf32, #tpu.memory_space<hbm>>)
        %dma_wait3A_1458 = arith.constant 1 : i32
        %dma_wait3A_1459 = arith.constant 160 : i32
        %dma_wait3A_1460 = arith.constant 0 : i32
        %dma_wait3A_1461 = tpu.memref_slice %arg7[%dma_wait3A_1458, %dma_wait3A_1459, %dma_wait3A_1460] : memref<2x256x96xf32, #tpu.memory_space<vmem>> -> memref<1x32x96xf32, #tpu.memory_space<vmem>>
        %dma_wait3A_1462 = tpu.memref_squeeze %dma_wait3A_1461 : memref<1x32x96xf32, #tpu.memory_space<vmem>> -> memref<32x96xf32, #tpu.memory_space<vmem>>
        %dma_wait3A_1463 = arith.constant 480 : i32
        %dma_wait3A_1464 = tpu.memref_slice %arg4[%mul3A_2, %dma_wait3A_1463] : memref<16384x768xf32, #tpu.memory_space<hbm>> -> memref<32x96xf32, #tpu.memory_space<hbm>>
        %dma_wait3A_1465 = arith.constant 480 : i32
        %dma_wait3A_1466 = tpu.memref_slice %arg4[%mul3A_2, %dma_wait3A_1465] : memref<16384x768xf32, #tpu.memory_space<hbm>> -> memref<32x96xf32, #tpu.memory_space<hbm>>
        %dma_wait3A_1467 = arith.constant 160 : i32
        %dma_wait3A_1468 = arith.constant 0 : i32
        %dma_wait3A_1469 = tpu.memref_slice %arg7[%dma_wait3A_1458, %dma_wait3A_1467, %dma_wait3A_1468] : memref<2x256x96xf32, #tpu.memory_space<vmem>> -> memref<1x32x96xf32, #tpu.memory_space<vmem>>
        %dma_wait3A_1470 = tpu.memref_squeeze %dma_wait3A_1469 : memref<1x32x96xf32, #tpu.memory_space<vmem>> -> memref<32x96xf32, #tpu.memory_space<vmem>>
        tpu.wait_dma2 semaphore(%arg11 : memref<!tpu.dma_semaphore, #tpu.memory_space<semaphore_mem>>) src(%dma_wait3A_1470 : memref<32x96xf32, #tpu.memory_space<vmem>>) dst(%dma_wait3A_1466 : memref<32x96xf32, #tpu.memory_space<hbm>>)
        %dma_wait3A_1471 = arith.constant 1 : i32
        %dma_wait3A_1472 = arith.constant 192 : i32
        %dma_wait3A_1473 = arith.constant 0 : i32
        %dma_wait3A_1474 = tpu.memref_slice %arg7[%dma_wait3A_1471, %dma_wait3A_1472, %dma_wait3A_1473] : memref<2x256x96xf32, #tpu.memory_space<vmem>> -> memref<1x32x96xf32, #tpu.memory_space<vmem>>
        %dma_wait3A_1475 = tpu.memref_squeeze %dma_wait3A_1474 : memref<1x32x96xf32, #tpu.memory_space<vmem>> -> memref<32x96xf32, #tpu.memory_space<vmem>>
        %dma_wait3A_1476 = arith.constant 576 : i32
        %dma_wait3A_1477 = tpu.memref_slice %arg4[%mul3A_2, %dma_wait3A_1476] : memref<16384x768xf32, #tpu.memory_space<hbm>> -> memref<32x96xf32, #tpu.memory_space<hbm>>
        %dma_wait3A_1478 = arith.constant 576 : i32
        %dma_wait3A_1479 = tpu.memref_slice %arg4[%mul3A_2, %dma_wait3A_1478] : memref<16384x768xf32, #tpu.memory_space<hbm>> -> memref<32x96xf32, #tpu.memory_space<hbm>>
        %dma_wait3A_1480 = arith.constant 192 : i32
        %dma_wait3A_1481 = arith.constant 0 : i32
        %dma_wait3A_1482 = tpu.memref_slice %arg7[%dma_wait3A_1471, %dma_wait3A_1480, %dma_wait3A_1481] : memref<2x256x96xf32, #tpu.memory_space<vmem>> -> memref<1x32x96xf32, #tpu.memory_space<vmem>>
        %dma_wait3A_1483 = tpu.memref_squeeze %dma_wait3A_1482 : memref<1x32x96xf32, #tpu.memory_space<vmem>> -> memref<32x96xf32, #tpu.memory_space<vmem>>
        tpu.wait_dma2 semaphore(%arg11 : memref<!tpu.dma_semaphore, #tpu.memory_space<semaphore_mem>>) src(%dma_wait3A_1483 : memref<32x96xf32, #tpu.memory_space<vmem>>) dst(%dma_wait3A_1479 : memref<32x96xf32, #tpu.memory_space<hbm>>)
        %dma_wait3A_1484 = arith.constant 1 : i32
        %dma_wait3A_1485 = arith.constant 224 : i32
        %dma_wait3A_1486 = arith.constant 0 : i32
        %dma_wait3A_1487 = tpu.memref_slice %arg7[%dma_wait3A_1484, %dma_wait3A_1485, %dma_wait3A_1486] : memref<2x256x96xf32, #tpu.memory_space<vmem>> -> memref<1x32x96xf32, #tpu.memory_space<vmem>>
        %dma_wait3A_1488 = tpu.memref_squeeze %dma_wait3A_1487 : memref<1x32x96xf32, #tpu.memory_space<vmem>> -> memref<32x96xf32, #tpu.memory_space<vmem>>
        %dma_wait3A_1489 = arith.constant 672 : i32
        %dma_wait3A_1490 = tpu.memref_slice %arg4[%mul3A_2, %dma_wait3A_1489] : memref<16384x768xf32, #tpu.memory_space<hbm>> -> memref<32x96xf32, #tpu.memory_space<hbm>>
        %dma_wait3A_1491 = arith.constant 672 : i32
        %dma_wait3A_1492 = tpu.memref_slice %arg4[%mul3A_2, %dma_wait3A_1491] : memref<16384x768xf32, #tpu.memory_space<hbm>> -> memref<32x96xf32, #tpu.memory_space<hbm>>
        %dma_wait3A_1493 = arith.constant 224 : i32
        %dma_wait3A_1494 = arith.constant 0 : i32
        %dma_wait3A_1495 = tpu.memref_slice %arg7[%dma_wait3A_1484, %dma_wait3A_1493, %dma_wait3A_1494] : memref<2x256x96xf32, #tpu.memory_space<vmem>> -> memref<1x32x96xf32, #tpu.memory_space<vmem>>
        %dma_wait3A_1496 = tpu.memref_squeeze %dma_wait3A_1495 : memref<1x32x96xf32, #tpu.memory_space<vmem>> -> memref<32x96xf32, #tpu.memory_space<vmem>>
        tpu.wait_dma2 semaphore(%arg11 : memref<!tpu.dma_semaphore, #tpu.memory_space<semaphore_mem>>) src(%dma_wait3A_1496 : memref<32x96xf32, #tpu.memory_space<vmem>>) dst(%dma_wait3A_1492 : memref<32x96xf32, #tpu.memory_space<hbm>>)
      } else {
      }
    }
    %scan3A_379 = arith.constant 8 : i32
    %dma_wait3A = arith.constant 0 : i32
    %dma_wait3A_380 = arith.constant 0 : i32
    %dma_wait3A_381 = arith.constant 0 : i32
    %dma_wait3A_382 = tpu.memref_slice %arg7[%dma_wait3A, %dma_wait3A_380, %dma_wait3A_381] : memref<2x256x96xf32, #tpu.memory_space<vmem>> -> memref<1x32x96xf32, #tpu.memory_space<vmem>>
    %dma_wait3A_383 = tpu.memref_squeeze %dma_wait3A_382 : memref<1x32x96xf32, #tpu.memory_space<vmem>> -> memref<32x96xf32, #tpu.memory_space<vmem>>
    %dma_wait3A_384 = arith.constant 0 : i32
    %dma_wait3A_385 = tpu.memref_slice %arg4[%mul3A_2, %dma_wait3A_384] : memref<16384x768xf32, #tpu.memory_space<hbm>> -> memref<32x96xf32, #tpu.memory_space<hbm>>
    %dma_wait3A_386 = arith.constant 0 : i32
    %dma_wait3A_387 = tpu.memref_slice %arg4[%mul3A_2, %dma_wait3A_386] : memref<16384x768xf32, #tpu.memory_space<hbm>> -> memref<32x96xf32, #tpu.memory_space<hbm>>
    %dma_wait3A_388 = arith.constant 0 : i32
    %dma_wait3A_389 = arith.constant 0 : i32
    %dma_wait3A_390 = tpu.memref_slice %arg7[%dma_wait3A, %dma_wait3A_388, %dma_wait3A_389] : memref<2x256x96xf32, #tpu.memory_space<vmem>> -> memref<1x32x96xf32, #tpu.memory_space<vmem>>
    %dma_wait3A_391 = tpu.memref_squeeze %dma_wait3A_390 : memref<1x32x96xf32, #tpu.memory_space<vmem>> -> memref<32x96xf32, #tpu.memory_space<vmem>>
    tpu.wait_dma2 semaphore(%arg10 : memref<!tpu.dma_semaphore, #tpu.memory_space<semaphore_mem>>) src(%dma_wait3A_391 : memref<32x96xf32, #tpu.memory_space<vmem>>) dst(%dma_wait3A_387 : memref<32x96xf32, #tpu.memory_space<hbm>>)
    %dma_wait3A_392 = arith.constant 0 : i32
    %dma_wait3A_393 = arith.constant 32 : i32
    %dma_wait3A_394 = arith.constant 0 : i32
    %dma_wait3A_395 = tpu.memref_slice %arg7[%dma_wait3A_392, %dma_wait3A_393, %dma_wait3A_394] : memref<2x256x96xf32, #tpu.memory_space<vmem>> -> memref<1x32x96xf32, #tpu.memory_space<vmem>>
    %dma_wait3A_396 = tpu.memref_squeeze %dma_wait3A_395 : memref<1x32x96xf32, #tpu.memory_space<vmem>> -> memref<32x96xf32, #tpu.memory_space<vmem>>
    %dma_wait3A_397 = arith.constant 96 : i32
    %dma_wait3A_398 = tpu.memref_slice %arg4[%mul3A_2, %dma_wait3A_397] : memref<16384x768xf32, #tpu.memory_space<hbm>> -> memref<32x96xf32, #tpu.memory_space<hbm>>
    %dma_wait3A_399 = arith.constant 96 : i32
    %dma_wait3A_400 = tpu.memref_slice %arg4[%mul3A_2, %dma_wait3A_399] : memref<16384x768xf32, #tpu.memory_space<hbm>> -> memref<32x96xf32, #tpu.memory_space<hbm>>
    %dma_wait3A_401 = arith.constant 32 : i32
    %dma_wait3A_402 = arith.constant 0 : i32
    %dma_wait3A_403 = tpu.memref_slice %arg7[%dma_wait3A_392, %dma_wait3A_401, %dma_wait3A_402] : memref<2x256x96xf32, #tpu.memory_space<vmem>> -> memref<1x32x96xf32, #tpu.memory_space<vmem>>
    %dma_wait3A_404 = tpu.memref_squeeze %dma_wait3A_403 : memref<1x32x96xf32, #tpu.memory_space<vmem>> -> memref<32x96xf32, #tpu.memory_space<vmem>>
    tpu.wait_dma2 semaphore(%arg10 : memref<!tpu.dma_semaphore, #tpu.memory_space<semaphore_mem>>) src(%dma_wait3A_404 : memref<32x96xf32, #tpu.memory_space<vmem>>) dst(%dma_wait3A_400 : memref<32x96xf32, #tpu.memory_space<hbm>>)
    %dma_wait3A_405 = arith.constant 0 : i32
    %dma_wait3A_406 = arith.constant 64 : i32
    %dma_wait3A_407 = arith.constant 0 : i32
    %dma_wait3A_408 = tpu.memref_slice %arg7[%dma_wait3A_405, %dma_wait3A_406, %dma_wait3A_407] : memref<2x256x96xf32, #tpu.memory_space<vmem>> -> memref<1x32x96xf32, #tpu.memory_space<vmem>>
    %dma_wait3A_409 = tpu.memref_squeeze %dma_wait3A_408 : memref<1x32x96xf32, #tpu.memory_space<vmem>> -> memref<32x96xf32, #tpu.memory_space<vmem>>
    %dma_wait3A_410 = arith.constant 192 : i32
    %dma_wait3A_411 = tpu.memref_slice %arg4[%mul3A_2, %dma_wait3A_410] : memref<16384x768xf32, #tpu.memory_space<hbm>> -> memref<32x96xf32, #tpu.memory_space<hbm>>
    %dma_wait3A_412 = arith.constant 192 : i32
    %dma_wait3A_413 = tpu.memref_slice %arg4[%mul3A_2, %dma_wait3A_412] : memref<16384x768xf32, #tpu.memory_space<hbm>> -> memref<32x96xf32, #tpu.memory_space<hbm>>
    %dma_wait3A_414 = arith.constant 64 : i32
    %dma_wait3A_415 = arith.constant 0 : i32
    %dma_wait3A_416 = tpu.memref_slice %arg7[%dma_wait3A_405, %dma_wait3A_414, %dma_wait3A_415] : memref<2x256x96xf32, #tpu.memory_space<vmem>> -> memref<1x32x96xf32, #tpu.memory_space<vmem>>
    %dma_wait3A_417 = tpu.memref_squeeze %dma_wait3A_416 : memref<1x32x96xf32, #tpu.memory_space<vmem>> -> memref<32x96xf32, #tpu.memory_space<vmem>>
    tpu.wait_dma2 semaphore(%arg10 : memref<!tpu.dma_semaphore, #tpu.memory_space<semaphore_mem>>) src(%dma_wait3A_417 : memref<32x96xf32, #tpu.memory_space<vmem>>) dst(%dma_wait3A_413 : memref<32x96xf32, #tpu.memory_space<hbm>>)
    %dma_wait3A_418 = arith.constant 0 : i32
    %dma_wait3A_419 = arith.constant 96 : i32
    %dma_wait3A_420 = arith.constant 0 : i32
    %dma_wait3A_421 = tpu.memref_slice %arg7[%dma_wait3A_418, %dma_wait3A_419, %dma_wait3A_420] : memref<2x256x96xf32, #tpu.memory_space<vmem>> -> memref<1x32x96xf32, #tpu.memory_space<vmem>>
    %dma_wait3A_422 = tpu.memref_squeeze %dma_wait3A_421 : memref<1x32x96xf32, #tpu.memory_space<vmem>> -> memref<32x96xf32, #tpu.memory_space<vmem>>
    %dma_wait3A_423 = arith.constant 288 : i32
    %dma_wait3A_424 = tpu.memref_slice %arg4[%mul3A_2, %dma_wait3A_423] : memref<16384x768xf32, #tpu.memory_space<hbm>> -> memref<32x96xf32, #tpu.memory_space<hbm>>
    %dma_wait3A_425 = arith.constant 288 : i32
    %dma_wait3A_426 = tpu.memref_slice %arg4[%mul3A_2, %dma_wait3A_425] : memref<16384x768xf32, #tpu.memory_space<hbm>> -> memref<32x96xf32, #tpu.memory_space<hbm>>
    %dma_wait3A_427 = arith.constant 96 : i32
    %dma_wait3A_428 = arith.constant 0 : i32
    %dma_wait3A_429 = tpu.memref_slice %arg7[%dma_wait3A_418, %dma_wait3A_427, %dma_wait3A_428] : memref<2x256x96xf32, #tpu.memory_space<vmem>> -> memref<1x32x96xf32, #tpu.memory_space<vmem>>
    %dma_wait3A_430 = tpu.memref_squeeze %dma_wait3A_429 : memref<1x32x96xf32, #tpu.memory_space<vmem>> -> memref<32x96xf32, #tpu.memory_space<vmem>>
    tpu.wait_dma2 semaphore(%arg10 : memref<!tpu.dma_semaphore, #tpu.memory_space<semaphore_mem>>) src(%dma_wait3A_430 : memref<32x96xf32, #tpu.memory_space<vmem>>) dst(%dma_wait3A_426 : memref<32x96xf32, #tpu.memory_space<hbm>>)
    %dma_wait3A_431 = arith.constant 0 : i32
    %dma_wait3A_432 = arith.constant 128 : i32
    %dma_wait3A_433 = arith.constant 0 : i32
    %dma_wait3A_434 = tpu.memref_slice %arg7[%dma_wait3A_431, %dma_wait3A_432, %dma_wait3A_433] : memref<2x256x96xf32, #tpu.memory_space<vmem>> -> memref<1x32x96xf32, #tpu.memory_space<vmem>>
    %dma_wait3A_435 = tpu.memref_squeeze %dma_wait3A_434 : memref<1x32x96xf32, #tpu.memory_space<vmem>> -> memref<32x96xf32, #tpu.memory_space<vmem>>
    %dma_wait3A_436 = arith.constant 384 : i32
    %dma_wait3A_437 = tpu.memref_slice %arg4[%mul3A_2, %dma_wait3A_436] : memref<16384x768xf32, #tpu.memory_space<hbm>> -> memref<32x96xf32, #tpu.memory_space<hbm>>
    %dma_wait3A_438 = arith.constant 384 : i32
    %dma_wait3A_439 = tpu.memref_slice %arg4[%mul3A_2, %dma_wait3A_438] : memref<16384x768xf32, #tpu.memory_space<hbm>> -> memref<32x96xf32, #tpu.memory_space<hbm>>
    %dma_wait3A_440 = arith.constant 128 : i32
    %dma_wait3A_441 = arith.constant 0 : i32
    %dma_wait3A_442 = tpu.memref_slice %arg7[%dma_wait3A_431, %dma_wait3A_440, %dma_wait3A_441] : memref<2x256x96xf32, #tpu.memory_space<vmem>> -> memref<1x32x96xf32, #tpu.memory_space<vmem>>
    %dma_wait3A_443 = tpu.memref_squeeze %dma_wait3A_442 : memref<1x32x96xf32, #tpu.memory_space<vmem>> -> memref<32x96xf32, #tpu.memory_space<vmem>>
    tpu.wait_dma2 semaphore(%arg10 : memref<!tpu.dma_semaphore, #tpu.memory_space<semaphore_mem>>) src(%dma_wait3A_443 : memref<32x96xf32, #tpu.memory_space<vmem>>) dst(%dma_wait3A_439 : memref<32x96xf32, #tpu.memory_space<hbm>>)
    %dma_wait3A_444 = arith.constant 0 : i32
    %dma_wait3A_445 = arith.constant 160 : i32
    %dma_wait3A_446 = arith.constant 0 : i32
    %dma_wait3A_447 = tpu.memref_slice %arg7[%dma_wait3A_444, %dma_wait3A_445, %dma_wait3A_446] : memref<2x256x96xf32, #tpu.memory_space<vmem>> -> memref<1x32x96xf32, #tpu.memory_space<vmem>>
    %dma_wait3A_448 = tpu.memref_squeeze %dma_wait3A_447 : memref<1x32x96xf32, #tpu.memory_space<vmem>> -> memref<32x96xf32, #tpu.memory_space<vmem>>
    %dma_wait3A_449 = arith.constant 480 : i32
    %dma_wait3A_450 = tpu.memref_slice %arg4[%mul3A_2, %dma_wait3A_449] : memref<16384x768xf32, #tpu.memory_space<hbm>> -> memref<32x96xf32, #tpu.memory_space<hbm>>
    %dma_wait3A_451 = arith.constant 480 : i32
    %dma_wait3A_452 = tpu.memref_slice %arg4[%mul3A_2, %dma_wait3A_451] : memref<16384x768xf32, #tpu.memory_space<hbm>> -> memref<32x96xf32, #tpu.memory_space<hbm>>
    %dma_wait3A_453 = arith.constant 160 : i32
    %dma_wait3A_454 = arith.constant 0 : i32
    %dma_wait3A_455 = tpu.memref_slice %arg7[%dma_wait3A_444, %dma_wait3A_453, %dma_wait3A_454] : memref<2x256x96xf32, #tpu.memory_space<vmem>> -> memref<1x32x96xf32, #tpu.memory_space<vmem>>
    %dma_wait3A_456 = tpu.memref_squeeze %dma_wait3A_455 : memref<1x32x96xf32, #tpu.memory_space<vmem>> -> memref<32x96xf32, #tpu.memory_space<vmem>>
    tpu.wait_dma2 semaphore(%arg10 : memref<!tpu.dma_semaphore, #tpu.memory_space<semaphore_mem>>) src(%dma_wait3A_456 : memref<32x96xf32, #tpu.memory_space<vmem>>) dst(%dma_wait3A_452 : memref<32x96xf32, #tpu.memory_space<hbm>>)
    %dma_wait3A_457 = arith.constant 0 : i32
    %dma_wait3A_458 = arith.constant 192 : i32
    %dma_wait3A_459 = arith.constant 0 : i32
    %dma_wait3A_460 = tpu.memref_slice %arg7[%dma_wait3A_457, %dma_wait3A_458, %dma_wait3A_459] : memref<2x256x96xf32, #tpu.memory_space<vmem>> -> memref<1x32x96xf32, #tpu.memory_space<vmem>>
    %dma_wait3A_461 = tpu.memref_squeeze %dma_wait3A_460 : memref<1x32x96xf32, #tpu.memory_space<vmem>> -> memref<32x96xf32, #tpu.memory_space<vmem>>
    %dma_wait3A_462 = arith.constant 576 : i32
    %dma_wait3A_463 = tpu.memref_slice %arg4[%mul3A_2, %dma_wait3A_462] : memref<16384x768xf32, #tpu.memory_space<hbm>> -> memref<32x96xf32, #tpu.memory_space<hbm>>
    %dma_wait3A_464 = arith.constant 576 : i32
    %dma_wait3A_465 = tpu.memref_slice %arg4[%mul3A_2, %dma_wait3A_464] : memref<16384x768xf32, #tpu.memory_space<hbm>> -> memref<32x96xf32, #tpu.memory_space<hbm>>
    %dma_wait3A_466 = arith.constant 192 : i32
    %dma_wait3A_467 = arith.constant 0 : i32
    %dma_wait3A_468 = tpu.memref_slice %arg7[%dma_wait3A_457, %dma_wait3A_466, %dma_wait3A_467] : memref<2x256x96xf32, #tpu.memory_space<vmem>> -> memref<1x32x96xf32, #tpu.memory_space<vmem>>
    %dma_wait3A_469 = tpu.memref_squeeze %dma_wait3A_468 : memref<1x32x96xf32, #tpu.memory_space<vmem>> -> memref<32x96xf32, #tpu.memory_space<vmem>>
    tpu.wait_dma2 semaphore(%arg10 : memref<!tpu.dma_semaphore, #tpu.memory_space<semaphore_mem>>) src(%dma_wait3A_469 : memref<32x96xf32, #tpu.memory_space<vmem>>) dst(%dma_wait3A_465 : memref<32x96xf32, #tpu.memory_space<hbm>>)
    %dma_wait3A_470 = arith.constant 0 : i32
    %dma_wait3A_471 = arith.constant 224 : i32
    %dma_wait3A_472 = arith.constant 0 : i32
    %dma_wait3A_473 = tpu.memref_slice %arg7[%dma_wait3A_470, %dma_wait3A_471, %dma_wait3A_472] : memref<2x256x96xf32, #tpu.memory_space<vmem>> -> memref<1x32x96xf32, #tpu.memory_space<vmem>>
    %dma_wait3A_474 = tpu.memref_squeeze %dma_wait3A_473 : memref<1x32x96xf32, #tpu.memory_space<vmem>> -> memref<32x96xf32, #tpu.memory_space<vmem>>
    %dma_wait3A_475 = arith.constant 672 : i32
    %dma_wait3A_476 = tpu.memref_slice %arg4[%mul3A_2, %dma_wait3A_475] : memref<16384x768xf32, #tpu.memory_space<hbm>> -> memref<32x96xf32, #tpu.memory_space<hbm>>
    %dma_wait3A_477 = arith.constant 672 : i32
    %dma_wait3A_478 = tpu.memref_slice %arg4[%mul3A_2, %dma_wait3A_477] : memref<16384x768xf32, #tpu.memory_space<hbm>> -> memref<32x96xf32, #tpu.memory_space<hbm>>
    %dma_wait3A_479 = arith.constant 224 : i32
    %dma_wait3A_480 = arith.constant 0 : i32
    %dma_wait3A_481 = tpu.memref_slice %arg7[%dma_wait3A_470, %dma_wait3A_479, %dma_wait3A_480] : memref<2x256x96xf32, #tpu.memory_space<vmem>> -> memref<1x32x96xf32, #tpu.memory_space<vmem>>
    %dma_wait3A_482 = tpu.memref_squeeze %dma_wait3A_481 : memref<1x32x96xf32, #tpu.memory_space<vmem>> -> memref<32x96xf32, #tpu.memory_space<vmem>>
    tpu.wait_dma2 semaphore(%arg10 : memref<!tpu.dma_semaphore, #tpu.memory_space<semaphore_mem>>) src(%dma_wait3A_482 : memref<32x96xf32, #tpu.memory_space<vmem>>) dst(%dma_wait3A_478 : memref<32x96xf32, #tpu.memory_space<hbm>>)
    %dma_wait3A_483 = arith.constant 1 : i32
    %dma_wait3A_484 = arith.constant 0 : i32
    %dma_wait3A_485 = arith.constant 0 : i32
    %dma_wait3A_486 = tpu.memref_slice %arg7[%dma_wait3A_483, %dma_wait3A_484, %dma_wait3A_485] : memref<2x256x96xf32, #tpu.memory_space<vmem>> -> memref<1x32x96xf32, #tpu.memory_space<vmem>>
    %dma_wait3A_487 = tpu.memref_squeeze %dma_wait3A_486 : memref<1x32x96xf32, #tpu.memory_space<vmem>> -> memref<32x96xf32, #tpu.memory_space<vmem>>
    %dma_wait3A_488 = arith.constant 0 : i32
    %dma_wait3A_489 = tpu.memref_slice %arg4[%mul3A_2, %dma_wait3A_488] : memref<16384x768xf32, #tpu.memory_space<hbm>> -> memref<32x96xf32, #tpu.memory_space<hbm>>
    %dma_wait3A_490 = arith.constant 0 : i32
    %dma_wait3A_491 = tpu.memref_slice %arg4[%mul3A_2, %dma_wait3A_490] : memref<16384x768xf32, #tpu.memory_space<hbm>> -> memref<32x96xf32, #tpu.memory_space<hbm>>
    %dma_wait3A_492 = arith.constant 0 : i32
    %dma_wait3A_493 = arith.constant 0 : i32
    %dma_wait3A_494 = tpu.memref_slice %arg7[%dma_wait3A_483, %dma_wait3A_492, %dma_wait3A_493] : memref<2x256x96xf32, #tpu.memory_space<vmem>> -> memref<1x32x96xf32, #tpu.memory_space<vmem>>
    %dma_wait3A_495 = tpu.memref_squeeze %dma_wait3A_494 : memref<1x32x96xf32, #tpu.memory_space<vmem>> -> memref<32x96xf32, #tpu.memory_space<vmem>>
    tpu.wait_dma2 semaphore(%arg11 : memref<!tpu.dma_semaphore, #tpu.memory_space<semaphore_mem>>) src(%dma_wait3A_495 : memref<32x96xf32, #tpu.memory_space<vmem>>) dst(%dma_wait3A_491 : memref<32x96xf32, #tpu.memory_space<hbm>>)
    %dma_wait3A_496 = arith.constant 1 : i32
    %dma_wait3A_497 = arith.constant 32 : i32
    %dma_wait3A_498 = arith.constant 0 : i32
    %dma_wait3A_499 = tpu.memref_slice %arg7[%dma_wait3A_496, %dma_wait3A_497, %dma_wait3A_498] : memref<2x256x96xf32, #tpu.memory_space<vmem>> -> memref<1x32x96xf32, #tpu.memory_space<vmem>>
    %dma_wait3A_500 = tpu.memref_squeeze %dma_wait3A_499 : memref<1x32x96xf32, #tpu.memory_space<vmem>> -> memref<32x96xf32, #tpu.memory_space<vmem>>
    %dma_wait3A_501 = arith.constant 96 : i32
    %dma_wait3A_502 = tpu.memref_slice %arg4[%mul3A_2, %dma_wait3A_501] : memref<16384x768xf32, #tpu.memory_space<hbm>> -> memref<32x96xf32, #tpu.memory_space<hbm>>
    %dma_wait3A_503 = arith.constant 96 : i32
    %dma_wait3A_504 = tpu.memref_slice %arg4[%mul3A_2, %dma_wait3A_503] : memref<16384x768xf32, #tpu.memory_space<hbm>> -> memref<32x96xf32, #tpu.memory_space<hbm>>
    %dma_wait3A_505 = arith.constant 32 : i32
    %dma_wait3A_506 = arith.constant 0 : i32
    %dma_wait3A_507 = tpu.memref_slice %arg7[%dma_wait3A_496, %dma_wait3A_505, %dma_wait3A_506] : memref<2x256x96xf32, #tpu.memory_space<vmem>> -> memref<1x32x96xf32, #tpu.memory_space<vmem>>
    %dma_wait3A_508 = tpu.memref_squeeze %dma_wait3A_507 : memref<1x32x96xf32, #tpu.memory_space<vmem>> -> memref<32x96xf32, #tpu.memory_space<vmem>>
    tpu.wait_dma2 semaphore(%arg11 : memref<!tpu.dma_semaphore, #tpu.memory_space<semaphore_mem>>) src(%dma_wait3A_508 : memref<32x96xf32, #tpu.memory_space<vmem>>) dst(%dma_wait3A_504 : memref<32x96xf32, #tpu.memory_space<hbm>>)
    %dma_wait3A_509 = arith.constant 1 : i32
    %dma_wait3A_510 = arith.constant 64 : i32
    %dma_wait3A_511 = arith.constant 0 : i32
    %dma_wait3A_512 = tpu.memref_slice %arg7[%dma_wait3A_509, %dma_wait3A_510, %dma_wait3A_511] : memref<2x256x96xf32, #tpu.memory_space<vmem>> -> memref<1x32x96xf32, #tpu.memory_space<vmem>>
    %dma_wait3A_513 = tpu.memref_squeeze %dma_wait3A_512 : memref<1x32x96xf32, #tpu.memory_space<vmem>> -> memref<32x96xf32, #tpu.memory_space<vmem>>
    %dma_wait3A_514 = arith.constant 192 : i32
    %dma_wait3A_515 = tpu.memref_slice %arg4[%mul3A_2, %dma_wait3A_514] : memref<16384x768xf32, #tpu.memory_space<hbm>> -> memref<32x96xf32, #tpu.memory_space<hbm>>
    %dma_wait3A_516 = arith.constant 192 : i32
    %dma_wait3A_517 = tpu.memref_slice %arg4[%mul3A_2, %dma_wait3A_516] : memref<16384x768xf32, #tpu.memory_space<hbm>> -> memref<32x96xf32, #tpu.memory_space<hbm>>
    %dma_wait3A_518 = arith.constant 64 : i32
    %dma_wait3A_519 = arith.constant 0 : i32
    %dma_wait3A_520 = tpu.memref_slice %arg7[%dma_wait3A_509, %dma_wait3A_518, %dma_wait3A_519] : memref<2x256x96xf32, #tpu.memory_space<vmem>> -> memref<1x32x96xf32, #tpu.memory_space<vmem>>
    %dma_wait3A_521 = tpu.memref_squeeze %dma_wait3A_520 : memref<1x32x96xf32, #tpu.memory_space<vmem>> -> memref<32x96xf32, #tpu.memory_space<vmem>>
    tpu.wait_dma2 semaphore(%arg11 : memref<!tpu.dma_semaphore, #tpu.memory_space<semaphore_mem>>) src(%dma_wait3A_521 : memref<32x96xf32, #tpu.memory_space<vmem>>) dst(%dma_wait3A_517 : memref<32x96xf32, #tpu.memory_space<hbm>>)
    %dma_wait3A_522 = arith.constant 1 : i32
    %dma_wait3A_523 = arith.constant 96 : i32
    %dma_wait3A_524 = arith.constant 0 : i32
    %dma_wait3A_525 = tpu.memref_slice %arg7[%dma_wait3A_522, %dma_wait3A_523, %dma_wait3A_524] : memref<2x256x96xf32, #tpu.memory_space<vmem>> -> memref<1x32x96xf32, #tpu.memory_space<vmem>>
    %dma_wait3A_526 = tpu.memref_squeeze %dma_wait3A_525 : memref<1x32x96xf32, #tpu.memory_space<vmem>> -> memref<32x96xf32, #tpu.memory_space<vmem>>
    %dma_wait3A_527 = arith.constant 288 : i32
    %dma_wait3A_528 = tpu.memref_slice %arg4[%mul3A_2, %dma_wait3A_527] : memref<16384x768xf32, #tpu.memory_space<hbm>> -> memref<32x96xf32, #tpu.memory_space<hbm>>
    %dma_wait3A_529 = arith.constant 288 : i32
    %dma_wait3A_530 = tpu.memref_slice %arg4[%mul3A_2, %dma_wait3A_529] : memref<16384x768xf32, #tpu.memory_space<hbm>> -> memref<32x96xf32, #tpu.memory_space<hbm>>
    %dma_wait3A_531 = arith.constant 96 : i32
    %dma_wait3A_532 = arith.constant 0 : i32
    %dma_wait3A_533 = tpu.memref_slice %arg7[%dma_wait3A_522, %dma_wait3A_531, %dma_wait3A_532] : memref<2x256x96xf32, #tpu.memory_space<vmem>> -> memref<1x32x96xf32, #tpu.memory_space<vmem>>
    %dma_wait3A_534 = tpu.memref_squeeze %dma_wait3A_533 : memref<1x32x96xf32, #tpu.memory_space<vmem>> -> memref<32x96xf32, #tpu.memory_space<vmem>>
    tpu.wait_dma2 semaphore(%arg11 : memref<!tpu.dma_semaphore, #tpu.memory_space<semaphore_mem>>) src(%dma_wait3A_534 : memref<32x96xf32, #tpu.memory_space<vmem>>) dst(%dma_wait3A_530 : memref<32x96xf32, #tpu.memory_space<hbm>>)
    %dma_wait3A_535 = arith.constant 1 : i32
    %dma_wait3A_536 = arith.constant 128 : i32
    %dma_wait3A_537 = arith.constant 0 : i32
    %dma_wait3A_538 = tpu.memref_slice %arg7[%dma_wait3A_535, %dma_wait3A_536, %dma_wait3A_537] : memref<2x256x96xf32, #tpu.memory_space<vmem>> -> memref<1x32x96xf32, #tpu.memory_space<vmem>>
    %dma_wait3A_539 = tpu.memref_squeeze %dma_wait3A_538 : memref<1x32x96xf32, #tpu.memory_space<vmem>> -> memref<32x96xf32, #tpu.memory_space<vmem>>
    %dma_wait3A_540 = arith.constant 384 : i32
    %dma_wait3A_541 = tpu.memref_slice %arg4[%mul3A_2, %dma_wait3A_540] : memref<16384x768xf32, #tpu.memory_space<hbm>> -> memref<32x96xf32, #tpu.memory_space<hbm>>
    %dma_wait3A_542 = arith.constant 384 : i32
    %dma_wait3A_543 = tpu.memref_slice %arg4[%mul3A_2, %dma_wait3A_542] : memref<16384x768xf32, #tpu.memory_space<hbm>> -> memref<32x96xf32, #tpu.memory_space<hbm>>
    %dma_wait3A_544 = arith.constant 128 : i32
    %dma_wait3A_545 = arith.constant 0 : i32
    %dma_wait3A_546 = tpu.memref_slice %arg7[%dma_wait3A_535, %dma_wait3A_544, %dma_wait3A_545] : memref<2x256x96xf32, #tpu.memory_space<vmem>> -> memref<1x32x96xf32, #tpu.memory_space<vmem>>
    %dma_wait3A_547 = tpu.memref_squeeze %dma_wait3A_546 : memref<1x32x96xf32, #tpu.memory_space<vmem>> -> memref<32x96xf32, #tpu.memory_space<vmem>>
    tpu.wait_dma2 semaphore(%arg11 : memref<!tpu.dma_semaphore, #tpu.memory_space<semaphore_mem>>) src(%dma_wait3A_547 : memref<32x96xf32, #tpu.memory_space<vmem>>) dst(%dma_wait3A_543 : memref<32x96xf32, #tpu.memory_space<hbm>>)
    %dma_wait3A_548 = arith.constant 1 : i32
    %dma_wait3A_549 = arith.constant 160 : i32
    %dma_wait3A_550 = arith.constant 0 : i32
    %dma_wait3A_551 = tpu.memref_slice %arg7[%dma_wait3A_548, %dma_wait3A_549, %dma_wait3A_550] : memref<2x256x96xf32, #tpu.memory_space<vmem>> -> memref<1x32x96xf32, #tpu.memory_space<vmem>>
    %dma_wait3A_552 = tpu.memref_squeeze %dma_wait3A_551 : memref<1x32x96xf32, #tpu.memory_space<vmem>> -> memref<32x96xf32, #tpu.memory_space<vmem>>
    %dma_wait3A_553 = arith.constant 480 : i32
    %dma_wait3A_554 = tpu.memref_slice %arg4[%mul3A_2, %dma_wait3A_553] : memref<16384x768xf32, #tpu.memory_space<hbm>> -> memref<32x96xf32, #tpu.memory_space<hbm>>
    %dma_wait3A_555 = arith.constant 480 : i32
    %dma_wait3A_556 = tpu.memref_slice %arg4[%mul3A_2, %dma_wait3A_555] : memref<16384x768xf32, #tpu.memory_space<hbm>> -> memref<32x96xf32, #tpu.memory_space<hbm>>
    %dma_wait3A_557 = arith.constant 160 : i32
    %dma_wait3A_558 = arith.constant 0 : i32
    %dma_wait3A_559 = tpu.memref_slice %arg7[%dma_wait3A_548, %dma_wait3A_557, %dma_wait3A_558] : memref<2x256x96xf32, #tpu.memory_space<vmem>> -> memref<1x32x96xf32, #tpu.memory_space<vmem>>
    %dma_wait3A_560 = tpu.memref_squeeze %dma_wait3A_559 : memref<1x32x96xf32, #tpu.memory_space<vmem>> -> memref<32x96xf32, #tpu.memory_space<vmem>>
    tpu.wait_dma2 semaphore(%arg11 : memref<!tpu.dma_semaphore, #tpu.memory_space<semaphore_mem>>) src(%dma_wait3A_560 : memref<32x96xf32, #tpu.memory_space<vmem>>) dst(%dma_wait3A_556 : memref<32x96xf32, #tpu.memory_space<hbm>>)
    %dma_wait3A_561 = arith.constant 1 : i32
    %dma_wait3A_562 = arith.constant 192 : i32
    %dma_wait3A_563 = arith.constant 0 : i32
    %dma_wait3A_564 = tpu.memref_slice %arg7[%dma_wait3A_561, %dma_wait3A_562, %dma_wait3A_563] : memref<2x256x96xf32, #tpu.memory_space<vmem>> -> memref<1x32x96xf32, #tpu.memory_space<vmem>>
    %dma_wait3A_565 = tpu.memref_squeeze %dma_wait3A_564 : memref<1x32x96xf32, #tpu.memory_space<vmem>> -> memref<32x96xf32, #tpu.memory_space<vmem>>
    %dma_wait3A_566 = arith.constant 576 : i32
    %dma_wait3A_567 = tpu.memref_slice %arg4[%mul3A_2, %dma_wait3A_566] : memref<16384x768xf32, #tpu.memory_space<hbm>> -> memref<32x96xf32, #tpu.memory_space<hbm>>
    %dma_wait3A_568 = arith.constant 576 : i32
    %dma_wait3A_569 = tpu.memref_slice %arg4[%mul3A_2, %dma_wait3A_568] : memref<16384x768xf32, #tpu.memory_space<hbm>> -> memref<32x96xf32, #tpu.memory_space<hbm>>
    %dma_wait3A_570 = arith.constant 192 : i32
    %dma_wait3A_571 = arith.constant 0 : i32
    %dma_wait3A_572 = tpu.memref_slice %arg7[%dma_wait3A_561, %dma_wait3A_570, %dma_wait3A_571] : memref<2x256x96xf32, #tpu.memory_space<vmem>> -> memref<1x32x96xf32, #tpu.memory_space<vmem>>
    %dma_wait3A_573 = tpu.memref_squeeze %dma_wait3A_572 : memref<1x32x96xf32, #tpu.memory_space<vmem>> -> memref<32x96xf32, #tpu.memory_space<vmem>>
    tpu.wait_dma2 semaphore(%arg11 : memref<!tpu.dma_semaphore, #tpu.memory_space<semaphore_mem>>) src(%dma_wait3A_573 : memref<32x96xf32, #tpu.memory_space<vmem>>) dst(%dma_wait3A_569 : memref<32x96xf32, #tpu.memory_space<hbm>>)
    %dma_wait3A_574 = arith.constant 1 : i32
    %dma_wait3A_575 = arith.constant 224 : i32
    %dma_wait3A_576 = arith.constant 0 : i32
    %dma_wait3A_577 = tpu.memref_slice %arg7[%dma_wait3A_574, %dma_wait3A_575, %dma_wait3A_576] : memref<2x256x96xf32, #tpu.memory_space<vmem>> -> memref<1x32x96xf32, #tpu.memory_space<vmem>>
    %dma_wait3A_578 = tpu.memref_squeeze %dma_wait3A_577 : memref<1x32x96xf32, #tpu.memory_space<vmem>> -> memref<32x96xf32, #tpu.memory_space<vmem>>
    %dma_wait3A_579 = arith.constant 672 : i32
    %dma_wait3A_580 = tpu.memref_slice %arg4[%mul3A_2, %dma_wait3A_579] : memref<16384x768xf32, #tpu.memory_space<hbm>> -> memref<32x96xf32, #tpu.memory_space<hbm>>
    %dma_wait3A_581 = arith.constant 672 : i32
    %dma_wait3A_582 = tpu.memref_slice %arg4[%mul3A_2, %dma_wait3A_581] : memref<16384x768xf32, #tpu.memory_space<hbm>> -> memref<32x96xf32, #tpu.memory_space<hbm>>
    %dma_wait3A_583 = arith.constant 224 : i32
    %dma_wait3A_584 = arith.constant 0 : i32
    %dma_wait3A_585 = tpu.memref_slice %arg7[%dma_wait3A_574, %dma_wait3A_583, %dma_wait3A_584] : memref<2x256x96xf32, #tpu.memory_space<vmem>> -> memref<1x32x96xf32, #tpu.memory_space<vmem>>
    %dma_wait3A_586 = tpu.memref_squeeze %dma_wait3A_585 : memref<1x32x96xf32, #tpu.memory_space<vmem>> -> memref<32x96xf32, #tpu.memory_space<vmem>>
    tpu.wait_dma2 semaphore(%arg11 : memref<!tpu.dma_semaphore, #tpu.memory_space<semaphore_mem>>) src(%dma_wait3A_586 : memref<32x96xf32, #tpu.memory_space<vmem>>) dst(%dma_wait3A_582 : memref<32x96xf32, #tpu.memory_space<hbm>>)
    return
  }
}

</mosaic_0001>

<sc_bundles>
// kernel: wrapper.3.cloned.1.call-start
scs
__scs_entry_jumppad:
0x0: {  	(pc) =	sbr.rel $0x88, $3  }
0x1: {  	(tag) =	ssettag $0x0;
	lr =	simm.s32 $0x1  }
0x2: {  	[smem:$0x3F9F] =	sst lr;
	_ =	strace $0xD0000000  }
0x3: {  	_ = 	snop  }
0x4: {  	_ = 	snop  }
0x5: {  	_ = 	snop  }
0x6: {  	_ = 	snop  }
0x7: {  	_ = 	snop  }
__scs_overlays_trampoline_lowered:
0x8: {  	[smem:$0x3FAE] =	sst s0  }
0x9: {  	[smem:$0x3FAF] =	sst s1  }
0xa: {  	[smem:$0x3FB0] =	sst s2  }
0xb: {  	[smem:$0x3FB1] =	sst s3  }
0xc: {  	[smem:$0x3FB2] =	sst s4  }
0xd: {  	[smem:$0x3FB3] =	sst s5  }
0xe: {  	[smem:$0x3FB4] =	sst s6  }
0xf: {  	[smem:$0x3FB5] =	sst s7  }
0x10: {  	[smem:$0x3FB6] =	sst s8  }
0x11: {  	[smem:$0x3FB7] =	sst s9;
	s0 =	simm.s32 @!p0 $0x0  }
0x12: {  	s1 =	sld [smem:$0x3F9D];
	s0 =	simm.s32 @p0 $0x1  }
0x13: {  	[smem:$0x3FB8] =	sst s0;
	s0 =	simm.s32 @!p1 $0x0  }
0x14: {  	s2 =	sld [smem:$0x3F9C];
	s0 =	simm.s32 @p1 $0x1  }
0x15: {  	[smem:$0x3FB9] =	sst s0;
	s0 =	simm.s32 @!p2 $0x0  }
0x16: {  	s3 =	sld [smem:$0x3FDB];
	s0 =	simm.s32 @p2 $0x1  }
0x17: {  	s4 =	simm.s32 $0x1BF5;
	[smem:$0x3FBB] =	sst s0  }
0x18: {  	s0 =	sld [smem:$0x3F9E];
	_ =	swait.ge [sflag:s4], $0x0  }
0x19: {  	s7 =	sld [smem:$0x3F9F]  }
0x1a: {  	s8 =	sadd.s32 $0xFFFFE003, lr  }
0x1b: {  	s9 =	sadd.s32 $0xFFFFFEF7, lr;
	s5 =	simm.s32 $0xFFFFFFFF;
	p2 =	slt.u32 s8, $0xFFFFF086  }
0x1c: {  	p1 =	slt.u32 s9, $0xF7A;
	s5 =	simm.s32 @!p2 $0x0  }
0x1d: {  	s5 =	simm.s32 @p1 $0x1;
	p0 =	seq.s32 s7, s2  }
0x1e: {  	s7 =	smul.u32 @!p0 $0xF7A, s2;
	p2 =	seq.s32 @!p0 s5, $0x0  }
0x1f: {  	s9 =	smul.u32 $0xF7A, s1;
	s8 =	simm.s32 @!p0 $0x1BF5;
	p2 =	por !p2, p0  }
0x20: {  	[sflag:s8] =	ssyncset.s32 @!p0 $0xFFFFF086;
	s6 =	sadd.s32 @!p0 s3, s7;
	s7 =	simm.s32 @!p0 $0x108  }
0x21: {  	s3 =	sadd.s32 s3, s9;
	s6 =	sadd.s32 @!p0 $0x88, s6;
	s7 =	simm.s32 @p2 $0x1082  }
0x22: {  	[simem:s7], [sflag:s8] =	dma.local @!p0 [hbm:s6], $0xF7A  }
0x23: {  	s9 =	sor.u32 $0xD0000000, s2;
	s6 =	simm.s32 $0x108;
	_ =	swait.ge @!p0 [sflag:s8], $0x0  }
0x24: {  	s3 =	sadd.s32 $0x88, s3;
	s6 =	simm.s32 @!p1 $0x1082;
	[sflag:s4] =	ssyncset.s32 $0xFFFFF086  }
0x25: {  	[simem:s6], [sflag:s4] =	dma.local [hbm:s3], $0xF7A  }
0x26: {  	[smem:$0x3F9F] =	sst s1;
	(tag) =	ssettag s2;
	_ =	strace s9  }
0x27: {  	s1 =	sld [smem:$0x3FAF]  }
0x28: {  	s2 =	sld [smem:$0x3FB0]  }
0x29: {  	s4 =	sld [smem:$0x3FB2]  }
0x2a: {  	p0 =	seq.s32 s5, $0x0;
	s5 =	sld [smem:$0x3FB3]  }
0x2b: {  	s6 =	sld [smem:$0x3FB4]  }
0x2c: {  	s7 =	sld [smem:$0x3FB5]  }
0x2d: {  	s3 =	simm.s32 $0x108;
	s8 =	sld [smem:$0x3FB6]  }
0x2e: {  	s3 =	simm.s32 @!p0 $0x1082;
	s9 =	sld [smem:$0x3FB7]  }
0x2f: {  	lr =	sadd.s32 s0, s3;
	s0 =	sld [smem:$0x3FAE]  }
0x30: {  	s3 =	sld [smem:$0x3FB1]  }
0x31: {  	[smem:$0x3FBA] =	sst s10  }
0x32: {  	s10 =	sld [smem:$0x3FB8];
	_ =	sdelay $0x3  }
0x33: {  	p0 =	seq.s32 s10, $0x1;
	s10 =	sld [smem:$0x3FBA];
	_ =	sdelay $0x3  }
0x34: {  	[smem:$0x3FBA] =	sst s10  }
0x35: {  	s10 =	sld [smem:$0x3FB9];
	_ =	sdelay $0x3  }
0x36: {  	p1 =	seq.s32 s10, $0x1;
	s10 =	sld [smem:$0x3FBA];
	_ =	sdelay $0x3  }
0x37: {  	[smem:$0x3FBA] =	sst s10  }
0x38: {  	s10 =	sld [smem:$0x3FBB]  }
0x39: {  	_ = 	snop;
	(pc) =	sbr.ind lr, $3  }
0x3a: {  	_ = 	snop  }
0x3b: {  	_ = 	snop  }
0x3c: {  	p2 =	seq.s32 s10, $0x1;
	s10 =	sld [smem:$0x3FBA]  }
0x3d: {  	_ =	shalt  }
0x3e: {  	_ =	shalt  }
0x3f: {  	_ =	shalt  }
0x40: {  	_ =	shalt  }
0x41: {  	_ =	shalt  }
0x42: {  	_ =	shalt  }
0x43: {  	_ =	shalt  }
0x44: {  	_ =	shalt  }
0x45: {  	_ =	shalt  }
0x46: {  	_ =	shalt  }
0x47: {  	_ =	shalt  }
0x48: {  	_ =	shalt  }
0x49: {  	_ =	shalt  }
0x4a: {  	_ =	shalt  }
0x4b: {  	_ =	shalt  }
0x4c: {  	_ =	shalt  }
0x4d: {  	_ =	shalt  }
0x4e: {  	_ =	shalt  }
0x4f: {  	_ =	shalt  }
0x50: {  	_ =	shalt  }
0x51: {  	_ =	shalt  }
0x52: {  	_ =	shalt  }
0x53: {  	_ =	shalt  }
0x54: {  	_ =	shalt  }
0x55: {  	_ =	shalt  }
0x56: {  	_ =	shalt  }
0x57: {  	_ =	shalt  }
0x58: {  	_ =	shalt  }
0x59: {  	_ =	shalt  }
0x5a: {  	_ =	shalt  }
0x5b: {  	_ =	shalt  }
0x5c: {  	_ =	shalt  }
0x5d: {  	_ =	shalt  }
0x5e: {  	_ =	shalt  }
0x5f: {  	_ =	shalt  }
0x60: {  	_ =	shalt  }
0x61: {  	_ =	shalt  }
0x62: {  	_ =	shalt  }
0x63: {  	_ =	shalt  }
0x64: {  	_ =	shalt  }
0x65: {  	_ =	shalt  }
0x66: {  	_ =	shalt  }
0x67: {  	_ =	shalt  }
0x68: {  	_ =	shalt  }
0x69: {  	_ =	shalt  }
0x6a: {  	_ =	shalt  }
0x6b: {  	_ =	shalt  }
0x6c: {  	_ =	shalt  }
0x6d: {  	_ =	shalt  }
0x6e: {  	_ =	shalt  }
0x6f: {  	_ =	shalt  }
0x70: {  	_ =	shalt  }
0x71: {  	_ =	shalt  }
0x72: {  	_ =	shalt  }
0x73: {  	_ =	shalt  }
0x74: {  	_ =	shalt  }
0x75: {  	_ =	shalt  }
0x76: {  	_ =	shalt  }
0x77: {  	_ =	shalt  }
0x78: {  	_ =	shalt  }
0x79: {  	_ =	shalt  }
0x7a: {  	_ =	shalt  }
0x7b: {  	_ =	shalt  }
0x7c: {  	_ =	shalt  }
0x7d: {  	_ =	shalt  }
0x7e: {  	_ =	shalt  }
0x7f: {  	_ =	shalt  }
0x80: {  	_ =	shalt  }
0x81: {  	_ =	shalt  }
0x82: {  	_ =	shalt  }
0x83: {  	_ =	shalt  }
0x84: {  	_ =	shalt  }
0x85: {  	_ =	shalt  }
0x86: {  	_ =	shalt  }
0x87: {  	_ =	shalt  }
.Lfunc_end0:
.L_simem_size_0:
called_computation_lowered:
.L_overlay_start_0:
0x88: {  	s2 =	sld [smem:$0x3FD9]  }
0x89: {  	s3 =	sld [smem:$0x3FFE];
	_ =	sdelay $0x1  }
0x8a: {  	s1 =	srdreg.scid  }
0x8b: {  	s0 =	sand.u32 $0x1, s1  }
0x8c: {  	s17 =	sshll.u32 s0, $0xA;
	s2 =	sadd.s32 s3, s2  }
0x8d: {  	s2 =	sadd.s32 s2, s17  }
0x8e: {  	[smem:$0x3FC6] =	sst s2  }
0x8f: {  	_ = 	snop  }
0x90: {  	s2 =	sld [smem:$0x3FC9]  }
0x91: {  	s18 =	sld [smem:$0x3FD0];
	(tm) =	ssettm $0x1  }
0x92: {  	s4 =	sld [smem:$0x3FFB];
	_ =	sdelay $0x3  }
0x93: {  	_ =	strace s4  }
0x94: {  	s4 =	sld [smem:$0x3FFC];
	_ =	sdelay $0x3  }
0x95: {  	_ =	strace s4  }
0x96: {  	s4 =	sld [smem:$0x3FFD];
	_ =	sdelay $0x3  }
0x97: {  	_ =	strace s4  }
0x98: {  	_ =	strace $0x8FFFFFFF  }
0x99: {  	s19 =	sld [smem:$0x3FDB];
	_ =	sdelay $0x1  }
0x9a: {  	s5 =	simm.s32 $_scs_section_size  }
0x9b: {  	s6 =	simm.s32 $_size__tile_overlayer_lowered;
	s7 =	simm.s32 $_tile_overlayer_lowered  }
0x9c: {  	s22 =	simm.s32 $0x1BFF;
	s21 =	sshll.u32 s7, $0x1;
	s4 =	sadd.s32 s5, s19  }
0x9d: {  	s8 =	simm.s32 $0x0;
	s20 =	sshll.u32 s6, $0x1;
	s6 =	sadd.s32 s21, s4  }
0x9e: {  	[timem:s8], [sflag:s22] =	dma.local [hbm:s6], s20  }
0x9f: {  	_ =	swait.ge [sflag:s22], s20  }
0xa0: {  	s5 =	ssub.s32 $0x0, s20;
	[sflag:s22] =	ssyncset.done $0x0  }
0xa1: {  	[sflag:s22] =	ssyncadd.s32 s5;
	_ =	sdelay $0x1  }
0xa2: {  	s23 =	simm.s32 $0x1B8B  }
0xa3: {  	_ =	swait.ge [sflag:s23], $0x1  }
0xa4: {  	[sflag:s23] =	ssyncset.done $0x0  }
0xa5: {  	s25 =	simm.s32 $0x1B8E;
	s24 =	sld [smem:$0x3FFE];
	[sflag:s23] =	ssyncadd.s32 $0xFFFFFFFF  }
0xa6: {  	s26 =	simm.s32 $execute0_lowered;
	[smem:$0x3FD2] =	sst s25  }
0xa7: {  	s6 =	sshll.u32 s26, $0x1;
	_ =	strace $0x80000046;
	[dreg:$0x1] =	wrdreg $0xFFFFFFFF  }
0xa8: {  	s28 =	simm.s32 $_size_execute0_lowered;
	s4 =	sadd.s32 s4, s6;
	[dreg:$0x0] =	wrdreg $0x0  }
0xa9: {  	s6 =	sshll.u32 s28, $0x1;
	[dreg:$0x2] =	wrdreg s4  }
0xaa: {  	[dreg:$0x3] =	wrdreg s6  }
0xab: {  	[dreg:$0x4] =	wrdreg $0xC0  }
0xac: {  	_ =	task [dreg:s8], $0x5FFFF  }
0xad: {  	[dreg:$0x1] =	wrdreg $0xFFFFFFFF  }
0xae: {  	[dreg:$0x0] =	wrdreg $0x60  }
0xaf: {  	[dreg:$0x2] =	wrdreg s2  }
0xb0: {  	[dreg:$0x3] =	wrdreg s18  }
0xb1: {  	[dreg:$0x4] =	wrdreg s24  }
0xb2: {  	[dreg:$0x5] =	wrdreg $0x9  }
0xb3: {  	_ =	task.clear_ibuf [dreg:s8], $0x6FFFF;
	_ =	strace $0x90000046  }
0xb4: {  	s29 =	simm.s32 $0x9;
	_ =	strace $0x80000048  }
0xb5: {  	_ =	swait.ge [sflag:s29], $0x1  }
0xb6: {  	[sflag:s29] =	ssyncadd.s32 $0xFFFFFFFF  }
0xb7: {  	_ =	strace $0x90000048  }
0xb8: {  	_ =	sfence  }
0xb9: {  	s30 =	sld [smem:$0x0];
	_ =	sdelay $0x2  }
0xba: {  	s31 =	sshll.u32 s1, $0xD;
	s1 =	sshrl.u32 s1, $0x2  }
0xbb: {  	s3 =	sand.u32 $0x4000, s31;
	s1 =	sadd.s32 s1, s30  }
0xbc: {  	s0 =	sor.u32 s3, s0;
	s1 =	sshll.u32 s1, $0x11  }
0xbd: {  	s0 =	sor.u32 s1, s0  }
0xbe: {  	s0 =	sadd.s32 $0x8F2B, s0  }
0xbf: {  	[sflag:s0] =	ssyncadd.remote.s32 $0x1  }
0xc0: {  	_ =	sfence.sel $0xFFFF  }
0xc1: {  	[dreg:$0x0] =	wrdreg $0xFFFFFFFF;
	(pc) =	sbr.abs _section_cstart, $3  }
0xc2: {  	[dreg:$0x1] =	wrdreg $0xFFFFFFFF  }
0xc3: {  	_ =	task.clear_ibuf [dreg:s8], $0x2FFFF;
	_ =	strace $0x9FFFFFFF  }
0xc4: {  	(tm) =	ssettm $0x7FFFFFFF  }
0xc5: {  	_ =	shalt  }
tec
execute0_lowered:
.L_overlay_start_1:
0x0: {  	(tag) =	ssettag $0x1  }
0x1: {  	s0 =	rddreg [dreg:$0x0]  }
0x2: {  	s1 =	rddreg [dreg:$0x1]  }
0x3: {  	s2 =	rddreg [dreg:$0x2];
	s3 =	simm.s32 $0x0  }
0x4: {  	s24 =	srdreg.scid;
	s5 =	stileid.u32;
	s8 =	simm.s32 $0x20  }
0x5: {  	s10 =	simm.s32 $0x400;
	s12 =	simm.s32 $0x1000;
	s14 =	simm.s32 $0x1C00  }
0x6: {  	s16 =	simm.s32 $0x2800;
	s18 =	simm.s32 $0x3400;
	s20 =	simm.s32 $0x4000  }
0x7: {  	s22 =	simm.s32 $0x4C00;
	s29 =	simm.s32 $0x7000;
	s31 =	simm.s32 $0x7C00  }
0x8: {  	s9 =	simm.s32 $0x3C0;
	s11 =	simm.s32 $0xAC00;
	s13 =	simm.s32 $0x3E0  }
0x9: {  	s15 =	simm.s32 $0xB800;
	s17 =	simm.s32 $0x1;
	s19 =	simm.s32 $0x60  }
0xa: {  	s21 =	simm.s32 $0x2;
	s23 =	simm.s32 $0x3;
	s28 =	simm.s32 $0x4  }
0xb: {  	[smem:$0x7FF] =	sst s3;
	s3 =	sand.u32 $0x1, s24;
	s4 =	smul.u32 $0x18000, s5  }
0xc: {  	s5 =	sshll.u32 s5, $0xA;
	s24 =	simm.s32 $0x5800;
	_ =	strace $0x80000047  }
0xd: {  	s6 =	sshll.u32 s3, $0x9;
	s7 =	ssub.s32 $0x2, s3;
	s3 =	smul.u32 $0xC000, s3  }
0xe: {  	s5 =	sor.u32 s6, s5;
	s2 =	sadd.s32 s4, s2;
	s25 =	sshrl.u32 s7, $0x1  }
.Ltmp0:
0xf: {  	s5 =	sshrl.u32 s5, $0x3;
	s4 =	ssub.s32 s7, s25;
	(pc) =	sbr.rel .LBB2_1-.Ltmp0, $4  }
0x10: {  	s26 =	sadd.s32 s3, s2;
	s25 =	simm.s32 $0x300;
	s2 =	simm.s32 $0x8800  }
0x11: {  	s7 =	simm.s32 $0xA000;
	s3 =	simm.s32 $0x0;
	s0 =	sadd.s32 s0, s5  }
0x12: {  	s30 =	smax.u32 s4, $0x1;
	s6 =	sadd.s32 $0x400, s26;
	[dreg:$0x4] =	wrdreg s0  }
0x13: {  	s26 =	simm.s32 $0x6400;
	s4 =	simm.s32 $0x9400;
	[dreg:$0x5] =	wrdreg s30  }
.LBB2_6:
0x14: {  	_ =	swait.ge [sflag:s23], $0xC00  }
0x15: {  	[sflag:s23] =	ssyncset.done $0x0  }
0x16: {  	[sflag:s23] =	ssyncadd.s32 $0xFFFFF400  }
0x17: {  	_ =	swait.ge [sflag:s23], $0xC00  }
0x18: {  	[sflag:s23] =	ssyncset.done $0x0  }
0x19: {  	[sflag:s23] =	ssyncadd.s32 $0xFFFFF400  }
0x1a: {  	_ =	swait.ge [sflag:s23], $0xC00  }
0x1b: {  	[sflag:s23] =	ssyncset.done $0x0  }
0x1c: {  	[sflag:s23] =	ssyncadd.s32 $0xFFFFF400  }
0x1d: {  	_ =	swait.ge [sflag:s23], $0xC00  }
0x1e: {  	[sflag:s23] =	ssyncset.done $0x0  }
0x1f: {  	[sflag:s23] =	ssyncadd.s32 $0xFFFFF400  }
0x20: {  	_ =	swait.ge [sflag:s23], $0xC00  }
0x21: {  	[sflag:s23] =	ssyncset.done $0x0  }
0x22: {  	[sflag:s23] =	ssyncadd.s32 $0xFFFFF400  }
0x23: {  	_ =	swait.ge [sflag:s23], $0xC00  }
0x24: {  	[sflag:s23] =	ssyncset.done $0x0  }
0x25: {  	[sflag:s23] =	ssyncadd.s32 $0xFFFFF400  }
0x26: {  	_ =	swait.ge [sflag:s23], $0xC00  }
0x27: {  	[sflag:s23] =	ssyncset.done $0x0  }
0x28: {  	[sflag:s23] =	ssyncadd.s32 $0xFFFFF400  }
0x29: {  	_ =	swait.ge [sflag:s23], $0xC00  }
0x2a: {  	[sflag:s23] =	ssyncset.done $0x0  }
0x2b: {  	[sflag:s23] =	ssyncadd.s32 $0xFFFFF400  }
0x2c: {  	_ =	swait.ge [sflag:s28], $0xC00  }
0x2d: {  	[sflag:s28] =	ssyncset.done $0x0  }
0x2e: {  	[sflag:s28] =	ssyncadd.s32 $0xFFFFF400  }
0x2f: {  	_ =	swait.ge [sflag:s28], $0xC00  }
0x30: {  	[sflag:s28] =	ssyncset.done $0x0  }
0x31: {  	[sflag:s28] =	ssyncadd.s32 $0xFFFFF400  }
0x32: {  	_ =	swait.ge [sflag:s28], $0xC00  }
0x33: {  	[sflag:s28] =	ssyncset.done $0x0  }
0x34: {  	[sflag:s28] =	ssyncadd.s32 $0xFFFFF400  }
0x35: {  	_ =	swait.ge [sflag:s28], $0xC00  }
0x36: {  	[sflag:s28] =	ssyncset.done $0x0  }
0x37: {  	[sflag:s28] =	ssyncadd.s32 $0xFFFFF400  }
0x38: {  	_ =	swait.ge [sflag:s28], $0xC00  }
0x39: {  	[sflag:s28] =	ssyncset.done $0x0  }
0x3a: {  	[sflag:s28] =	ssyncadd.s32 $0xFFFFF400  }
0x3b: {  	_ =	swait.ge [sflag:s28], $0xC00  }
0x3c: {  	[sflag:s28] =	ssyncset.done $0x0  }
0x3d: {  	[sflag:s28] =	ssyncadd.s32 $0xFFFFF400  }
0x3e: {  	_ =	swait.ge [sflag:s28], $0xC00  }
0x3f: {  	[sflag:s28] =	ssyncset.done $0x0  }
0x40: {  	[sflag:s28] =	ssyncadd.s32 $0xFFFFF400  }
0x41: {  	_ =	swait.ge [sflag:s28], $0xC00  }
0x42: {  	s3 =	rddreg [dreg:$0x6]  }
0x43: {  	s0 =	rddreg [dreg:$0x5];
	s3 =	sadd.s32 $0x1, s3  }
0x44: {  	p0 =	sne.s32 s3, s0  }
.Ltmp1:
0x45: {  	_ = 	snop;
	(pc) =	sbr.rel @!p0 .LBB2_7-.Ltmp1, $3  }
0x46: {  	_ =	sdelay $0x1  }
0x47: {  	[sflag:s28] =	ssyncset.done $0x0  }
0x48: {  	[sflag:s28] =	ssyncadd.s32 $0xFFFFF400  }
.LBB2_1:
0x49: {  	s0 =	simm.s32 $0x0;
	s5 =	rddreg [dreg:$0x4]  }
0x4a: {  	[tilespmem:s0], [sflag:$0x5] =	stream.linear.gather [hbm4b:s5+s0], $0x200, $0x38;
	[tilespmem:$0xC400] =	vst v63  }
0x4b: {  	[dreg:$0x6] =	wrdreg s3;
	s5 =	simm.s32 $0x5  }
0x4c: {  	_ =	swait.ge [sflag:s5], $0x200  }
0x4d: {  	[sflag:s5] =	ssyncset.done $0x0  }
0x4e: {  	[sflag:s5] =	ssyncadd.s32 $0xFFFFFE00  }
0x4f: {  	v0 =	vld [tilespmem:$0x0]  }
0x50: {  	v6 =	vld [tilespmem:$0x10];
	_ =	sdelay $0x3  }
0x51: {  	v0 =	vadd.s32 $0x1, v0  }
0x52: {  	v41 =	vadd.s32 $0x1, v6;
	v1 =	vmul.u32 $0x1F, v0  }
0x53: {  	v2 =	vmul.u32 $0x2B, v0;
	v42 =	vmul.u32 $0x1F, v41  }
0x54: {  	v3 =	vmul.u32 $0x3B, v0;
	v1 =	vand.u32 $0x3FFF, v1  }
0x55: {  	v4 =	vmul.u32 $0x3D, v0;
	v2 =	vand.u32 $0x3FFF, v2;
	v45 =	vand.u32 $0x3FFF, v42;
	[tilespmem:$0x200] =	vst v1  }
0x56: {  	v5 =	vmul.u32 $0x49, v0;
	v3 =	vand.u32 $0x3FFF, v3;
	v30 =	vor.u32 $0x4000, v2;
	[tilespmem:$0x210] =	vst v45  }
0x57: {  	v34 =	vmul.u32 $0x61, v0;
	v32 =	vand.u32 $0x3FFF, v4;
	v31 =	vor.u32 $0x8000, v3;
	[tilespmem:$0x220] =	vst v30  }
0x58: {  	v35 =	vmul.u32 $0x67, v0;
	v33 =	vand.u32 $0x3FFF, v5;
	v36 =	vor.u32 $0xC000, v32;
	[tilespmem:$0x240] =	vst v31  }
0x59: {  	v0 =	vmul.u32 $0x71, v0;
	v37 =	vand.u32 $0x3FFF, v34;
	v1 =	vor.u32 $0x10000, v33;
	[tilespmem:$0x260] =	vst v36  }
0x5a: {  	v43 =	vmul.u32 $0x2B, v41;
	v38 =	vand.u32 $0x3FFF, v35;
	v39 =	vor.u32 $0x14000, v37;
	[tilespmem:$0x280] =	vst v1  }
0x5b: {  	v44 =	vmul.u32 $0x3B, v41;
	v0 =	vand.u32 $0x3FFF, v0;
	v40 =	vor.u32 $0x18000, v38;
	[tilespmem:$0x2A0] =	vst v39  }
0x5c: {  	v47 =	vmul.u32 $0x3D, v41;
	v46 =	vand.u32 $0x3FFF, v43;
	v0 =	vor.u32 $0x1C000, v0;
	[tilespmem:$0x2C0] =	vst v40  }
0x5d: {  	v50 =	vmul.u32 $0x49, v41;
	v49 =	vand.u32 $0x3FFF, v44;
	v48 =	vor.u32 $0x4000, v46;
	[tilespmem:$0x2E0] =	vst v0  }
0x5e: {  	v53 =	vmul.u32 $0x61, v41;
	v52 =	vand.u32 $0x3FFF, v47;
	v51 =	vor.u32 $0x8000, v49;
	[tilespmem:$0x230] =	vst v48  }
0x5f: {  	v56 =	vmul.u32 $0x67, v41;
	v55 =	vand.u32 $0x3FFF, v50;
	v54 =	vor.u32 $0xC000, v52;
	[tilespmem:$0x250] =	vst v51  }
0x60: {  	v58 =	vand.u32 $0x3FFF, v53;
	v57 =	vor.u32 $0x10000, v55;
	v3 =	vmul.u32 $0x71, v41;
	[tilespmem:$0x270] =	vst v54  }
0x61: {  	v60 =	vand.u32 $0x3FFF, v56;
	v59 =	vor.u32 $0x14000, v58;
	[tilespmem:$0x290] =	vst v57  }
0x62: {  	v61 =	vor.u32 $0x18000, v60;
	[tilespmem:$0x2B0] =	vst v59;
	v62 =	vand.u32 $0x3FFF, v3  }
0x63: {  	[tilespmem:$0x2D0] =	vst v61;
	v63 =	vor.u32 $0x1C000, v62  }
0x64: {  	s3 =	simm.s32 $0x200;
	[tilespmem:$0x2F0] =	vst v63  }
0x65: {  	[tilespmem:s10], [sflag:$0x1] =	stream.indirect.gather [hbm4b:s1+s8], $0x60, s3, s8, $0xb8;
	[tilespmem:$0xC400] =	vst v63  }
0x66: {  	s5 =	simm.s32 $0x220  }
0x67: {  	[tilespmem:s12], [sflag:$0x1] =	stream.indirect.gather [hbm4b:s1+s8], $0x60, s5, s8, $0xb8;
	[tilespmem:$0xC400] =	vst v63  }
0x68: {  	s3 =	simm.s32 $0x240  }
0x69: {  	[tilespmem:s14], [sflag:$0x1] =	stream.indirect.gather [hbm4b:s1+s8], $0x60, s3, s8, $0xb8;
	[tilespmem:$0xC400] =	vst v63  }
0x6a: {  	s5 =	simm.s32 $0x260  }
0x6b: {  	[tilespmem:s16], [sflag:$0x1] =	stream.indirect.gather [hbm4b:s1+s8], $0x60, s5, s8, $0xb8;
	[tilespmem:$0xC400] =	vst v63  }
0x6c: {  	s3 =	simm.s32 $0x280  }
0x6d: {  	[tilespmem:s18], [sflag:$0x1] =	stream.indirect.gather [hbm4b:s1+s8], $0x60, s3, s8, $0xb8;
	[tilespmem:$0xC400] =	vst v63  }
0x6e: {  	s5 =	simm.s32 $0x2A0  }
0x6f: {  	[tilespmem:s20], [sflag:$0x1] =	stream.indirect.gather [hbm4b:s1+s8], $0x60, s5, s8, $0xb8;
	[tilespmem:$0xC400] =	vst v63  }
0x70: {  	s3 =	simm.s32 $0x2C0  }
0x71: {  	[tilespmem:s22], [sflag:$0x1] =	stream.indirect.gather [hbm4b:s1+s8], $0x60, s3, s8, $0xb8;
	[tilespmem:$0xC400] =	vst v63  }
0x72: {  	s30 =	simm.s32 $0x50;
	s0 =	simm.s32 $0x0;
	s5 =	simm.s32 $0x2E0  }
0x73: {  	[tilespmem:s24], [sflag:$0x1] =	stream.indirect.gather [hbm4b:s1+s8], $0x60, s5, s8, $0xb8;
	[tilespmem:$0xC400] =	vst v63  }
.LBB2_2:
0x74: {  	v0 =	vld [tilespmem:s30+$0xFFFFFFD0];
	_ =	sdelay $0x4  }
0x75: {  	v0 =	vadd.s32 $0x1, v0  }
0x76: {  	v1 =	vmul.u32 $0x1F, v0;
	v2 =	vmul.u32 $0x2B, v0  }
0x77: {  	v3 =	vmul.u32 $0x3B, v0  }
0x78: {  	v4 =	vmul.u32 $0x3D, v0;
	v1 =	vand.u32 $0x3FFF, v1;
	v2 =	vand.u32 $0x3FFF, v2  }
0x79: {  	v34 =	vmul.u32 $0x49, v0;
	v33 =	vand.u32 $0x3FFF, v3;
	[tilespmem:$0x300] =	vst v1;
	v32 =	vor.u32 $0x4000, v2  }
0x7a: {  	v37 =	vmul.u32 $0x61, v0;
	v36 =	vand.u32 $0x3FFF, v4;
	v35 =	vor.u32 $0x8000, v33;
	[tilespmem:$0x320] =	vst v32  }
0x7b: {  	v40 =	vmul.u32 $0x67, v0;
	v39 =	vand.u32 $0x3FFF, v34;
	v38 =	vor.u32 $0xC000, v36;
	[tilespmem:$0x340] =	vst v35  }
0x7c: {  	v0 =	vmul.u32 $0x71, v0;
	v42 =	vand.u32 $0x3FFF, v37;
	v41 =	vor.u32 $0x10000, v39;
	[tilespmem:$0x360] =	vst v38  }
0x7d: {  	v44 =	vand.u32 $0x3FFF, v40;
	v43 =	vor.u32 $0x14000, v42;
	[tilespmem:$0x380] =	vst v41  }
0x7e: {  	v0 =	vand.u32 $0x3FFF, v0;
	v45 =	vor.u32 $0x18000, v44;
	[tilespmem:$0x3A0] =	vst v43  }
0x7f: {  	v0 =	vor.u32 $0x1C000, v0;
	[tilespmem:$0x3C0] =	vst v45  }
0x80: {  	[tilespmem:$0x3E0] =	vst v0  }
0x81: {  	v0 =	vld [tilespmem:s30+$0xFFFFFFE0];
	_ =	sdelay $0x4  }
0x82: {  	v0 =	vadd.s32 $0x1, v0  }
0x83: {  	v46 =	vmul.u32 $0x1F, v0;
	v47 =	vmul.u32 $0x2B, v0  }
0x84: {  	v48 =	vmul.u32 $0x3B, v0  }
0x85: {  	v49 =	vmul.u32 $0x3D, v0;
	v1 =	vand.u32 $0x3FFF, v46;
	v2 =	vand.u32 $0x3FFF, v47  }
0x86: {  	v52 =	vmul.u32 $0x49, v0;
	v51 =	vand.u32 $0x3FFF, v48;
	[tilespmem:$0x310] =	vst v1;
	v50 =	vor.u32 $0x4000, v2  }
0x87: {  	v55 =	vmul.u32 $0x61, v0;
	v54 =	vand.u32 $0x3FFF, v49;
	v53 =	vor.u32 $0x8000, v51;
	[tilespmem:$0x330] =	vst v50  }
0x88: {  	v58 =	vmul.u32 $0x67, v0;
	v57 =	vand.u32 $0x3FFF, v52;
	v56 =	vor.u32 $0xC000, v54;
	[tilespmem:$0x350] =	vst v53  }
0x89: {  	v0 =	vmul.u32 $0x71, v0;
	v60 =	vand.u32 $0x3FFF, v55;
	v59 =	vor.u32 $0x10000, v57;
	[tilespmem:$0x370] =	vst v56  }
0x8a: {  	v62 =	vand.u32 $0x3FFF, v58;
	v61 =	vor.u32 $0x14000, v60;
	[tilespmem:$0x390] =	vst v59  }
0x8b: {  	v0 =	vand.u32 $0x3FFF, v0;
	v63 =	vor.u32 $0x18000, v62;
	[tilespmem:$0x3B0] =	vst v61  }
0x8c: {  	v0 =	vor.u32 $0x1C000, v0;
	[tilespmem:$0x3D0] =	vst v63  }
0x8d: {  	[tilespmem:$0x3F0] =	vst v0  }
0x8e: {  	[tilespmem:s26], [sflag:$0x2] =	stream.indirect.gather [hbm4b:s1+s8], $0x60, s25, s8, $0xb8;
	[tilespmem:$0xC400] =	vst v63  }
0x8f: {  	s3 =	simm.s32 $0x320  }
0x90: {  	[tilespmem:s29], [sflag:$0x2] =	stream.indirect.gather [hbm4b:s1+s8], $0x60, s3, s8, $0xb8;
	[tilespmem:$0xC400] =	vst v63  }
0x91: {  	s5 =	simm.s32 $0x340  }
0x92: {  	[tilespmem:s31], [sflag:$0x2] =	stream.indirect.gather [hbm4b:s1+s8], $0x60, s5, s8, $0xb8;
	[tilespmem:$0xC400] =	vst v63  }
0x93: {  	s5 =	simm.s32 $0x360  }
0x94: {  	[tilespmem:s2], [sflag:$0x2] =	stream.indirect.gather [hbm4b:s1+s8], $0x60, s5, s8, $0xb8;
	[tilespmem:$0xC400] =	vst v63  }
0x95: {  	s5 =	simm.s32 $0x380  }
0x96: {  	[tilespmem:s4], [sflag:$0x2] =	stream.indirect.gather [hbm4b:s1+s8], $0x60, s5, s8, $0xb8;
	[tilespmem:$0xC400] =	vst v63  }
0x97: {  	s5 =	simm.s32 $0x3A0  }
0x98: {  	[tilespmem:s7], [sflag:$0x2] =	stream.indirect.gather [hbm4b:s1+s8], $0x60, s5, s8, $0xb8;
	[tilespmem:$0xC400] =	vst v63  }
0x99: {  	_ = 	snop  }
0x9a: {  	[tilespmem:s11], [sflag:$0x2] =	stream.indirect.gather [hbm4b:s1+s8], $0x60, s9, s8, $0xb8;
	[tilespmem:$0xC400] =	vst v63  }
0x9b: {  	_ = 	snop  }
0x9c: {  	[tilespmem:s15], [sflag:$0x2] =	stream.indirect.gather [hbm4b:s1+s8], $0x60, s13, s8, $0xb8;
	[tilespmem:$0xC400] =	vst v63  }
0x9d: {  	_ =	swait.ge [sflag:s17], $0xC00  }
0x9e: {  	[sflag:s17] =	ssyncset.done $0x0  }
0x9f: {  	[sflag:s17] =	ssyncadd.s32 $0xFFFFF400  }
0xa0: {  	_ =	swait.ge [sflag:s17], $0xC00  }
0xa1: {  	[sflag:s17] =	ssyncset.done $0x0  }
0xa2: {  	[sflag:s17] =	ssyncadd.s32 $0xFFFFF400  }
0xa3: {  	_ =	swait.ge [sflag:s17], $0xC00  }
0xa4: {  	[sflag:s17] =	ssyncset.done $0x0  }
0xa5: {  	[sflag:s17] =	ssyncadd.s32 $0xFFFFF400  }
0xa6: {  	_ =	swait.ge [sflag:s17], $0xC00  }
0xa7: {  	[sflag:s17] =	ssyncset.done $0x0  }
0xa8: {  	[sflag:s17] =	ssyncadd.s32 $0xFFFFF400  }
0xa9: {  	_ =	swait.ge [sflag:s17], $0xC00  }
0xaa: {  	[sflag:s17] =	ssyncset.done $0x0  }
0xab: {  	[sflag:s17] =	ssyncadd.s32 $0xFFFFF400  }
0xac: {  	_ =	swait.ge [sflag:s17], $0xC00  }
0xad: {  	[sflag:s17] =	ssyncset.done $0x0  }
0xae: {  	[sflag:s17] =	ssyncadd.s32 $0xFFFFF400  }
0xaf: {  	_ =	swait.ge [sflag:s17], $0xC00  }
0xb0: {  	[sflag:s17] =	ssyncset.done $0x0  }
0xb1: {  	[sflag:s17] =	ssyncadd.s32 $0xFFFFF400  }
0xb2: {  	_ =	swait.ge [sflag:s17], $0xC00  }
0xb3: {  	[sflag:s17] =	ssyncset.done $0x0  }
0xb4: {  	s3 =	sadd.s32 s0, s6;
	[sflag:s17] =	ssyncadd.s32 $0xFFFFF400  }
0xb5: {  	[hbm4b:s3+s19] =	stream.strided.scatter [tilespmem:s10], [sflag:$0x3], $0xC00, s25, s19, $0x38;
	[tilespmem:$0xC400] =	vst v63  }
0xb6: {  	s5 =	sadd.s32 $0xC, s3  }
0xb7: {  	[hbm4b:s5+s19] =	stream.strided.scatter [tilespmem:s12], [sflag:$0x3], $0xC00, s25, s19, $0x38;
	[tilespmem:$0xC400] =	vst v63  }
0xb8: {  	s5 =	sadd.s32 $0x18, s3  }
0xb9: {  	[hbm4b:s5+s19] =	stream.strided.scatter [tilespmem:s14], [sflag:$0x3], $0xC00, s25, s19, $0x38;
	[tilespmem:$0xC400] =	vst v63  }
0xba: {  	s5 =	sadd.s32 $0x24, s3  }
0xbb: {  	[hbm4b:s5+s19] =	stream.strided.scatter [tilespmem:s16], [sflag:$0x3], $0xC00, s25, s19, $0x38;
	[tilespmem:$0xC400] =	vst v63  }
0xbc: {  	s5 =	sadd.s32 $0x30, s3  }
0xbd: {  	[hbm4b:s5+s19] =	stream.strided.scatter [tilespmem:s18], [sflag:$0x3], $0xC00, s25, s19, $0x38;
	[tilespmem:$0xC400] =	vst v63  }
0xbe: {  	p0 =	seq.s32 s0, $0xA800;
	s5 =	sadd.s32 $0x3C, s3  }
0xbf: {  	[hbm4b:s5+s19] =	stream.strided.scatter [tilespmem:s20], [sflag:$0x3], $0xC00, s25, s19, $0x38;
	[tilespmem:$0xC400] =	vst v63  }
.Ltmp2:
0xc0: {  	_ = 	snop;
	(pc) =	sbr.rel @p0 .LBB2_4-.Ltmp2, $4  }
0xc1: {  	s5 =	sadd.s32 $0x48, s3  }
0xc2: {  	[hbm4b:s5+s19] =	stream.strided.scatter [tilespmem:s22], [sflag:$0x3], $0xC00, s25, s19, $0x38;
	[tilespmem:$0xC400] =	vst v63  }
0xc3: {  	s5 =	sadd.s32 $0x54, s3  }
0xc4: {  	[hbm4b:s5+s19] =	stream.strided.scatter [tilespmem:s24], [sflag:$0x3], $0xC00, s25, s19, $0x38;
	[tilespmem:$0xC400] =	vst v63  }
0xc5: {  	_ =	swait.ge [sflag:s23], $0xC00  }
0xc6: {  	[sflag:s23] =	ssyncset.done $0x0  }
0xc7: {  	[sflag:s23] =	ssyncadd.s32 $0xFFFFF400  }
0xc8: {  	_ =	swait.ge [sflag:s23], $0xC00  }
0xc9: {  	[sflag:s23] =	ssyncset.done $0x0  }
0xca: {  	[sflag:s23] =	ssyncadd.s32 $0xFFFFF400  }
0xcb: {  	_ =	swait.ge [sflag:s23], $0xC00  }
0xcc: {  	[sflag:s23] =	ssyncset.done $0x0  }
0xcd: {  	[sflag:s23] =	ssyncadd.s32 $0xFFFFF400  }
0xce: {  	_ =	swait.ge [sflag:s23], $0xC00  }
0xcf: {  	[sflag:s23] =	ssyncset.done $0x0  }
0xd0: {  	[sflag:s23] =	ssyncadd.s32 $0xFFFFF400  }
0xd1: {  	_ =	swait.ge [sflag:s23], $0xC00  }
0xd2: {  	[sflag:s23] =	ssyncset.done $0x0  }
0xd3: {  	[sflag:s23] =	ssyncadd.s32 $0xFFFFF400  }
0xd4: {  	_ =	swait.ge [sflag:s23], $0xC00  }
0xd5: {  	[sflag:s23] =	ssyncset.done $0x0  }
0xd6: {  	[sflag:s23] =	ssyncadd.s32 $0xFFFFF400  }
0xd7: {  	_ =	swait.ge [sflag:s23], $0xC00  }
0xd8: {  	[sflag:s23] =	ssyncset.done $0x0  }
0xd9: {  	[sflag:s23] =	ssyncadd.s32 $0xFFFFF400  }
0xda: {  	_ =	swait.ge [sflag:s23], $0xC00  }
0xdb: {  	[sflag:s23] =	ssyncset.done $0x0  }
0xdc: {  	[sflag:s23] =	ssyncadd.s32 $0xFFFFF400  }
0xdd: {  	v0 =	vld [tilespmem:s30+$0xFFFFFFF0];
	_ =	sdelay $0x4  }
0xde: {  	v0 =	vadd.s32 $0x1, v0  }
0xdf: {  	v1 =	vmul.u32 $0x1F, v0;
	v2 =	vmul.u32 $0x2B, v0  }
0xe0: {  	v3 =	vmul.u32 $0x3B, v0  }
0xe1: {  	v4 =	vmul.u32 $0x3D, v0;
	v1 =	vand.u32 $0x3FFF, v1;
	v2 =	vand.u32 $0x3FFF, v2  }
0xe2: {  	v34 =	vmul.u32 $0x49, v0;
	v33 =	vand.u32 $0x3FFF, v3;
	[tilespmem:$0x200] =	vst v1;
	v32 =	vor.u32 $0x4000, v2  }
0xe3: {  	v37 =	vmul.u32 $0x61, v0;
	v36 =	vand.u32 $0x3FFF, v4;
	v35 =	vor.u32 $0x8000, v33;
	[tilespmem:$0x220] =	vst v32  }
0xe4: {  	v40 =	vmul.u32 $0x67, v0;
	v39 =	vand.u32 $0x3FFF, v34;
	v38 =	vor.u32 $0xC000, v36;
	[tilespmem:$0x240] =	vst v35  }
0xe5: {  	v0 =	vmul.u32 $0x71, v0;
	v42 =	vand.u32 $0x3FFF, v37;
	v41 =	vor.u32 $0x10000, v39;
	[tilespmem:$0x260] =	vst v38  }
0xe6: {  	v44 =	vand.u32 $0x3FFF, v40;
	v43 =	vor.u32 $0x14000, v42;
	[tilespmem:$0x280] =	vst v41  }
0xe7: {  	v0 =	vand.u32 $0x3FFF, v0;
	v45 =	vor.u32 $0x18000, v44;
	[tilespmem:$0x2A0] =	vst v43  }
0xe8: {  	v0 =	vor.u32 $0x1C000, v0;
	[tilespmem:$0x2C0] =	vst v45  }
0xe9: {  	[tilespmem:$0x2E0] =	vst v0  }
0xea: {  	v0 =	vld [tilespmem:s30+$0x0];
	_ =	sdelay $0x4  }
0xeb: {  	v0 =	vadd.s32 $0x1, v0  }
0xec: {  	v46 =	vmul.u32 $0x1F, v0;
	v47 =	vmul.u32 $0x2B, v0  }
0xed: {  	v48 =	vmul.u32 $0x3B, v0  }
0xee: {  	v49 =	vmul.u32 $0x3D, v0;
	v1 =	vand.u32 $0x3FFF, v46;
	v2 =	vand.u32 $0x3FFF, v47  }
0xef: {  	v52 =	vmul.u32 $0x49, v0;
	v51 =	vand.u32 $0x3FFF, v48;
	[tilespmem:$0x210] =	vst v1;
	v50 =	vor.u32 $0x4000, v2  }
0xf0: {  	v55 =	vmul.u32 $0x61, v0;
	v54 =	vand.u32 $0x3FFF, v49;
	v53 =	vor.u32 $0x8000, v51;
	[tilespmem:$0x230] =	vst v50  }
0xf1: {  	v58 =	vmul.u32 $0x67, v0;
	v57 =	vand.u32 $0x3FFF, v52;
	v56 =	vor.u32 $0xC000, v54;
	[tilespmem:$0x250] =	vst v53  }
0xf2: {  	v0 =	vmul.u32 $0x71, v0;
	v60 =	vand.u32 $0x3FFF, v55;
	v59 =	vor.u32 $0x10000, v57;
	[tilespmem:$0x270] =	vst v56  }
0xf3: {  	v62 =	vand.u32 $0x3FFF, v58;
	v61 =	vor.u32 $0x14000, v60;
	[tilespmem:$0x290] =	vst v59  }
0xf4: {  	v0 =	vand.u32 $0x3FFF, v0;
	v63 =	vor.u32 $0x18000, v62;
	[tilespmem:$0x2B0] =	vst v61  }
0xf5: {  	v0 =	vor.u32 $0x1C000, v0;
	[tilespmem:$0x2D0] =	vst v63  }
0xf6: {  	s5 =	simm.s32 $0x200;
	[tilespmem:$0x2F0] =	vst v0  }
0xf7: {  	[tilespmem:s10], [sflag:$0x1] =	stream.indirect.gather [hbm4b:s1+s8], $0x60, s5, s8, $0xb8;
	[tilespmem:$0xC400] =	vst v63  }
0xf8: {  	s5 =	simm.s32 $0x220  }
0xf9: {  	[tilespmem:s12], [sflag:$0x1] =	stream.indirect.gather [hbm4b:s1+s8], $0x60, s5, s8, $0xb8;
	[tilespmem:$0xC400] =	vst v63  }
0xfa: {  	s5 =	simm.s32 $0x240  }
0xfb: {  	[tilespmem:s14], [sflag:$0x1] =	stream.indirect.gather [hbm4b:s1+s8], $0x60, s5, s8, $0xb8;
	[tilespmem:$0xC400] =	vst v63  }
0xfc: {  	s5 =	simm.s32 $0x260  }
0xfd: {  	[tilespmem:s16], [sflag:$0x1] =	stream.indirect.gather [hbm4b:s1+s8], $0x60, s5, s8, $0xb8;
	[tilespmem:$0xC400] =	vst v63  }
0xfe: {  	s5 =	simm.s32 $0x280  }
0xff: {  	[tilespmem:s18], [sflag:$0x1] =	stream.indirect.gather [hbm4b:s1+s8], $0x60, s5, s8, $0xb8;
	[tilespmem:$0xC400] =	vst v63  }
0x100: {  	s5 =	simm.s32 $0x2A0  }
0x101: {  	[tilespmem:s20], [sflag:$0x1] =	stream.indirect.gather [hbm4b:s1+s8], $0x60, s5, s8, $0xb8;
	[tilespmem:$0xC400] =	vst v63  }
0x102: {  	s5 =	simm.s32 $0x2C0  }
0x103: {  	[tilespmem:s22], [sflag:$0x1] =	stream.indirect.gather [hbm4b:s1+s8], $0x60, s5, s8, $0xb8;
	[tilespmem:$0xC400] =	vst v63  }
0x104: {  	s5 =	simm.s32 $0x2E0  }
0x105: {  	[tilespmem:s24], [sflag:$0x1] =	stream.indirect.gather [hbm4b:s1+s8], $0x60, s5, s8, $0xb8;
	[tilespmem:$0xC400] =	vst v63  }
.LBB2_4:
0x106: {  	_ =	swait.ge [sflag:s21], $0xC00  }
0x107: {  	[sflag:s21] =	ssyncset.done $0x0  }
0x108: {  	[sflag:s21] =	ssyncadd.s32 $0xFFFFF400  }
0x109: {  	_ =	swait.ge [sflag:s21], $0xC00  }
0x10a: {  	[sflag:s21] =	ssyncset.done $0x0  }
0x10b: {  	[sflag:s21] =	ssyncadd.s32 $0xFFFFF400  }
0x10c: {  	_ =	swait.ge [sflag:s21], $0xC00  }
0x10d: {  	[sflag:s21] =	ssyncset.done $0x0  }
0x10e: {  	[sflag:s21] =	ssyncadd.s32 $0xFFFFF400  }
0x10f: {  	_ =	swait.ge [sflag:s21], $0xC00  }
0x110: {  	[sflag:s21] =	ssyncset.done $0x0  }
0x111: {  	[sflag:s21] =	ssyncadd.s32 $0xFFFFF400  }
0x112: {  	_ =	swait.ge [sflag:s21], $0xC00  }
0x113: {  	[sflag:s21] =	ssyncset.done $0x0  }
0x114: {  	[sflag:s21] =	ssyncadd.s32 $0xFFFFF400  }
0x115: {  	_ =	swait.ge [sflag:s21], $0xC00  }
0x116: {  	[sflag:s21] =	ssyncset.done $0x0  }
0x117: {  	[sflag:s21] =	ssyncadd.s32 $0xFFFFF400  }
0x118: {  	_ =	swait.ge [sflag:s21], $0xC00  }
0x119: {  	[sflag:s21] =	ssyncset.done $0x0  }
0x11a: {  	[sflag:s21] =	ssyncadd.s32 $0xFFFFF400  }
0x11b: {  	_ =	swait.ge [sflag:s21], $0xC00  }
0x11c: {  	[sflag:s21] =	ssyncset.done $0x0  }
0x11d: {  	s5 =	sadd.s32 $0xC00, s3;
	[sflag:s21] =	ssyncadd.s32 $0xFFFFF400  }
0x11e: {  	[hbm4b:s5+s19] =	stream.strided.scatter [tilespmem:s26], [sflag:$0x4], $0xC00, s25, s19, $0x38;
	[tilespmem:$0xC400] =	vst v63  }
0x11f: {  	s5 =	sadd.s32 $0xC0C, s3  }
0x120: {  	[hbm4b:s5+s19] =	stream.strided.scatter [tilespmem:s29], [sflag:$0x4], $0xC00, s25, s19, $0x38;
	[tilespmem:$0xC400] =	vst v63  }
0x121: {  	s5 =	sadd.s32 $0xC18, s3  }
0x122: {  	[hbm4b:s5+s19] =	stream.strided.scatter [tilespmem:s31], [sflag:$0x4], $0xC00, s25, s19, $0x38;
	[tilespmem:$0xC400] =	vst v63  }
0x123: {  	s5 =	sadd.s32 $0xC24, s3  }
0x124: {  	[hbm4b:s5+s19] =	stream.strided.scatter [tilespmem:s2], [sflag:$0x4], $0xC00, s25, s19, $0x38;
	[tilespmem:$0xC400] =	vst v63  }
0x125: {  	s5 =	sadd.s32 $0xC30, s3  }
0x126: {  	[hbm4b:s5+s19] =	stream.strided.scatter [tilespmem:s4], [sflag:$0x4], $0xC00, s25, s19, $0x38;
	[tilespmem:$0xC400] =	vst v63  }
0x127: {  	s5 =	sadd.s32 $0xC3C, s3  }
0x128: {  	[hbm4b:s5+s19] =	stream.strided.scatter [tilespmem:s7], [sflag:$0x4], $0xC00, s25, s19, $0x38;
	[tilespmem:$0xC400] =	vst v63  }
.Ltmp3:
0x129: {  	_ = 	snop;
	(pc) =	sbr.rel @p0 .LBB2_6-.Ltmp3, $4  }
0x12a: {  	s5 =	sadd.s32 $0xC48, s3  }
0x12b: {  	[hbm4b:s5+s19] =	stream.strided.scatter [tilespmem:s11], [sflag:$0x4], $0xC00, s25, s19, $0x38;
	[tilespmem:$0xC400] =	vst v63  }
0x12c: {  	s5 =	sadd.s32 $0xC54, s3  }
0x12d: {  	[hbm4b:s5+s19] =	stream.strided.scatter [tilespmem:s15], [sflag:$0x4], $0xC00, s25, s19, $0x38;
	[tilespmem:$0xC400] =	vst v63  }
0x12e: {  	_ =	swait.ge [sflag:s28], $0xC00  }
0x12f: {  	[sflag:s28] =	ssyncset.done $0x0  }
0x130: {  	[sflag:s28] =	ssyncadd.s32 $0xFFFFF400  }
0x131: {  	_ =	swait.ge [sflag:s28], $0xC00  }
0x132: {  	[sflag:s28] =	ssyncset.done $0x0  }
0x133: {  	[sflag:s28] =	ssyncadd.s32 $0xFFFFF400  }
0x134: {  	_ =	swait.ge [sflag:s28], $0xC00  }
0x135: {  	[sflag:s28] =	ssyncset.done $0x0  }
0x136: {  	[sflag:s28] =	ssyncadd.s32 $0xFFFFF400  }
0x137: {  	_ =	swait.ge [sflag:s28], $0xC00  }
0x138: {  	[sflag:s28] =	ssyncset.done $0x0  }
0x139: {  	[sflag:s28] =	ssyncadd.s32 $0xFFFFF400  }
0x13a: {  	_ =	swait.ge [sflag:s28], $0xC00  }
0x13b: {  	[sflag:s28] =	ssyncset.done $0x0  }
0x13c: {  	[sflag:s28] =	ssyncadd.s32 $0xFFFFF400  }
0x13d: {  	_ =	swait.ge [sflag:s28], $0xC00  }
0x13e: {  	[sflag:s28] =	ssyncset.done $0x0  }
0x13f: {  	[sflag:s28] =	ssyncadd.s32 $0xFFFFF400  }
0x140: {  	_ =	swait.ge [sflag:s28], $0xC00  }
.Ltmp4:
0x141: {  	[sflag:s28] =	ssyncset.done $0x0;
	(pc) =	sbr.rel .LBB2_2-.Ltmp4, $4  }
0x142: {  	[sflag:s28] =	ssyncadd.s32 $0xFFFFF400  }
0x143: {  	_ =	swait.ge [sflag:s28], $0xC00  }
0x144: {  	[sflag:s28] =	ssyncset.done $0x0  }
0x145: {  	s0 =	sadd.s32 $0x1800, s0;
	s30 =	sadd.s32 $0x40, s30;
	[sflag:s28] =	ssyncadd.s32 $0xFFFFF400  }
.LBB2_7:
0x146: {  	_ =	sfence.sel $0x180000  }
0x147: {  	[bflag:$0x0] =	sbarrier.arrive $0xFFFF  }
0x148: {  	_ =	strace $0x90000047  }
0x149: {  	s0 =	stileid.u32;
	[bflag:$0x2] =	sbarrier.arrive $0xFFFF  }
0x14a: {  	p0 =	sne.s32 s0, $0x0;
	s0 =	rddreg [dreg:$0x3]  }
0x14b: {  	s0 =	sadd.s32 @!p0 $0x100000, s0  }
0x14c: {  	[sflag:s0] =	ssyncadd.tile.s32 @!p0 $0x1;
	_ =	shalt  }
.Lfunc_end2:
_tile_overlayer_lowered:
.L_overlay_start_2:
0x14d: {  	(tag) =	ssettag $0x2  }
0x14e: {  	s0 =	rddreg [dreg:$0x0];
	s2 =	stileid.u32  }
0x14f: {  	s1 =	rddreg [dreg:$0x1];
	p0 =	sne.s32 s2, $0x0  }
0x150: {  	s3 =	rddreg [dreg:$0x2];
	[bflag:$0x3] =	sbarrier.arrive $0xFFFF;
	s2 =	simm.s32 @!p0 $0x1C05  }
0x151: {  	[timem:s3], [sflag:s2] =	dma.local @!p0 [hbm:s0], s1  }
0x152: {  	s0 =	simm.s32 @!p0 $0x5  }
0x153: {  	_ =	swait.ge @!p0 [sflag:s0], s1  }
0x154: {  	s1 =	ssub.s32 @!p0 $0x0, s1;
	[sflag:s0] =	ssyncset.done @!p0 $0x0  }
0x155: {  	[sflag:s0] =	ssyncadd.s32 @!p0 s1  }
0x156: {  	[bflag:$0x3] =	sbarrier.arrive $0xFFFF  }
0x157: {  	_ =	shalt  }

</sc_bundles>
